<compile_context>
chip_gen: v7x
topology: tpu7x:2x2x1
jax: 0.10.2.dev20260603
libtpu: 0.0.44.dev20260713+nightly
codegen_flags: <defaults>
</compile_context>

<pallas_src>
import functools

import jax
import jax.numpy as jnp
from jax import lax
from jax.experimental import pallas as pl
from jax.experimental.pallas import tpu as pltpu
from jax.experimental.pallas import tpu_sc as plsc

N = 10000
NP = 10240
E = 320000
CH = 128
NCH = 2560
EP = NCH * CH
NTILE = 16
RPT = NP // NTILE
HALF = NP // 2
NPH = HALF
RPH = HALF // NTILE
CPT = NCH // NTILE

_MESH = dict(core_axis_name="c", subcore_axis_name="s")


def _gidx(idx_ref):
    return plsc.Indices(idx_ref, ignored_value=-1)


def _stream_spmm(xs_hbm, acc_sh, src_v, dst_v, gbufs, gsems, ssems, nch):
    del ssems
    gbuf0, gbuf1 = gbufs[0], gbufs[1]
    sem0, sem1 = gsems[0], gsems[1]
    pltpu.async_copy(xs_hbm.at[_gidx(src_v.at[0])], gbuf0, sem0)

    @pl.loop(0, nch // 2)
    def _(h):
        g0 = 2 * h
        pltpu.async_copy(xs_hbm.at[_gidx(src_v.at[g0 + 1])], gbuf1, sem1)
        pltpu.make_async_copy(xs_hbm.at[_gidx(src_v.at[g0])], gbuf0, sem0).wait()
        pltpu.sync_copy(gbuf0, acc_sh.at[_gidx(dst_v.at[g0])], add=True)

        @pl.when(g0 + 2 < nch)
        def _():
            pltpu.async_copy(xs_hbm.at[_gidx(src_v.at[g0 + 2])], gbuf0, sem0)

        pltpu.make_async_copy(xs_hbm.at[_gidx(src_v.at[g0 + 1])], gbuf1, sem1).wait()
        pltpu.sync_copy(gbuf1, acc_sh.at[_gidx(dst_v.at[g0 + 1])], add=True)


def _panel_sweep(xs_hbm, out_hbm, acc_sh, src_v, dst_v, gbufs,
                 gsems, ssems, c, s):
    obase = c * HALF + s * RPH
    abase = s * RPH
    pltpu.sync_copy(xs_hbm.at[pl.ds(obase, RPH)], acc_sh.at[pl.ds(abase, RPH)])
    plsc.subcore_barrier()
    _stream_spmm(xs_hbm, acc_sh, src_v, dst_v, gbufs, gsems, ssems, CPT)
    plsc.subcore_barrier()
    pltpu.sync_copy(acc_sh.at[pl.ds(abase, RPH)], out_hbm.at[pl.ds(obase, RPH)])
    plsc.subcore_barrier()


def _deg_body(dl0_hbm, dl1_hbm, deg_hbm, dst_v, ones_v, z_v, acc_sh, sem0):
    c = lax.axis_index("c")
    s = lax.axis_index("s")

    @pl.loop(0, CH)
    def _(i):
        for j in range(128 // 16):
            ones_v[i, pl.ds(j * 16, 16)] = jnp.ones((16,), jnp.float32)
            z_v[i, pl.ds(j * 16, 16)] = jnp.zeros((16,), jnp.float32)

    abase = s * RPH
    for r in range(RPH // CH):
        pltpu.sync_copy(z_v, acc_sh.at[pl.ds(abase + r * CH, CH)])
    rem = RPH % CH
    if rem:
        pltpu.sync_copy(z_v.at[pl.ds(0, rem)],
                        acc_sh.at[pl.ds(abase + RPH - rem, rem)])
    cb = s * CPT

    @pl.when(c == 0)
    def _():
        pltpu.sync_copy(dl0_hbm.at[pl.ds(cb, CPT)], dst_v)

    @pl.when(c == 1)
    def _():
        pltpu.sync_copy(dl1_hbm.at[pl.ds(cb, CPT)], dst_v)

    plsc.subcore_barrier()

    @pl.loop(0, CPT)
    def _(g):
        pltpu.sync_copy(ones_v, acc_sh.at[_gidx(dst_v.at[g])], add=True)

    plsc.subcore_barrier()
    pltpu.sync_copy(acc_sh.at[pl.ds(abase, RPH)],
                    deg_hbm.at[pl.ds(c * HALF + abase, RPH)])


def _l1_body(sl0_hbm, sl1_hbm, dl0_hbm, dl1_hbm, xsa_hbm, xsb_hbm,
             outa_hbm, outb_hbm,
             src_v, dst_v, gb0, gb1, gb2, acc_sh,
             gs0, gs1, gs2, ss0, ss1, ss2):
    c = lax.axis_index("c")
    s = lax.axis_index("s")
    cb = s * CPT
    gbufs = [gb0, gb1, gb2]
    gsems = [gs0, gs1, gs2]
    ssems = [ss0, ss1, ss2]

    def sweeps():
        _panel_sweep(xsa_hbm, outa_hbm, acc_sh, src_v, dst_v, gbufs,
                     gsems, ssems, c, s)
        _panel_sweep(xsb_hbm, outb_hbm, acc_sh, src_v, dst_v, gbufs,
                     gsems, ssems, c, s)

    @pl.when(c == 0)
    def _():
        pltpu.sync_copy(sl0_hbm.at[pl.ds(cb, CPT)], src_v)
        pltpu.sync_copy(dl0_hbm.at[pl.ds(cb, CPT)], dst_v)
        sweeps()

    @pl.when(c == 1)
    def _():
        pltpu.sync_copy(sl1_hbm.at[pl.ds(cb, CPT)], src_v)
        pltpu.sync_copy(dl1_hbm.at[pl.ds(cb, CPT)], dst_v)
        sweeps()


def _l2_body(sl0_hbm, sl1_hbm, dl0_hbm, dl1_hbm, xs_hbm, out_hbm,
             src_v, dst_v, gb0, gb1, gb2, acc_sh,
             gs0, gs1, gs2, ss0, ss1, ss2):
    c = lax.axis_index("c")
    s = lax.axis_index("s")
    cb = s * CPT
    gbufs = [gb0, gb1, gb2]
    gsems = [gs0, gs1, gs2]
    ssems = [ss0, ss1, ss2]

    @pl.when(c == 0)
    def _():
        pltpu.sync_copy(sl0_hbm.at[pl.ds(cb, CPT)], src_v)
        pltpu.sync_copy(dl0_hbm.at[pl.ds(cb, CPT)], dst_v)

    @pl.when(c == 1)
    def _():
        pltpu.sync_copy(sl1_hbm.at[pl.ds(cb, CPT)], src_v)
        pltpu.sync_copy(dl1_hbm.at[pl.ds(cb, CPT)], dst_v)

    _panel_sweep(xs_hbm, out_hbm, acc_sh, src_v, dst_v, gbufs,
                 gsems, ssems, c, s)


_deg_call = functools.partial(
    pl.kernel, _deg_body,
    out_type=jax.ShapeDtypeStruct((NP, 128), jnp.float32),
    mesh=plsc.VectorSubcoreMesh(**_MESH),
    scratch_types=[
        pltpu.VMEM((CPT, CH), jnp.int32),
        pltpu.VMEM((CH, 128), jnp.float32),
        pltpu.VMEM((CH, 128), jnp.float32),
        pltpu.VMEM_SHARED((NPH, 128), jnp.float32),
        pltpu.SemaphoreType.DMA,
    ],
)()

_spmm_scratch = (
    [pltpu.VMEM((CPT, CH), jnp.int32)] * 2
    + [pltpu.VMEM((CH, 128), jnp.float32)] * 3
    + [pltpu.VMEM_SHARED((NPH, 128), jnp.float32)]
    + [pltpu.SemaphoreType.DMA] * 6
)

_hbm128 = jax.ShapeDtypeStruct((NP, 128), jnp.float32)

_l1_call = functools.partial(
    pl.kernel, _l1_body,
    out_type=(_hbm128, _hbm128),
    mesh=plsc.VectorSubcoreMesh(**_MESH),
    scratch_types=_spmm_scratch,
)()

_l2_call = functools.partial(
    pl.kernel, _l2_body,
    out_type=_hbm128,
    mesh=plsc.VectorSubcoreMesh(**_MESH),
    scratch_types=_spmm_scratch,
)()


def _remap_body(src_ref, dst_ref, sl0_ref, sl1_ref, dl0_ref, dl1_ref):
    sr = src_ref[...]
    d = dst_ref[...]
    m0 = d < HALF
    m1 = jnp.logical_and(d >= HALF, d < N)
    neg = jnp.full_like(d, -1)
    sl0_ref[...] = jnp.where(m0, sr, neg)
    sl1_ref[...] = jnp.where(m1, sr, neg)
    dl0_ref[...] = jnp.where(m0, d, neg)
    dl1_ref[...] = jnp.where(m1, d - HALF, neg)


_remap_call = pl.pallas_call(
    _remap_body,
    grid=(NTILE,),
    in_specs=[pl.BlockSpec((CPT, CH), lambda i: (i, 0))] * 2,
    out_specs=[pl.BlockSpec((CPT, CH), lambda i: (i, 0))] * 4,
    out_shape=(jax.ShapeDtypeStruct((NCH, CH), jnp.int32),) * 4,
)


def _dinv(deg_ref):
    return lax.rsqrt(deg_ref[:, :1] + 1.0)


def _tc1_body(x_ref, deg_ref, wa_ref, wb_ref, oa_ref, ob_ref):
    dinv = _dinv(deg_ref)
    oa_ref[...] = dinv * jnp.dot(x_ref[...], wa_ref[...],
                                 preferred_element_type=jnp.float32)
    ob_ref[...] = dinv * jnp.dot(x_ref[...], wb_ref[...],
                                 preferred_element_type=jnp.float32)


def _tc2_body(aa_ref, ab_ref, deg_ref, b1a_ref, b1b_ref,
              w2a_ref, w2b_ref, o_ref):
    dinv = _dinv(deg_ref)
    h1a = jnp.maximum(dinv * aa_ref[...] + b1a_ref[...], 0.0)
    h1b = jnp.maximum(dinv * ab_ref[...] + b1b_ref[...], 0.0)
    o_ref[...] = dinv * (
        jnp.dot(h1a, w2a_ref[...], preferred_element_type=jnp.float32)
        + jnp.dot(h1b, w2b_ref[...], preferred_element_type=jnp.float32))


def _tc3_body(a_ref, deg_ref, b2_ref, o_ref):
    dinv = _dinv(deg_ref)
    o_ref[...] = jnp.maximum(dinv * a_ref[...] + b2_ref[...], 0.0)


_RB = 512
_GRID = (NP // _RB,)
_row = pl.BlockSpec((_RB, 128), lambda i: (i, 0))



def _const(shape):
    return pl.BlockSpec(shape, lambda i: tuple(0 for _ in shape))


_tc1_call = pl.pallas_call(
    _tc1_body,
    grid=_GRID,
    in_specs=[_row, _row, _const((128, 128)), _const((128, 128))],
    out_specs=[_row] * 2,
    out_shape=(_hbm128,) * 2,
)

_tc2_call = pl.pallas_call(
    _tc2_body,
    grid=_GRID,
    in_specs=[_row, _row, _row, _const((1, 128)), _const((1, 128)),
              _const((128, 128)), _const((128, 128))],
    out_specs=_row,
    out_shape=_hbm128,
)

_tc3_call = pl.pallas_call(
    _tc3_body,
    grid=_GRID,
    in_specs=[_row, _row, _const((1, 128))],
    out_specs=_row,
    out_shape=_hbm128,
)


def kernel(x, edge_index, idx, W1, b1, W2, b2):
    del idx
    src = edge_index[0].astype(jnp.int32)
    dst = edge_index[1].astype(jnp.int32)
    pad = jnp.full((EP - E,), N, dtype=jnp.int32)
    src2d = jnp.concatenate([src, pad]).reshape(NCH, CH)
    dst2d = jnp.concatenate([dst, pad]).reshape(NCH, CH)

    xpad = jnp.zeros((NP, 128), jnp.float32).at[:N].set(x)

    sl0, sl1, dl0, dl1 = _remap_call(src2d, dst2d)
    deg = _deg_call(dl0, dl1)

    xs1a, xs1b = _tc1_call(xpad, deg, W1[:, :128], W1[:, 128:])
    acc1a, acc1b = _l1_call(sl0, sl1, dl0, dl1, xs1a, xs1b)
    xs2 = _tc2_call(acc1a, acc1b, deg,
                    b1[:128].reshape(1, 128), b1[128:].reshape(1, 128),
                    W2[:128], W2[128:])
    acc2 = _l2_call(sl0, sl1, dl0, dl1, xs2)
    h = _tc3_call(acc2, deg, b2.reshape(1, 128))
    return h[:N]

# --- scband reference (transcript-rebuilt; emitter-appended) ---
"""Pipeline reference for scband-model-53446573031598 (READ-ONLY COPY).

The authoritative reference and input builder live on the scoring server;
editing this copy changes nothing except your own understanding.
"""

import jax, jax.numpy as jnp
import numpy as np

N_NODES = 10000
N_EDGES = 320000
IN_CH = 128
OUT_CH = 128
HID = 2 * OUT_CH


def gcn_conv(x, W, b, src, dst, edge_weight, n):
    # PyG GCNConv: add self-loops, symmetric normalization, linear transform, scatter-add aggregation
    loop = jnp.arange(n)
    src_f = jnp.concatenate([src, loop])
    dst_f = jnp.concatenate([dst, loop])
    ew = jnp.concatenate([edge_weight, jnp.ones((n,), dtype=x.dtype)])
    deg = jax.ops.segment_sum(ew, dst_f, num_segments=n)
    dinv = jnp.where(deg > 0, deg ** -0.5, 0.0)
    norm = dinv[src_f] * ew * dinv[dst_f]
    xw = x @ W
    msgs = norm[:, None] * jnp.take(xw, src_f, axis=0)
    out = jax.ops.segment_sum(msgs, dst_f, num_segments=n)
    return out + b


def setup_inputs(seed: int = 0) -> dict:
    key = jax.random.key(seed)
    k1, k2, k3, k4, k5, k6 = jax.random.split(key, 6)
    x = jax.random.normal(k1, (N_NODES, IN_CH), dtype=jnp.float32)
    edge_index = jax.random.randint(k2, (2, N_EDGES), 0, N_NODES, dtype=jnp.int64)
    W1 = jax.random.normal(k3, (IN_CH, HID), dtype=jnp.float32) * (1.0 / np.sqrt(IN_CH))
    b1 = jnp.zeros((HID,), dtype=jnp.float32)
    W2 = jax.random.normal(k4, (HID, OUT_CH), dtype=jnp.float32) * (1.0 / np.sqrt(HID))
    b2 = jnp.zeros((OUT_CH,), dtype=jnp.float32)
    return {"x": x, "edge_index": edge_index, "idx": 1, "W1": W1, "b1": b1, "W2": W2, "b2": b2}


def reference(x, edge_index, idx, W1, b1, W2, b2):
    # Model.forward -> Encoder.forward with pre_z1=None: simple k-layer GCN path
    n = x.shape[0]
    src = edge_index[0]
    dst = edge_index[1]
    edge_weight = jnp.ones((edge_index.shape[1],), dtype=jnp.float32)
    h = gcn_conv(x, W1, b1, src, dst, edge_weight, n)
    h = jax.nn.relu(h)
    h = gcn_conv(h, W2, b2, src, dst, edge_weight, n)
    h = jax.nn.relu(h)
    return h

if __name__ == "__main__":
    import jax
    _d = setup_inputs()
    print(jax.jit(kernel)(*tuple(_d.values())))

</pallas_src>

<mosaic_0001>
#map = affine_map<(d0, d1) -> (0, 0)>
module attributes {stable_mosaic.version = 14 : i64} {
  func.func @_l1_body(%arg0: i32, %arg1: i32, %arg2: memref<2560x128xi32, #tpu.memory_space<hbm>>, %arg3: memref<2560x128xi32, #tpu.memory_space<hbm>>, %arg4: memref<2560x128xi32, #tpu.memory_space<hbm>>, %arg5: memref<2560x128xi32, #tpu.memory_space<hbm>>, %arg6: memref<10240x128xf32, #tpu.memory_space<hbm>>, %arg7: memref<10240x128xf32, #tpu.memory_space<hbm>>, %arg8: memref<10240x128xf32, #tpu.memory_space<hbm>>, %arg9: memref<10240x128xf32, #tpu.memory_space<hbm>>, %arg10: memref<160x128xi32, #tpu.memory_space<vmem>>, %arg11: memref<160x128xi32, #tpu.memory_space<vmem>>, %arg12: memref<128x128xf32, #tpu.memory_space<vmem>>, %arg13: memref<128x128xf32, #tpu.memory_space<vmem>>, %arg14: memref<128x128xf32, #tpu.memory_space<vmem>>, %arg15: memref<5120x128xf32, #tpu.memory_space<vmem_shared>>, %arg16: memref<!tpu.dma_semaphore, #tpu.memory_space<semaphore_mem>>, %arg17: memref<!tpu.dma_semaphore, #tpu.memory_space<semaphore_mem>>, %arg18: memref<!tpu.dma_semaphore, #tpu.memory_space<semaphore_mem>>, %arg19: memref<!tpu.dma_semaphore, #tpu.memory_space<semaphore_mem>>, %arg20: memref<!tpu.dma_semaphore, #tpu.memory_space<semaphore_mem>>, %arg21: memref<!tpu.dma_semaphore, #tpu.memory_space<semaphore_mem>>) attributes {dimension_semantics = [#tpu.dimension_semantics<core_parallel>, #tpu.dimension_semantics<subcore_parallel>], iteration_bounds = array<i64: 2, 16>, scalar_prefetch = 0 : i64, scratch_operands = 12 : i64, tpu.core_type = #tpu.core_type<sc_vector_subcore>, window_params = [{transform_indices = #map}, {transform_indices = #map}, {transform_indices = #map}, {transform_indices = #map}, {transform_indices = #map}, {transform_indices = #map}, {transform_indices = #map}, {transform_indices = #map}]} {
    %mul3A = arith.constant 160 : i32
    %mul3A_0 = arith.muli %arg1, %mul3A : i32
    %eq3A = arith.constant 0 : i32
    %eq3A_1 = arith.cmpi eq, %arg0, %eq3A : i32
    %convert_element_type3A = arith.extui %eq3A_1 : i1 to i32
    %cond3A = arith.constant 0 : i32
    %cond3A_2 = arith.cmpi ne, %convert_element_type3A, %cond3A : i32
    scf.if %cond3A_2 {
      "tpu.region"() ({
        %run_scoped3A = tpu.sem_alloc : memref<!tpu.dma_semaphore, #tpu.memory_space<semaphore_mem>>
        %dma_start3A_50 = arith.constant 0 : i32
        %dma_start3A_51 = tpu.memref_slice %arg2[%mul3A_0, %dma_start3A_50] : memref<2560x128xi32, #tpu.memory_space<hbm>> -> memref<160x128xi32, #tpu.memory_space<hbm>>
        %dma_start3A_52 = arith.constant 0 : i32
        %dma_start3A_53 = tpu.memref_slice %arg2[%mul3A_0, %dma_start3A_52] : memref<2560x128xi32, #tpu.memory_space<hbm>> -> memref<160x128xi32, #tpu.memory_space<hbm>>
        tpu.enqueue_dma source(%dma_start3A_53 : memref<160x128xi32, #tpu.memory_space<hbm>>) target(%arg10 : memref<160x128xi32, #tpu.memory_space<vmem>>) target_semaphore(%run_scoped3A : memref<!tpu.dma_semaphore, #tpu.memory_space<semaphore_mem>>)
        %dma_wait3A = arith.constant 0 : i32
        %dma_wait3A_54 = tpu.memref_slice %arg2[%mul3A_0, %dma_wait3A] : memref<2560x128xi32, #tpu.memory_space<hbm>> -> memref<160x128xi32, #tpu.memory_space<hbm>>
        %dma_wait3A_55 = arith.constant 0 : i32
        %dma_wait3A_56 = tpu.memref_slice %arg2[%mul3A_0, %dma_wait3A_55] : memref<2560x128xi32, #tpu.memory_space<hbm>> -> memref<160x128xi32, #tpu.memory_space<hbm>>
        tpu.wait_dma2 semaphore(%run_scoped3A : memref<!tpu.dma_semaphore, #tpu.memory_space<semaphore_mem>>) src(%dma_wait3A_56 : memref<160x128xi32, #tpu.memory_space<hbm>>) dst(%arg10 : memref<160x128xi32, #tpu.memory_space<vmem>>)
        tpu.yield
      }) : () -> ()
      "tpu.region"() ({
        %run_scoped3A = tpu.sem_alloc : memref<!tpu.dma_semaphore, #tpu.memory_space<semaphore_mem>>
        %dma_start3A_50 = arith.constant 0 : i32
        %dma_start3A_51 = tpu.memref_slice %arg4[%mul3A_0, %dma_start3A_50] : memref<2560x128xi32, #tpu.memory_space<hbm>> -> memref<160x128xi32, #tpu.memory_space<hbm>>
        %dma_start3A_52 = arith.constant 0 : i32
        %dma_start3A_53 = tpu.memref_slice %arg4[%mul3A_0, %dma_start3A_52] : memref<2560x128xi32, #tpu.memory_space<hbm>> -> memref<160x128xi32, #tpu.memory_space<hbm>>
        tpu.enqueue_dma source(%dma_start3A_53 : memref<160x128xi32, #tpu.memory_space<hbm>>) target(%arg11 : memref<160x128xi32, #tpu.memory_space<vmem>>) target_semaphore(%run_scoped3A : memref<!tpu.dma_semaphore, #tpu.memory_space<semaphore_mem>>)
        %dma_wait3A = arith.constant 0 : i32
        %dma_wait3A_54 = tpu.memref_slice %arg4[%mul3A_0, %dma_wait3A] : memref<2560x128xi32, #tpu.memory_space<hbm>> -> memref<160x128xi32, #tpu.memory_space<hbm>>
        %dma_wait3A_55 = arith.constant 0 : i32
        %dma_wait3A_56 = tpu.memref_slice %arg4[%mul3A_0, %dma_wait3A_55] : memref<2560x128xi32, #tpu.memory_space<hbm>> -> memref<160x128xi32, #tpu.memory_space<hbm>>
        tpu.wait_dma2 semaphore(%run_scoped3A : memref<!tpu.dma_semaphore, #tpu.memory_space<semaphore_mem>>) src(%dma_wait3A_56 : memref<160x128xi32, #tpu.memory_space<hbm>>) dst(%arg11 : memref<160x128xi32, #tpu.memory_space<vmem>>)
        tpu.yield
      }) : () -> ()
      %mul3A_8 = arith.constant 5120 : i32
      %mul3A_9 = arith.muli %arg0, %mul3A_8 : i32
      %mul3A_10 = arith.constant 320 : i32
      %mul3A_11 = arith.muli %arg1, %mul3A_10 : i32
      %add3A = arith.addi %mul3A_9, %mul3A_11 : i32
      %mul3A_12 = arith.constant 320 : i32
      %mul3A_13 = arith.muli %arg1, %mul3A_12 : i32
      "tpu.region"() ({
        %run_scoped3A = tpu.sem_alloc : memref<!tpu.dma_semaphore, #tpu.memory_space<semaphore_mem>>
        %dma_start3A_50 = arith.constant 0 : i32
        %dma_start3A_51 = tpu.memref_slice %arg15[%mul3A_13, %dma_start3A_50] : memref<5120x128xf32, #tpu.memory_space<vmem_shared>> -> memref<320x128xf32, #tpu.memory_space<vmem_shared>>
        %dma_start3A_52 = arith.constant 0 : i32
        %dma_start3A_53 = tpu.memref_slice %arg6[%add3A, %dma_start3A_52] : memref<10240x128xf32, #tpu.memory_space<hbm>> -> memref<320x128xf32, #tpu.memory_space<hbm>>
        tpu.enqueue_dma source(%dma_start3A_53 : memref<320x128xf32, #tpu.memory_space<hbm>>) target(%dma_start3A_51 : memref<320x128xf32, #tpu.memory_space<vmem_shared>>) target_semaphore(%run_scoped3A : memref<!tpu.dma_semaphore, #tpu.memory_space<semaphore_mem>>)
        %dma_wait3A = arith.constant 0 : i32
        %dma_wait3A_54 = tpu.memref_slice %arg15[%mul3A_13, %dma_wait3A] : memref<5120x128xf32, #tpu.memory_space<vmem_shared>> -> memref<320x128xf32, #tpu.memory_space<vmem_shared>>
        %dma_wait3A_55 = arith.constant 0 : i32
        %dma_wait3A_56 = tpu.memref_slice %arg6[%add3A, %dma_wait3A_55] : memref<10240x128xf32, #tpu.memory_space<hbm>> -> memref<320x128xf32, #tpu.memory_space<hbm>>
        tpu.wait_dma2 semaphore(%run_scoped3A : memref<!tpu.dma_semaphore, #tpu.memory_space<semaphore_mem>>) src(%dma_wait3A_56 : memref<320x128xf32, #tpu.memory_space<hbm>>) dst(%dma_wait3A_54 : memref<320x128xf32, #tpu.memory_space<vmem_shared>>)
        tpu.yield
      }) : () -> ()
      %barrier3A = arith.constant 0 : index
      tpu.barrier barrier_id(%barrier3A)
      %dma_start3A = arith.constant 0 : i32
      %dma_start3A_14 = arith.constant 0 : i32
      %dma_start3A_15 = tpu.memref_slice %arg10[%dma_start3A, %dma_start3A_14] : memref<160x128xi32, #tpu.memory_space<vmem>> -> memref<1x128xi32, #tpu.memory_space<vmem>>
      %dma_start3A_16 = tpu.memref_squeeze %dma_start3A_15 : memref<1x128xi32, #tpu.memory_space<vmem>> -> memref<128xi32, #tpu.memory_space<vmem>>
      %dma_start3A_17 = arith.constant 0 : i32
      %dma_start3A_18 = arith.constant 0 : i32
      %dma_start3A_19 = tpu.memref_slice %arg6[%dma_start3A_17, %dma_start3A_18] : memref<10240x128xf32, #tpu.memory_space<hbm>> -> memref<10240x128xf32, #tpu.memory_space<hbm>>
      %dma_start3A_20 = arith.constant -1 : i32
      tpu.enqueue_indirect_dma source(%dma_start3A_19 : memref<10240x128xf32, #tpu.memory_space<hbm>>) target(%arg12 : memref<128x128xf32, #tpu.memory_space<vmem>>) offsets(%dma_start3A_16 : memref<128xi32, #tpu.memory_space<vmem>>) offset_filter(%dma_start3A_20) semaphore(%arg16 : memref<!tpu.dma_semaphore, #tpu.memory_space<semaphore_mem>>)
      %scan3A = arith.constant 0 : i32
      %scan3A_21 = arith.constant 80 : i32
      %scan3A_22 = arith.addi %scan3A, %scan3A_21 : i32
      %scan3A_23 = arith.constant 1 : i32
      scf.for %scan3A_50 = %scan3A to %scan3A_22 step %scan3A_23  : i32 {
        %mul3A_51 = arith.constant 1 : i32
        %mul3A_52 = arith.muli %scan3A_50, %mul3A_51 : i32
        %add3A_53 = arith.constant 0 : i32
        %add3A_54 = arith.addi %add3A_53, %mul3A_52 : i32
        %mul3A_55 = arith.constant 2 : i32
        %mul3A_56 = arith.muli %mul3A_55, %add3A_54 : i32
        %add3A_57 = arith.constant 1 : i32
        %add3A_58 = arith.addi %mul3A_56, %add3A_57 : i32
        %dma_start3A_59 = arith.constant 0 : i32
        %dma_start3A_60 = tpu.memref_slice %arg10[%add3A_58, %dma_start3A_59] : memref<160x128xi32, #tpu.memory_space<vmem>> -> memref<1x128xi32, #tpu.memory_space<vmem>>
        %dma_start3A_61 = tpu.memref_squeeze %dma_start3A_60 : memref<1x128xi32, #tpu.memory_space<vmem>> -> memref<128xi32, #tpu.memory_space<vmem>>
        %dma_start3A_62 = arith.constant 0 : i32
        %dma_start3A_63 = arith.constant 0 : i32
        %dma_start3A_64 = tpu.memref_slice %arg6[%dma_start3A_62, %dma_start3A_63] : memref<10240x128xf32, #tpu.memory_space<hbm>> -> memref<10240x128xf32, #tpu.memory_space<hbm>>
        %dma_start3A_65 = arith.constant -1 : i32
        tpu.enqueue_indirect_dma source(%dma_start3A_64 : memref<10240x128xf32, #tpu.memory_space<hbm>>) target(%arg13 : memref<128x128xf32, #tpu.memory_space<vmem>>) offsets(%dma_start3A_61 : memref<128xi32, #tpu.memory_space<vmem>>) offset_filter(%dma_start3A_65) semaphore(%arg17 : memref<!tpu.dma_semaphore, #tpu.memory_space<semaphore_mem>>)
        %dma_wait3A = arith.constant 0 : i32
        %dma_wait3A_66 = tpu.memref_slice %arg10[%mul3A_56, %dma_wait3A] : memref<160x128xi32, #tpu.memory_space<vmem>> -> memref<1x128xi32, #tpu.memory_space<vmem>>
        %dma_wait3A_67 = tpu.memref_squeeze %dma_wait3A_66 : memref<1x128xi32, #tpu.memory_space<vmem>> -> memref<128xi32, #tpu.memory_space<vmem>>
        %dma_wait3A_68 = arith.constant 0 : i32
        %dma_wait3A_69 = arith.constant 0 : i32
        %dma_wait3A_70 = tpu.memref_slice %arg6[%dma_wait3A_68, %dma_wait3A_69] : memref<10240x128xf32, #tpu.memory_space<hbm>> -> memref<10240x128xf32, #tpu.memory_space<hbm>>
        tpu.wait_indirect_dma semaphore(%arg16 : memref<!tpu.dma_semaphore, #tpu.memory_space<semaphore_mem>>) src(%dma_wait3A_70 : memref<10240x128xf32, #tpu.memory_space<hbm>>) dst(%arg12 : memref<128x128xf32, #tpu.memory_space<vmem>>)
        "tpu.region"() ({
          %run_scoped3A = tpu.sem_alloc : memref<!tpu.dma_semaphore, #tpu.memory_space<semaphore_mem>>
          %dma_start3A_87 = arith.constant 0 : i32
          %dma_start3A_88 = tpu.memref_slice %arg11[%mul3A_56, %dma_start3A_87] : memref<160x128xi32, #tpu.memory_space<vmem>> -> memref<1x128xi32, #tpu.memory_space<vmem>>
          %dma_start3A_89 = tpu.memref_squeeze %dma_start3A_88 : memref<1x128xi32, #tpu.memory_space<vmem>> -> memref<128xi32, #tpu.memory_space<vmem>>
          %dma_start3A_90 = arith.constant 0 : i32
          %dma_start3A_91 = arith.constant 0 : i32
          %dma_start3A_92 = tpu.memref_slice %arg15[%dma_start3A_90, %dma_start3A_91] : memref<5120x128xf32, #tpu.memory_space<vmem_shared>> -> memref<5120x128xf32, #tpu.memory_space<vmem_shared>>
          %dma_start3A_93 = arith.constant -1 : i32
          tpu.enqueue_indirect_dma source(%arg12 : memref<128x128xf32, #tpu.memory_space<vmem>>) target(%dma_start3A_92 : memref<5120x128xf32, #tpu.memory_space<vmem_shared>>) offsets(%dma_start3A_89 : memref<128xi32, #tpu.memory_space<vmem>>) offset_filter(%dma_start3A_93) semaphore(%run_scoped3A : memref<!tpu.dma_semaphore, #tpu.memory_space<semaphore_mem>>) {add = true}
          %dma_wait3A_94 = arith.constant 0 : i32
          %dma_wait3A_95 = tpu.memref_slice %arg11[%mul3A_56, %dma_wait3A_94] : memref<160x128xi32, #tpu.memory_space<vmem>> -> memref<1x128xi32, #tpu.memory_space<vmem>>
          %dma_wait3A_96 = tpu.memref_squeeze %dma_wait3A_95 : memref<1x128xi32, #tpu.memory_space<vmem>> -> memref<128xi32, #tpu.memory_space<vmem>>
          %dma_wait3A_97 = arith.constant 0 : i32
          %dma_wait3A_98 = arith.constant 0 : i32
          %dma_wait3A_99 = tpu.memref_slice %arg15[%dma_wait3A_97, %dma_wait3A_98] : memref<5120x128xf32, #tpu.memory_space<vmem_shared>> -> memref<5120x128xf32, #tpu.memory_space<vmem_shared>>
          tpu.wait_indirect_dma semaphore(%run_scoped3A : memref<!tpu.dma_semaphore, #tpu.memory_space<semaphore_mem>>) src(%arg12 : memref<128x128xf32, #tpu.memory_space<vmem>>) dst(%dma_wait3A_99 : memref<5120x128xf32, #tpu.memory_space<vmem_shared>>)
          tpu.yield
        }) : () -> ()
        %add3A_71 = arith.constant 2 : i32
        %add3A_72 = arith.addi %mul3A_56, %add3A_71 : i32
        %lt3A = arith.constant 160 : i32
        %lt3A_73 = arith.cmpi slt, %add3A_72, %lt3A : i32
        %convert_element_type3A_74 = arith.extui %lt3A_73 : i1 to i32
        %cond3A_75 = arith.constant 0 : i32
        %cond3A_76 = arith.cmpi ne, %convert_element_type3A_74, %cond3A_75 : i32
        scf.if %cond3A_76 {
          %add3A_87 = arith.constant 2 : i32
          %add3A_88 = arith.addi %mul3A_56, %add3A_87 : i32
          %dma_start3A_89 = arith.constant 0 : i32
          %dma_start3A_90 = tpu.memref_slice %arg10[%add3A_88, %dma_start3A_89] : memref<160x128xi32, #tpu.memory_space<vmem>> -> memref<1x128xi32, #tpu.memory_space<vmem>>
          %dma_start3A_91 = tpu.memref_squeeze %dma_start3A_90 : memref<1x128xi32, #tpu.memory_space<vmem>> -> memref<128xi32, #tpu.memory_space<vmem>>
          %dma_start3A_92 = arith.constant 0 : i32
          %dma_start3A_93 = arith.constant 0 : i32
          %dma_start3A_94 = tpu.memref_slice %arg6[%dma_start3A_92, %dma_start3A_93] : memref<10240x128xf32, #tpu.memory_space<hbm>> -> memref<10240x128xf32, #tpu.memory_space<hbm>>
          %dma_start3A_95 = arith.constant -1 : i32
          tpu.enqueue_indirect_dma source(%dma_start3A_94 : memref<10240x128xf32, #tpu.memory_space<hbm>>) target(%arg12 : memref<128x128xf32, #tpu.memory_space<vmem>>) offsets(%dma_start3A_91 : memref<128xi32, #tpu.memory_space<vmem>>) offset_filter(%dma_start3A_95) semaphore(%arg16 : memref<!tpu.dma_semaphore, #tpu.memory_space<semaphore_mem>>)
        } else {
        }
        %add3A_77 = arith.constant 1 : i32
        %add3A_78 = arith.addi %mul3A_56, %add3A_77 : i32
        %dma_wait3A_79 = arith.constant 0 : i32
        %dma_wait3A_80 = tpu.memref_slice %arg10[%add3A_78, %dma_wait3A_79] : memref<160x128xi32, #tpu.memory_space<vmem>> -> memref<1x128xi32, #tpu.memory_space<vmem>>
        %dma_wait3A_81 = tpu.memref_squeeze %dma_wait3A_80 : memref<1x128xi32, #tpu.memory_space<vmem>> -> memref<128xi32, #tpu.memory_space<vmem>>
        %dma_wait3A_82 = arith.constant 0 : i32
        %dma_wait3A_83 = arith.constant 0 : i32
        %dma_wait3A_84 = tpu.memref_slice %arg6[%dma_wait3A_82, %dma_wait3A_83] : memref<10240x128xf32, #tpu.memory_space<hbm>> -> memref<10240x128xf32, #tpu.memory_space<hbm>>
        tpu.wait_indirect_dma semaphore(%arg17 : memref<!tpu.dma_semaphore, #tpu.memory_space<semaphore_mem>>) src(%dma_wait3A_84 : memref<10240x128xf32, #tpu.memory_space<hbm>>) dst(%arg13 : memref<128x128xf32, #tpu.memory_space<vmem>>)
        %add3A_85 = arith.constant 1 : i32
        %add3A_86 = arith.addi %mul3A_56, %add3A_85 : i32
        "tpu.region"() ({
          %run_scoped3A = tpu.sem_alloc : memref<!tpu.dma_semaphore, #tpu.memory_space<semaphore_mem>>
          %dma_start3A_87 = arith.constant 0 : i32
          %dma_start3A_88 = tpu.memref_slice %arg11[%add3A_86, %dma_start3A_87] : memref<160x128xi32, #tpu.memory_space<vmem>> -> memref<1x128xi32, #tpu.memory_space<vmem>>
          %dma_start3A_89 = tpu.memref_squeeze %dma_start3A_88 : memref<1x128xi32, #tpu.memory_space<vmem>> -> memref<128xi32, #tpu.memory_space<vmem>>
          %dma_start3A_90 = arith.constant 0 : i32
          %dma_start3A_91 = arith.constant 0 : i32
          %dma_start3A_92 = tpu.memref_slice %arg15[%dma_start3A_90, %dma_start3A_91] : memref<5120x128xf32, #tpu.memory_space<vmem_shared>> -> memref<5120x128xf32, #tpu.memory_space<vmem_shared>>
          %dma_start3A_93 = arith.constant -1 : i32
          tpu.enqueue_indirect_dma source(%arg13 : memref<128x128xf32, #tpu.memory_space<vmem>>) target(%dma_start3A_92 : memref<5120x128xf32, #tpu.memory_space<vmem_shared>>) offsets(%dma_start3A_89 : memref<128xi32, #tpu.memory_space<vmem>>) offset_filter(%dma_start3A_93) semaphore(%run_scoped3A : memref<!tpu.dma_semaphore, #tpu.memory_space<semaphore_mem>>) {add = true}
          %dma_wait3A_94 = arith.constant 0 : i32
          %dma_wait3A_95 = tpu.memref_slice %arg11[%add3A_86, %dma_wait3A_94] : memref<160x128xi32, #tpu.memory_space<vmem>> -> memref<1x128xi32, #tpu.memory_space<vmem>>
          %dma_wait3A_96 = tpu.memref_squeeze %dma_wait3A_95 : memref<1x128xi32, #tpu.memory_space<vmem>> -> memref<128xi32, #tpu.memory_space<vmem>>
          %dma_wait3A_97 = arith.constant 0 : i32
          %dma_wait3A_98 = arith.constant 0 : i32
          %dma_wait3A_99 = tpu.memref_slice %arg15[%dma_wait3A_97, %dma_wait3A_98] : memref<5120x128xf32, #tpu.memory_space<vmem_shared>> -> memref<5120x128xf32, #tpu.memory_space<vmem_shared>>
          tpu.wait_indirect_dma semaphore(%run_scoped3A : memref<!tpu.dma_semaphore, #tpu.memory_space<semaphore_mem>>) src(%arg13 : memref<128x128xf32, #tpu.memory_space<vmem>>) dst(%dma_wait3A_99 : memref<5120x128xf32, #tpu.memory_space<vmem_shared>>)
          tpu.yield
        }) : () -> ()
      }
      %scan3A_24 = arith.constant 80 : i32
      %barrier3A_25 = arith.constant 0 : index
      tpu.barrier barrier_id(%barrier3A_25)
      "tpu.region"() ({
        %run_scoped3A = tpu.sem_alloc : memref<!tpu.dma_semaphore, #tpu.memory_space<semaphore_mem>>
        %dma_start3A_50 = arith.constant 0 : i32
        %dma_start3A_51 = tpu.memref_slice %arg8[%add3A, %dma_start3A_50] : memref<10240x128xf32, #tpu.memory_space<hbm>> -> memref<320x128xf32, #tpu.memory_space<hbm>>
        %dma_start3A_52 = arith.constant 0 : i32
        %dma_start3A_53 = tpu.memref_slice %arg15[%mul3A_13, %dma_start3A_52] : memref<5120x128xf32, #tpu.memory_space<vmem_shared>> -> memref<320x128xf32, #tpu.memory_space<vmem_shared>>
        tpu.enqueue_dma source(%dma_start3A_53 : memref<320x128xf32, #tpu.memory_space<vmem_shared>>) target(%dma_start3A_51 : memref<320x128xf32, #tpu.memory_space<hbm>>) target_semaphore(%run_scoped3A : memref<!tpu.dma_semaphore, #tpu.memory_space<semaphore_mem>>)
        %dma_wait3A = arith.constant 0 : i32
        %dma_wait3A_54 = tpu.memref_slice %arg8[%add3A, %dma_wait3A] : memref<10240x128xf32, #tpu.memory_space<hbm>> -> memref<320x128xf32, #tpu.memory_space<hbm>>
        %dma_wait3A_55 = arith.constant 0 : i32
        %dma_wait3A_56 = tpu.memref_slice %arg15[%mul3A_13, %dma_wait3A_55] : memref<5120x128xf32, #tpu.memory_space<vmem_shared>> -> memref<320x128xf32, #tpu.memory_space<vmem_shared>>
        tpu.wait_dma2 semaphore(%run_scoped3A : memref<!tpu.dma_semaphore, #tpu.memory_space<semaphore_mem>>) src(%dma_wait3A_56 : memref<320x128xf32, #tpu.memory_space<vmem_shared>>) dst(%dma_wait3A_54 : memref<320x128xf32, #tpu.memory_space<hbm>>)
        tpu.yield
      }) : () -> ()
      %barrier3A_26 = arith.constant 0 : index
      tpu.barrier barrier_id(%barrier3A_26)
      %mul3A_27 = arith.constant 5120 : i32
      %mul3A_28 = arith.muli %arg0, %mul3A_27 : i32
      %mul3A_29 = arith.constant 320 : i32
      %mul3A_30 = arith.muli %arg1, %mul3A_29 : i32
      %add3A_31 = arith.addi %mul3A_28, %mul3A_30 : i32
      %mul3A_32 = arith.constant 320 : i32
      %mul3A_33 = arith.muli %arg1, %mul3A_32 : i32
      "tpu.region"() ({
        %run_scoped3A = tpu.sem_alloc : memref<!tpu.dma_semaphore, #tpu.memory_space<semaphore_mem>>
        %dma_start3A_50 = arith.constant 0 : i32
        %dma_start3A_51 = tpu.memref_slice %arg15[%mul3A_33, %dma_start3A_50] : memref<5120x128xf32, #tpu.memory_space<vmem_shared>> -> memref<320x128xf32, #tpu.memory_space<vmem_shared>>
        %dma_start3A_52 = arith.constant 0 : i32
        %dma_start3A_53 = tpu.memref_slice %arg7[%add3A_31, %dma_start3A_52] : memref<10240x128xf32, #tpu.memory_space<hbm>> -> memref<320x128xf32, #tpu.memory_space<hbm>>
        tpu.enqueue_dma source(%dma_start3A_53 : memref<320x128xf32, #tpu.memory_space<hbm>>) target(%dma_start3A_51 : memref<320x128xf32, #tpu.memory_space<vmem_shared>>) target_semaphore(%run_scoped3A : memref<!tpu.dma_semaphore, #tpu.memory_space<semaphore_mem>>)
        %dma_wait3A = arith.constant 0 : i32
        %dma_wait3A_54 = tpu.memref_slice %arg15[%mul3A_33, %dma_wait3A] : memref<5120x128xf32, #tpu.memory_space<vmem_shared>> -> memref<320x128xf32, #tpu.memory_space<vmem_shared>>
        %dma_wait3A_55 = arith.constant 0 : i32
        %dma_wait3A_56 = tpu.memref_slice %arg7[%add3A_31, %dma_wait3A_55] : memref<10240x128xf32, #tpu.memory_space<hbm>> -> memref<320x128xf32, #tpu.memory_space<hbm>>
        tpu.wait_dma2 semaphore(%run_scoped3A : memref<!tpu.dma_semaphore, #tpu.memory_space<semaphore_mem>>) src(%dma_wait3A_56 : memref<320x128xf32, #tpu.memory_space<hbm>>) dst(%dma_wait3A_54 : memref<320x128xf32, #tpu.memory_space<vmem_shared>>)
        tpu.yield
      }) : () -> ()
      %barrier3A_34 = arith.constant 0 : index
      tpu.barrier barrier_id(%barrier3A_34)
      %dma_start3A_35 = arith.constant 0 : i32
      %dma_start3A_36 = arith.constant 0 : i32
      %dma_start3A_37 = tpu.memref_slice %arg10[%dma_start3A_35, %dma_start3A_36] : memref<160x128xi32, #tpu.memory_space<vmem>> -> memref<1x128xi32, #tpu.memory_space<vmem>>
      %dma_start3A_38 = tpu.memref_squeeze %dma_start3A_37 : memref<1x128xi32, #tpu.memory_space<vmem>> -> memref<128xi32, #tpu.memory_space<vmem>>
      %dma_start3A_39 = arith.constant 0 : i32
      %dma_start3A_40 = arith.constant 0 : i32
      %dma_start3A_41 = tpu.memref_slice %arg7[%dma_start3A_39, %dma_start3A_40] : memref<10240x128xf32, #tpu.memory_space<hbm>> -> memref<10240x128xf32, #tpu.memory_space<hbm>>
      %dma_start3A_42 = arith.constant -1 : i32
      tpu.enqueue_indirect_dma source(%dma_start3A_41 : memref<10240x128xf32, #tpu.memory_space<hbm>>) target(%arg12 : memref<128x128xf32, #tpu.memory_space<vmem>>) offsets(%dma_start3A_38 : memref<128xi32, #tpu.memory_space<vmem>>) offset_filter(%dma_start3A_42) semaphore(%arg16 : memref<!tpu.dma_semaphore, #tpu.memory_space<semaphore_mem>>)
      %scan3A_43 = arith.constant 0 : i32
      %scan3A_44 = arith.constant 80 : i32
      %scan3A_45 = arith.addi %scan3A_43, %scan3A_44 : i32
      %scan3A_46 = arith.constant 1 : i32
      scf.for %scan3A_50 = %scan3A_43 to %scan3A_45 step %scan3A_46  : i32 {
        %mul3A_51 = arith.constant 1 : i32
        %mul3A_52 = arith.muli %scan3A_50, %mul3A_51 : i32
        %add3A_53 = arith.constant 0 : i32
        %add3A_54 = arith.addi %add3A_53, %mul3A_52 : i32
        %mul3A_55 = arith.constant 2 : i32
        %mul3A_56 = arith.muli %mul3A_55, %add3A_54 : i32
        %add3A_57 = arith.constant 1 : i32
        %add3A_58 = arith.addi %mul3A_56, %add3A_57 : i32
        %dma_start3A_59 = arith.constant 0 : i32
        %dma_start3A_60 = tpu.memref_slice %arg10[%add3A_58, %dma_start3A_59] : memref<160x128xi32, #tpu.memory_space<vmem>> -> memref<1x128xi32, #tpu.memory_space<vmem>>
        %dma_start3A_61 = tpu.memref_squeeze %dma_start3A_60 : memref<1x128xi32, #tpu.memory_space<vmem>> -> memref<128xi32, #tpu.memory_space<vmem>>
        %dma_start3A_62 = arith.constant 0 : i32
        %dma_start3A_63 = arith.constant 0 : i32
        %dma_start3A_64 = tpu.memref_slice %arg7[%dma_start3A_62, %dma_start3A_63] : memref<10240x128xf32, #tpu.memory_space<hbm>> -> memref<10240x128xf32, #tpu.memory_space<hbm>>
        %dma_start3A_65 = arith.constant -1 : i32
        tpu.enqueue_indirect_dma source(%dma_start3A_64 : memref<10240x128xf32, #tpu.memory_space<hbm>>) target(%arg13 : memref<128x128xf32, #tpu.memory_space<vmem>>) offsets(%dma_start3A_61 : memref<128xi32, #tpu.memory_space<vmem>>) offset_filter(%dma_start3A_65) semaphore(%arg17 : memref<!tpu.dma_semaphore, #tpu.memory_space<semaphore_mem>>)
        %dma_wait3A = arith.constant 0 : i32
        %dma_wait3A_66 = tpu.memref_slice %arg10[%mul3A_56, %dma_wait3A] : memref<160x128xi32, #tpu.memory_space<vmem>> -> memref<1x128xi32, #tpu.memory_space<vmem>>
        %dma_wait3A_67 = tpu.memref_squeeze %dma_wait3A_66 : memref<1x128xi32, #tpu.memory_space<vmem>> -> memref<128xi32, #tpu.memory_space<vmem>>
        %dma_wait3A_68 = arith.constant 0 : i32
        %dma_wait3A_69 = arith.constant 0 : i32
        %dma_wait3A_70 = tpu.memref_slice %arg7[%dma_wait3A_68, %dma_wait3A_69] : memref<10240x128xf32, #tpu.memory_space<hbm>> -> memref<10240x128xf32, #tpu.memory_space<hbm>>
        tpu.wait_indirect_dma semaphore(%arg16 : memref<!tpu.dma_semaphore, #tpu.memory_space<semaphore_mem>>) src(%dma_wait3A_70 : memref<10240x128xf32, #tpu.memory_space<hbm>>) dst(%arg12 : memref<128x128xf32, #tpu.memory_space<vmem>>)
        "tpu.region"() ({
          %run_scoped3A = tpu.sem_alloc : memref<!tpu.dma_semaphore, #tpu.memory_space<semaphore_mem>>
          %dma_start3A_87 = arith.constant 0 : i32
          %dma_start3A_88 = tpu.memref_slice %arg11[%mul3A_56, %dma_start3A_87] : memref<160x128xi32, #tpu.memory_space<vmem>> -> memref<1x128xi32, #tpu.memory_space<vmem>>
          %dma_start3A_89 = tpu.memref_squeeze %dma_start3A_88 : memref<1x128xi32, #tpu.memory_space<vmem>> -> memref<128xi32, #tpu.memory_space<vmem>>
          %dma_start3A_90 = arith.constant 0 : i32
          %dma_start3A_91 = arith.constant 0 : i32
          %dma_start3A_92 = tpu.memref_slice %arg15[%dma_start3A_90, %dma_start3A_91] : memref<5120x128xf32, #tpu.memory_space<vmem_shared>> -> memref<5120x128xf32, #tpu.memory_space<vmem_shared>>
          %dma_start3A_93 = arith.constant -1 : i32
          tpu.enqueue_indirect_dma source(%arg12 : memref<128x128xf32, #tpu.memory_space<vmem>>) target(%dma_start3A_92 : memref<5120x128xf32, #tpu.memory_space<vmem_shared>>) offsets(%dma_start3A_89 : memref<128xi32, #tpu.memory_space<vmem>>) offset_filter(%dma_start3A_93) semaphore(%run_scoped3A : memref<!tpu.dma_semaphore, #tpu.memory_space<semaphore_mem>>) {add = true}
          %dma_wait3A_94 = arith.constant 0 : i32
          %dma_wait3A_95 = tpu.memref_slice %arg11[%mul3A_56, %dma_wait3A_94] : memref<160x128xi32, #tpu.memory_space<vmem>> -> memref<1x128xi32, #tpu.memory_space<vmem>>
          %dma_wait3A_96 = tpu.memref_squeeze %dma_wait3A_95 : memref<1x128xi32, #tpu.memory_space<vmem>> -> memref<128xi32, #tpu.memory_space<vmem>>
          %dma_wait3A_97 = arith.constant 0 : i32
          %dma_wait3A_98 = arith.constant 0 : i32
          %dma_wait3A_99 = tpu.memref_slice %arg15[%dma_wait3A_97, %dma_wait3A_98] : memref<5120x128xf32, #tpu.memory_space<vmem_shared>> -> memref<5120x128xf32, #tpu.memory_space<vmem_shared>>
          tpu.wait_indirect_dma semaphore(%run_scoped3A : memref<!tpu.dma_semaphore, #tpu.memory_space<semaphore_mem>>) src(%arg12 : memref<128x128xf32, #tpu.memory_space<vmem>>) dst(%dma_wait3A_99 : memref<5120x128xf32, #tpu.memory_space<vmem_shared>>)
          tpu.yield
        }) : () -> ()
        %add3A_71 = arith.constant 2 : i32
        %add3A_72 = arith.addi %mul3A_56, %add3A_71 : i32
        %lt3A = arith.constant 160 : i32
        %lt3A_73 = arith.cmpi slt, %add3A_72, %lt3A : i32
        %convert_element_type3A_74 = arith.extui %lt3A_73 : i1 to i32
        %cond3A_75 = arith.constant 0 : i32
        %cond3A_76 = arith.cmpi ne, %convert_element_type3A_74, %cond3A_75 : i32
        scf.if %cond3A_76 {
          %add3A_87 = arith.constant 2 : i32
          %add3A_88 = arith.addi %mul3A_56, %add3A_87 : i32
          %dma_start3A_89 = arith.constant 0 : i32
          %dma_start3A_90 = tpu.memref_slice %arg10[%add3A_88, %dma_start3A_89] : memref<160x128xi32, #tpu.memory_space<vmem>> -> memref<1x128xi32, #tpu.memory_space<vmem>>
          %dma_start3A_91 = tpu.memref_squeeze %dma_start3A_90 : memref<1x128xi32, #tpu.memory_space<vmem>> -> memref<128xi32, #tpu.memory_space<vmem>>
          %dma_start3A_92 = arith.constant 0 : i32
          %dma_start3A_93 = arith.constant 0 : i32
          %dma_start3A_94 = tpu.memref_slice %arg7[%dma_start3A_92, %dma_start3A_93] : memref<10240x128xf32, #tpu.memory_space<hbm>> -> memref<10240x128xf32, #tpu.memory_space<hbm>>
          %dma_start3A_95 = arith.constant -1 : i32
          tpu.enqueue_indirect_dma source(%dma_start3A_94 : memref<10240x128xf32, #tpu.memory_space<hbm>>) target(%arg12 : memref<128x128xf32, #tpu.memory_space<vmem>>) offsets(%dma_start3A_91 : memref<128xi32, #tpu.memory_space<vmem>>) offset_filter(%dma_start3A_95) semaphore(%arg16 : memref<!tpu.dma_semaphore, #tpu.memory_space<semaphore_mem>>)
        } else {
        }
        %add3A_77 = arith.constant 1 : i32
        %add3A_78 = arith.addi %mul3A_56, %add3A_77 : i32
        %dma_wait3A_79 = arith.constant 0 : i32
        %dma_wait3A_80 = tpu.memref_slice %arg10[%add3A_78, %dma_wait3A_79] : memref<160x128xi32, #tpu.memory_space<vmem>> -> memref<1x128xi32, #tpu.memory_space<vmem>>
        %dma_wait3A_81 = tpu.memref_squeeze %dma_wait3A_80 : memref<1x128xi32, #tpu.memory_space<vmem>> -> memref<128xi32, #tpu.memory_space<vmem>>
        %dma_wait3A_82 = arith.constant 0 : i32
        %dma_wait3A_83 = arith.constant 0 : i32
        %dma_wait3A_84 = tpu.memref_slice %arg7[%dma_wait3A_82, %dma_wait3A_83] : memref<10240x128xf32, #tpu.memory_space<hbm>> -> memref<10240x128xf32, #tpu.memory_space<hbm>>
        tpu.wait_indirect_dma semaphore(%arg17 : memref<!tpu.dma_semaphore, #tpu.memory_space<semaphore_mem>>) src(%dma_wait3A_84 : memref<10240x128xf32, #tpu.memory_space<hbm>>) dst(%arg13 : memref<128x128xf32, #tpu.memory_space<vmem>>)
        %add3A_85 = arith.constant 1 : i32
        %add3A_86 = arith.addi %mul3A_56, %add3A_85 : i32
        "tpu.region"() ({
          %run_scoped3A = tpu.sem_alloc : memref<!tpu.dma_semaphore, #tpu.memory_space<semaphore_mem>>
          %dma_start3A_87 = arith.constant 0 : i32
          %dma_start3A_88 = tpu.memref_slice %arg11[%add3A_86, %dma_start3A_87] : memref<160x128xi32, #tpu.memory_space<vmem>> -> memref<1x128xi32, #tpu.memory_space<vmem>>
          %dma_start3A_89 = tpu.memref_squeeze %dma_start3A_88 : memref<1x128xi32, #tpu.memory_space<vmem>> -> memref<128xi32, #tpu.memory_space<vmem>>
          %dma_start3A_90 = arith.constant 0 : i32
          %dma_start3A_91 = arith.constant 0 : i32
          %dma_start3A_92 = tpu.memref_slice %arg15[%dma_start3A_90, %dma_start3A_91] : memref<5120x128xf32, #tpu.memory_space<vmem_shared>> -> memref<5120x128xf32, #tpu.memory_space<vmem_shared>>
          %dma_start3A_93 = arith.constant -1 : i32
          tpu.enqueue_indirect_dma source(%arg13 : memref<128x128xf32, #tpu.memory_space<vmem>>) target(%dma_start3A_92 : memref<5120x128xf32, #tpu.memory_space<vmem_shared>>) offsets(%dma_start3A_89 : memref<128xi32, #tpu.memory_space<vmem>>) offset_filter(%dma_start3A_93) semaphore(%run_scoped3A : memref<!tpu.dma_semaphore, #tpu.memory_space<semaphore_mem>>) {add = true}
          %dma_wait3A_94 = arith.constant 0 : i32
          %dma_wait3A_95 = tpu.memref_slice %arg11[%add3A_86, %dma_wait3A_94] : memref<160x128xi32, #tpu.memory_space<vmem>> -> memref<1x128xi32, #tpu.memory_space<vmem>>
          %dma_wait3A_96 = tpu.memref_squeeze %dma_wait3A_95 : memref<1x128xi32, #tpu.memory_space<vmem>> -> memref<128xi32, #tpu.memory_space<vmem>>
          %dma_wait3A_97 = arith.constant 0 : i32
          %dma_wait3A_98 = arith.constant 0 : i32
          %dma_wait3A_99 = tpu.memref_slice %arg15[%dma_wait3A_97, %dma_wait3A_98] : memref<5120x128xf32, #tpu.memory_space<vmem_shared>> -> memref<5120x128xf32, #tpu.memory_space<vmem_shared>>
          tpu.wait_indirect_dma semaphore(%run_scoped3A : memref<!tpu.dma_semaphore, #tpu.memory_space<semaphore_mem>>) src(%arg13 : memref<128x128xf32, #tpu.memory_space<vmem>>) dst(%dma_wait3A_99 : memref<5120x128xf32, #tpu.memory_space<vmem_shared>>)
          tpu.yield
        }) : () -> ()
      }
      %scan3A_47 = arith.constant 80 : i32
      %barrier3A_48 = arith.constant 0 : index
      tpu.barrier barrier_id(%barrier3A_48)
      "tpu.region"() ({
        %run_scoped3A = tpu.sem_alloc : memref<!tpu.dma_semaphore, #tpu.memory_space<semaphore_mem>>
        %dma_start3A_50 = arith.constant 0 : i32
        %dma_start3A_51 = tpu.memref_slice %arg9[%add3A_31, %dma_start3A_50] : memref<10240x128xf32, #tpu.memory_space<hbm>> -> memref<320x128xf32, #tpu.memory_space<hbm>>
        %dma_start3A_52 = arith.constant 0 : i32
        %dma_start3A_53 = tpu.memref_slice %arg15[%mul3A_33, %dma_start3A_52] : memref<5120x128xf32, #tpu.memory_space<vmem_shared>> -> memref<320x128xf32, #tpu.memory_space<vmem_shared>>
        tpu.enqueue_dma source(%dma_start3A_53 : memref<320x128xf32, #tpu.memory_space<vmem_shared>>) target(%dma_start3A_51 : memref<320x128xf32, #tpu.memory_space<hbm>>) target_semaphore(%run_scoped3A : memref<!tpu.dma_semaphore, #tpu.memory_space<semaphore_mem>>)
        %dma_wait3A = arith.constant 0 : i32
        %dma_wait3A_54 = tpu.memref_slice %arg9[%add3A_31, %dma_wait3A] : memref<10240x128xf32, #tpu.memory_space<hbm>> -> memref<320x128xf32, #tpu.memory_space<hbm>>
        %dma_wait3A_55 = arith.constant 0 : i32
        %dma_wait3A_56 = tpu.memref_slice %arg15[%mul3A_33, %dma_wait3A_55] : memref<5120x128xf32, #tpu.memory_space<vmem_shared>> -> memref<320x128xf32, #tpu.memory_space<vmem_shared>>
        tpu.wait_dma2 semaphore(%run_scoped3A : memref<!tpu.dma_semaphore, #tpu.memory_space<semaphore_mem>>) src(%dma_wait3A_56 : memref<320x128xf32, #tpu.memory_space<vmem_shared>>) dst(%dma_wait3A_54 : memref<320x128xf32, #tpu.memory_space<hbm>>)
        tpu.yield
      }) : () -> ()
      %barrier3A_49 = arith.constant 0 : index
      tpu.barrier barrier_id(%barrier3A_49)
    } else {
    }
    %eq3A_3 = arith.constant 1 : i32
    %eq3A_4 = arith.cmpi eq, %arg0, %eq3A_3 : i32
    %convert_element_type3A_5 = arith.extui %eq3A_4 : i1 to i32
    %cond3A_6 = arith.constant 0 : i32
    %cond3A_7 = arith.cmpi ne, %convert_element_type3A_5, %cond3A_6 : i32
    scf.if %cond3A_7 {
      "tpu.region"() ({
        %run_scoped3A = tpu.sem_alloc : memref<!tpu.dma_semaphore, #tpu.memory_space<semaphore_mem>>
        %dma_start3A_50 = arith.constant 0 : i32
        %dma_start3A_51 = tpu.memref_slice %arg3[%mul3A_0, %dma_start3A_50] : memref<2560x128xi32, #tpu.memory_space<hbm>> -> memref<160x128xi32, #tpu.memory_space<hbm>>
        %dma_start3A_52 = arith.constant 0 : i32
        %dma_start3A_53 = tpu.memref_slice %arg3[%mul3A_0, %dma_start3A_52] : memref<2560x128xi32, #tpu.memory_space<hbm>> -> memref<160x128xi32, #tpu.memory_space<hbm>>
        tpu.enqueue_dma source(%dma_start3A_53 : memref<160x128xi32, #tpu.memory_space<hbm>>) target(%arg10 : memref<160x128xi32, #tpu.memory_space<vmem>>) target_semaphore(%run_scoped3A : memref<!tpu.dma_semaphore, #tpu.memory_space<semaphore_mem>>)
        %dma_wait3A = arith.constant 0 : i32
        %dma_wait3A_54 = tpu.memref_slice %arg3[%mul3A_0, %dma_wait3A] : memref<2560x128xi32, #tpu.memory_space<hbm>> -> memref<160x128xi32, #tpu.memory_space<hbm>>
        %dma_wait3A_55 = arith.constant 0 : i32
        %dma_wait3A_56 = tpu.memref_slice %arg3[%mul3A_0, %dma_wait3A_55] : memref<2560x128xi32, #tpu.memory_space<hbm>> -> memref<160x128xi32, #tpu.memory_space<hbm>>
        tpu.wait_dma2 semaphore(%run_scoped3A : memref<!tpu.dma_semaphore, #tpu.memory_space<semaphore_mem>>) src(%dma_wait3A_56 : memref<160x128xi32, #tpu.memory_space<hbm>>) dst(%arg10 : memref<160x128xi32, #tpu.memory_space<vmem>>)
        tpu.yield
      }) : () -> ()
      "tpu.region"() ({
        %run_scoped3A = tpu.sem_alloc : memref<!tpu.dma_semaphore, #tpu.memory_space<semaphore_mem>>
        %dma_start3A_50 = arith.constant 0 : i32
        %dma_start3A_51 = tpu.memref_slice %arg5[%mul3A_0, %dma_start3A_50] : memref<2560x128xi32, #tpu.memory_space<hbm>> -> memref<160x128xi32, #tpu.memory_space<hbm>>
        %dma_start3A_52 = arith.constant 0 : i32
        %dma_start3A_53 = tpu.memref_slice %arg5[%mul3A_0, %dma_start3A_52] : memref<2560x128xi32, #tpu.memory_space<hbm>> -> memref<160x128xi32, #tpu.memory_space<hbm>>
        tpu.enqueue_dma source(%dma_start3A_53 : memref<160x128xi32, #tpu.memory_space<hbm>>) target(%arg11 : memref<160x128xi32, #tpu.memory_space<vmem>>) target_semaphore(%run_scoped3A : memref<!tpu.dma_semaphore, #tpu.memory_space<semaphore_mem>>)
        %dma_wait3A = arith.constant 0 : i32
        %dma_wait3A_54 = tpu.memref_slice %arg5[%mul3A_0, %dma_wait3A] : memref<2560x128xi32, #tpu.memory_space<hbm>> -> memref<160x128xi32, #tpu.memory_space<hbm>>
        %dma_wait3A_55 = arith.constant 0 : i32
        %dma_wait3A_56 = tpu.memref_slice %arg5[%mul3A_0, %dma_wait3A_55] : memref<2560x128xi32, #tpu.memory_space<hbm>> -> memref<160x128xi32, #tpu.memory_space<hbm>>
        tpu.wait_dma2 semaphore(%run_scoped3A : memref<!tpu.dma_semaphore, #tpu.memory_space<semaphore_mem>>) src(%dma_wait3A_56 : memref<160x128xi32, #tpu.memory_space<hbm>>) dst(%arg11 : memref<160x128xi32, #tpu.memory_space<vmem>>)
        tpu.yield
      }) : () -> ()
      %mul3A_8 = arith.constant 5120 : i32
      %mul3A_9 = arith.muli %arg0, %mul3A_8 : i32
      %mul3A_10 = arith.constant 320 : i32
      %mul3A_11 = arith.muli %arg1, %mul3A_10 : i32
      %add3A = arith.addi %mul3A_9, %mul3A_11 : i32
      %mul3A_12 = arith.constant 320 : i32
      %mul3A_13 = arith.muli %arg1, %mul3A_12 : i32
      "tpu.region"() ({
        %run_scoped3A = tpu.sem_alloc : memref<!tpu.dma_semaphore, #tpu.memory_space<semaphore_mem>>
        %dma_start3A_50 = arith.constant 0 : i32
        %dma_start3A_51 = tpu.memref_slice %arg15[%mul3A_13, %dma_start3A_50] : memref<5120x128xf32, #tpu.memory_space<vmem_shared>> -> memref<320x128xf32, #tpu.memory_space<vmem_shared>>
        %dma_start3A_52 = arith.constant 0 : i32
        %dma_start3A_53 = tpu.memref_slice %arg6[%add3A, %dma_start3A_52] : memref<10240x128xf32, #tpu.memory_space<hbm>> -> memref<320x128xf32, #tpu.memory_space<hbm>>
        tpu.enqueue_dma source(%dma_start3A_53 : memref<320x128xf32, #tpu.memory_space<hbm>>) target(%dma_start3A_51 : memref<320x128xf32, #tpu.memory_space<vmem_shared>>) target_semaphore(%run_scoped3A : memref<!tpu.dma_semaphore, #tpu.memory_space<semaphore_mem>>)
        %dma_wait3A = arith.constant 0 : i32
        %dma_wait3A_54 = tpu.memref_slice %arg15[%mul3A_13, %dma_wait3A] : memref<5120x128xf32, #tpu.memory_space<vmem_shared>> -> memref<320x128xf32, #tpu.memory_space<vmem_shared>>
        %dma_wait3A_55 = arith.constant 0 : i32
        %dma_wait3A_56 = tpu.memref_slice %arg6[%add3A, %dma_wait3A_55] : memref<10240x128xf32, #tpu.memory_space<hbm>> -> memref<320x128xf32, #tpu.memory_space<hbm>>
        tpu.wait_dma2 semaphore(%run_scoped3A : memref<!tpu.dma_semaphore, #tpu.memory_space<semaphore_mem>>) src(%dma_wait3A_56 : memref<320x128xf32, #tpu.memory_space<hbm>>) dst(%dma_wait3A_54 : memref<320x128xf32, #tpu.memory_space<vmem_shared>>)
        tpu.yield
      }) : () -> ()
      %barrier3A = arith.constant 0 : index
      tpu.barrier barrier_id(%barrier3A)
      %dma_start3A = arith.constant 0 : i32
      %dma_start3A_14 = arith.constant 0 : i32
      %dma_start3A_15 = tpu.memref_slice %arg10[%dma_start3A, %dma_start3A_14] : memref<160x128xi32, #tpu.memory_space<vmem>> -> memref<1x128xi32, #tpu.memory_space<vmem>>
      %dma_start3A_16 = tpu.memref_squeeze %dma_start3A_15 : memref<1x128xi32, #tpu.memory_space<vmem>> -> memref<128xi32, #tpu.memory_space<vmem>>
      %dma_start3A_17 = arith.constant 0 : i32
      %dma_start3A_18 = arith.constant 0 : i32
      %dma_start3A_19 = tpu.memref_slice %arg6[%dma_start3A_17, %dma_start3A_18] : memref<10240x128xf32, #tpu.memory_space<hbm>> -> memref<10240x128xf32, #tpu.memory_space<hbm>>
      %dma_start3A_20 = arith.constant -1 : i32
      tpu.enqueue_indirect_dma source(%dma_start3A_19 : memref<10240x128xf32, #tpu.memory_space<hbm>>) target(%arg12 : memref<128x128xf32, #tpu.memory_space<vmem>>) offsets(%dma_start3A_16 : memref<128xi32, #tpu.memory_space<vmem>>) offset_filter(%dma_start3A_20) semaphore(%arg16 : memref<!tpu.dma_semaphore, #tpu.memory_space<semaphore_mem>>)
      %scan3A = arith.constant 0 : i32
      %scan3A_21 = arith.constant 80 : i32
      %scan3A_22 = arith.addi %scan3A, %scan3A_21 : i32
      %scan3A_23 = arith.constant 1 : i32
      scf.for %scan3A_50 = %scan3A to %scan3A_22 step %scan3A_23  : i32 {
        %mul3A_51 = arith.constant 1 : i32
        %mul3A_52 = arith.muli %scan3A_50, %mul3A_51 : i32
        %add3A_53 = arith.constant 0 : i32
        %add3A_54 = arith.addi %add3A_53, %mul3A_52 : i32
        %mul3A_55 = arith.constant 2 : i32
        %mul3A_56 = arith.muli %mul3A_55, %add3A_54 : i32
        %add3A_57 = arith.constant 1 : i32
        %add3A_58 = arith.addi %mul3A_56, %add3A_57 : i32
        %dma_start3A_59 = arith.constant 0 : i32
        %dma_start3A_60 = tpu.memref_slice %arg10[%add3A_58, %dma_start3A_59] : memref<160x128xi32, #tpu.memory_space<vmem>> -> memref<1x128xi32, #tpu.memory_space<vmem>>
        %dma_start3A_61 = tpu.memref_squeeze %dma_start3A_60 : memref<1x128xi32, #tpu.memory_space<vmem>> -> memref<128xi32, #tpu.memory_space<vmem>>
        %dma_start3A_62 = arith.constant 0 : i32
        %dma_start3A_63 = arith.constant 0 : i32
        %dma_start3A_64 = tpu.memref_slice %arg6[%dma_start3A_62, %dma_start3A_63] : memref<10240x128xf32, #tpu.memory_space<hbm>> -> memref<10240x128xf32, #tpu.memory_space<hbm>>
        %dma_start3A_65 = arith.constant -1 : i32
        tpu.enqueue_indirect_dma source(%dma_start3A_64 : memref<10240x128xf32, #tpu.memory_space<hbm>>) target(%arg13 : memref<128x128xf32, #tpu.memory_space<vmem>>) offsets(%dma_start3A_61 : memref<128xi32, #tpu.memory_space<vmem>>) offset_filter(%dma_start3A_65) semaphore(%arg17 : memref<!tpu.dma_semaphore, #tpu.memory_space<semaphore_mem>>)
        %dma_wait3A = arith.constant 0 : i32
        %dma_wait3A_66 = tpu.memref_slice %arg10[%mul3A_56, %dma_wait3A] : memref<160x128xi32, #tpu.memory_space<vmem>> -> memref<1x128xi32, #tpu.memory_space<vmem>>
        %dma_wait3A_67 = tpu.memref_squeeze %dma_wait3A_66 : memref<1x128xi32, #tpu.memory_space<vmem>> -> memref<128xi32, #tpu.memory_space<vmem>>
        %dma_wait3A_68 = arith.constant 0 : i32
        %dma_wait3A_69 = arith.constant 0 : i32
        %dma_wait3A_70 = tpu.memref_slice %arg6[%dma_wait3A_68, %dma_wait3A_69] : memref<10240x128xf32, #tpu.memory_space<hbm>> -> memref<10240x128xf32, #tpu.memory_space<hbm>>
        tpu.wait_indirect_dma semaphore(%arg16 : memref<!tpu.dma_semaphore, #tpu.memory_space<semaphore_mem>>) src(%dma_wait3A_70 : memref<10240x128xf32, #tpu.memory_space<hbm>>) dst(%arg12 : memref<128x128xf32, #tpu.memory_space<vmem>>)
        "tpu.region"() ({
          %run_scoped3A = tpu.sem_alloc : memref<!tpu.dma_semaphore, #tpu.memory_space<semaphore_mem>>
          %dma_start3A_87 = arith.constant 0 : i32
          %dma_start3A_88 = tpu.memref_slice %arg11[%mul3A_56, %dma_start3A_87] : memref<160x128xi32, #tpu.memory_space<vmem>> -> memref<1x128xi32, #tpu.memory_space<vmem>>
          %dma_start3A_89 = tpu.memref_squeeze %dma_start3A_88 : memref<1x128xi32, #tpu.memory_space<vmem>> -> memref<128xi32, #tpu.memory_space<vmem>>
          %dma_start3A_90 = arith.constant 0 : i32
          %dma_start3A_91 = arith.constant 0 : i32
          %dma_start3A_92 = tpu.memref_slice %arg15[%dma_start3A_90, %dma_start3A_91] : memref<5120x128xf32, #tpu.memory_space<vmem_shared>> -> memref<5120x128xf32, #tpu.memory_space<vmem_shared>>
          %dma_start3A_93 = arith.constant -1 : i32
          tpu.enqueue_indirect_dma source(%arg12 : memref<128x128xf32, #tpu.memory_space<vmem>>) target(%dma_start3A_92 : memref<5120x128xf32, #tpu.memory_space<vmem_shared>>) offsets(%dma_start3A_89 : memref<128xi32, #tpu.memory_space<vmem>>) offset_filter(%dma_start3A_93) semaphore(%run_scoped3A : memref<!tpu.dma_semaphore, #tpu.memory_space<semaphore_mem>>) {add = true}
          %dma_wait3A_94 = arith.constant 0 : i32
          %dma_wait3A_95 = tpu.memref_slice %arg11[%mul3A_56, %dma_wait3A_94] : memref<160x128xi32, #tpu.memory_space<vmem>> -> memref<1x128xi32, #tpu.memory_space<vmem>>
          %dma_wait3A_96 = tpu.memref_squeeze %dma_wait3A_95 : memref<1x128xi32, #tpu.memory_space<vmem>> -> memref<128xi32, #tpu.memory_space<vmem>>
          %dma_wait3A_97 = arith.constant 0 : i32
          %dma_wait3A_98 = arith.constant 0 : i32
          %dma_wait3A_99 = tpu.memref_slice %arg15[%dma_wait3A_97, %dma_wait3A_98] : memref<5120x128xf32, #tpu.memory_space<vmem_shared>> -> memref<5120x128xf32, #tpu.memory_space<vmem_shared>>
          tpu.wait_indirect_dma semaphore(%run_scoped3A : memref<!tpu.dma_semaphore, #tpu.memory_space<semaphore_mem>>) src(%arg12 : memref<128x128xf32, #tpu.memory_space<vmem>>) dst(%dma_wait3A_99 : memref<5120x128xf32, #tpu.memory_space<vmem_shared>>)
          tpu.yield
        }) : () -> ()
        %add3A_71 = arith.constant 2 : i32
        %add3A_72 = arith.addi %mul3A_56, %add3A_71 : i32
        %lt3A = arith.constant 160 : i32
        %lt3A_73 = arith.cmpi slt, %add3A_72, %lt3A : i32
        %convert_element_type3A_74 = arith.extui %lt3A_73 : i1 to i32
        %cond3A_75 = arith.constant 0 : i32
        %cond3A_76 = arith.cmpi ne, %convert_element_type3A_74, %cond3A_75 : i32
        scf.if %cond3A_76 {
          %add3A_87 = arith.constant 2 : i32
          %add3A_88 = arith.addi %mul3A_56, %add3A_87 : i32
          %dma_start3A_89 = arith.constant 0 : i32
          %dma_start3A_90 = tpu.memref_slice %arg10[%add3A_88, %dma_start3A_89] : memref<160x128xi32, #tpu.memory_space<vmem>> -> memref<1x128xi32, #tpu.memory_space<vmem>>
          %dma_start3A_91 = tpu.memref_squeeze %dma_start3A_90 : memref<1x128xi32, #tpu.memory_space<vmem>> -> memref<128xi32, #tpu.memory_space<vmem>>
          %dma_start3A_92 = arith.constant 0 : i32
          %dma_start3A_93 = arith.constant 0 : i32
          %dma_start3A_94 = tpu.memref_slice %arg6[%dma_start3A_92, %dma_start3A_93] : memref<10240x128xf32, #tpu.memory_space<hbm>> -> memref<10240x128xf32, #tpu.memory_space<hbm>>
          %dma_start3A_95 = arith.constant -1 : i32
          tpu.enqueue_indirect_dma source(%dma_start3A_94 : memref<10240x128xf32, #tpu.memory_space<hbm>>) target(%arg12 : memref<128x128xf32, #tpu.memory_space<vmem>>) offsets(%dma_start3A_91 : memref<128xi32, #tpu.memory_space<vmem>>) offset_filter(%dma_start3A_95) semaphore(%arg16 : memref<!tpu.dma_semaphore, #tpu.memory_space<semaphore_mem>>)
        } else {
        }
        %add3A_77 = arith.constant 1 : i32
        %add3A_78 = arith.addi %mul3A_56, %add3A_77 : i32
        %dma_wait3A_79 = arith.constant 0 : i32
        %dma_wait3A_80 = tpu.memref_slice %arg10[%add3A_78, %dma_wait3A_79] : memref<160x128xi32, #tpu.memory_space<vmem>> -> memref<1x128xi32, #tpu.memory_space<vmem>>
        %dma_wait3A_81 = tpu.memref_squeeze %dma_wait3A_80 : memref<1x128xi32, #tpu.memory_space<vmem>> -> memref<128xi32, #tpu.memory_space<vmem>>
        %dma_wait3A_82 = arith.constant 0 : i32
        %dma_wait3A_83 = arith.constant 0 : i32
        %dma_wait3A_84 = tpu.memref_slice %arg6[%dma_wait3A_82, %dma_wait3A_83] : memref<10240x128xf32, #tpu.memory_space<hbm>> -> memref<10240x128xf32, #tpu.memory_space<hbm>>
        tpu.wait_indirect_dma semaphore(%arg17 : memref<!tpu.dma_semaphore, #tpu.memory_space<semaphore_mem>>) src(%dma_wait3A_84 : memref<10240x128xf32, #tpu.memory_space<hbm>>) dst(%arg13 : memref<128x128xf32, #tpu.memory_space<vmem>>)
        %add3A_85 = arith.constant 1 : i32
        %add3A_86 = arith.addi %mul3A_56, %add3A_85 : i32
        "tpu.region"() ({
          %run_scoped3A = tpu.sem_alloc : memref<!tpu.dma_semaphore, #tpu.memory_space<semaphore_mem>>
          %dma_start3A_87 = arith.constant 0 : i32
          %dma_start3A_88 = tpu.memref_slice %arg11[%add3A_86, %dma_start3A_87] : memref<160x128xi32, #tpu.memory_space<vmem>> -> memref<1x128xi32, #tpu.memory_space<vmem>>
          %dma_start3A_89 = tpu.memref_squeeze %dma_start3A_88 : memref<1x128xi32, #tpu.memory_space<vmem>> -> memref<128xi32, #tpu.memory_space<vmem>>
          %dma_start3A_90 = arith.constant 0 : i32
          %dma_start3A_91 = arith.constant 0 : i32
          %dma_start3A_92 = tpu.memref_slice %arg15[%dma_start3A_90, %dma_start3A_91] : memref<5120x128xf32, #tpu.memory_space<vmem_shared>> -> memref<5120x128xf32, #tpu.memory_space<vmem_shared>>
          %dma_start3A_93 = arith.constant -1 : i32
          tpu.enqueue_indirect_dma source(%arg13 : memref<128x128xf32, #tpu.memory_space<vmem>>) target(%dma_start3A_92 : memref<5120x128xf32, #tpu.memory_space<vmem_shared>>) offsets(%dma_start3A_89 : memref<128xi32, #tpu.memory_space<vmem>>) offset_filter(%dma_start3A_93) semaphore(%run_scoped3A : memref<!tpu.dma_semaphore, #tpu.memory_space<semaphore_mem>>) {add = true}
          %dma_wait3A_94 = arith.constant 0 : i32
          %dma_wait3A_95 = tpu.memref_slice %arg11[%add3A_86, %dma_wait3A_94] : memref<160x128xi32, #tpu.memory_space<vmem>> -> memref<1x128xi32, #tpu.memory_space<vmem>>
          %dma_wait3A_96 = tpu.memref_squeeze %dma_wait3A_95 : memref<1x128xi32, #tpu.memory_space<vmem>> -> memref<128xi32, #tpu.memory_space<vmem>>
          %dma_wait3A_97 = arith.constant 0 : i32
          %dma_wait3A_98 = arith.constant 0 : i32
          %dma_wait3A_99 = tpu.memref_slice %arg15[%dma_wait3A_97, %dma_wait3A_98] : memref<5120x128xf32, #tpu.memory_space<vmem_shared>> -> memref<5120x128xf32, #tpu.memory_space<vmem_shared>>
          tpu.wait_indirect_dma semaphore(%run_scoped3A : memref<!tpu.dma_semaphore, #tpu.memory_space<semaphore_mem>>) src(%arg13 : memref<128x128xf32, #tpu.memory_space<vmem>>) dst(%dma_wait3A_99 : memref<5120x128xf32, #tpu.memory_space<vmem_shared>>)
          tpu.yield
        }) : () -> ()
      }
      %scan3A_24 = arith.constant 80 : i32
      %barrier3A_25 = arith.constant 0 : index
      tpu.barrier barrier_id(%barrier3A_25)
      "tpu.region"() ({
        %run_scoped3A = tpu.sem_alloc : memref<!tpu.dma_semaphore, #tpu.memory_space<semaphore_mem>>
        %dma_start3A_50 = arith.constant 0 : i32
        %dma_start3A_51 = tpu.memref_slice %arg8[%add3A, %dma_start3A_50] : memref<10240x128xf32, #tpu.memory_space<hbm>> -> memref<320x128xf32, #tpu.memory_space<hbm>>
        %dma_start3A_52 = arith.constant 0 : i32
        %dma_start3A_53 = tpu.memref_slice %arg15[%mul3A_13, %dma_start3A_52] : memref<5120x128xf32, #tpu.memory_space<vmem_shared>> -> memref<320x128xf32, #tpu.memory_space<vmem_shared>>
        tpu.enqueue_dma source(%dma_start3A_53 : memref<320x128xf32, #tpu.memory_space<vmem_shared>>) target(%dma_start3A_51 : memref<320x128xf32, #tpu.memory_space<hbm>>) target_semaphore(%run_scoped3A : memref<!tpu.dma_semaphore, #tpu.memory_space<semaphore_mem>>)
        %dma_wait3A = arith.constant 0 : i32
        %dma_wait3A_54 = tpu.memref_slice %arg8[%add3A, %dma_wait3A] : memref<10240x128xf32, #tpu.memory_space<hbm>> -> memref<320x128xf32, #tpu.memory_space<hbm>>
        %dma_wait3A_55 = arith.constant 0 : i32
        %dma_wait3A_56 = tpu.memref_slice %arg15[%mul3A_13, %dma_wait3A_55] : memref<5120x128xf32, #tpu.memory_space<vmem_shared>> -> memref<320x128xf32, #tpu.memory_space<vmem_shared>>
        tpu.wait_dma2 semaphore(%run_scoped3A : memref<!tpu.dma_semaphore, #tpu.memory_space<semaphore_mem>>) src(%dma_wait3A_56 : memref<320x128xf32, #tpu.memory_space<vmem_shared>>) dst(%dma_wait3A_54 : memref<320x128xf32, #tpu.memory_space<hbm>>)
        tpu.yield
      }) : () -> ()
      %barrier3A_26 = arith.constant 0 : index
      tpu.barrier barrier_id(%barrier3A_26)
      %mul3A_27 = arith.constant 5120 : i32
      %mul3A_28 = arith.muli %arg0, %mul3A_27 : i32
      %mul3A_29 = arith.constant 320 : i32
      %mul3A_30 = arith.muli %arg1, %mul3A_29 : i32
      %add3A_31 = arith.addi %mul3A_28, %mul3A_30 : i32
      %mul3A_32 = arith.constant 320 : i32
      %mul3A_33 = arith.muli %arg1, %mul3A_32 : i32
      "tpu.region"() ({
        %run_scoped3A = tpu.sem_alloc : memref<!tpu.dma_semaphore, #tpu.memory_space<semaphore_mem>>
        %dma_start3A_50 = arith.constant 0 : i32
        %dma_start3A_51 = tpu.memref_slice %arg15[%mul3A_33, %dma_start3A_50] : memref<5120x128xf32, #tpu.memory_space<vmem_shared>> -> memref<320x128xf32, #tpu.memory_space<vmem_shared>>
        %dma_start3A_52 = arith.constant 0 : i32
        %dma_start3A_53 = tpu.memref_slice %arg7[%add3A_31, %dma_start3A_52] : memref<10240x128xf32, #tpu.memory_space<hbm>> -> memref<320x128xf32, #tpu.memory_space<hbm>>
        tpu.enqueue_dma source(%dma_start3A_53 : memref<320x128xf32, #tpu.memory_space<hbm>>) target(%dma_start3A_51 : memref<320x128xf32, #tpu.memory_space<vmem_shared>>) target_semaphore(%run_scoped3A : memref<!tpu.dma_semaphore, #tpu.memory_space<semaphore_mem>>)
        %dma_wait3A = arith.constant 0 : i32
        %dma_wait3A_54 = tpu.memref_slice %arg15[%mul3A_33, %dma_wait3A] : memref<5120x128xf32, #tpu.memory_space<vmem_shared>> -> memref<320x128xf32, #tpu.memory_space<vmem_shared>>
        %dma_wait3A_55 = arith.constant 0 : i32
        %dma_wait3A_56 = tpu.memref_slice %arg7[%add3A_31, %dma_wait3A_55] : memref<10240x128xf32, #tpu.memory_space<hbm>> -> memref<320x128xf32, #tpu.memory_space<hbm>>
        tpu.wait_dma2 semaphore(%run_scoped3A : memref<!tpu.dma_semaphore, #tpu.memory_space<semaphore_mem>>) src(%dma_wait3A_56 : memref<320x128xf32, #tpu.memory_space<hbm>>) dst(%dma_wait3A_54 : memref<320x128xf32, #tpu.memory_space<vmem_shared>>)
        tpu.yield
      }) : () -> ()
      %barrier3A_34 = arith.constant 0 : index
      tpu.barrier barrier_id(%barrier3A_34)
      %dma_start3A_35 = arith.constant 0 : i32
      %dma_start3A_36 = arith.constant 0 : i32
      %dma_start3A_37 = tpu.memref_slice %arg10[%dma_start3A_35, %dma_start3A_36] : memref<160x128xi32, #tpu.memory_space<vmem>> -> memref<1x128xi32, #tpu.memory_space<vmem>>
      %dma_start3A_38 = tpu.memref_squeeze %dma_start3A_37 : memref<1x128xi32, #tpu.memory_space<vmem>> -> memref<128xi32, #tpu.memory_space<vmem>>
      %dma_start3A_39 = arith.constant 0 : i32
      %dma_start3A_40 = arith.constant 0 : i32
      %dma_start3A_41 = tpu.memref_slice %arg7[%dma_start3A_39, %dma_start3A_40] : memref<10240x128xf32, #tpu.memory_space<hbm>> -> memref<10240x128xf32, #tpu.memory_space<hbm>>
      %dma_start3A_42 = arith.constant -1 : i32
      tpu.enqueue_indirect_dma source(%dma_start3A_41 : memref<10240x128xf32, #tpu.memory_space<hbm>>) target(%arg12 : memref<128x128xf32, #tpu.memory_space<vmem>>) offsets(%dma_start3A_38 : memref<128xi32, #tpu.memory_space<vmem>>) offset_filter(%dma_start3A_42) semaphore(%arg16 : memref<!tpu.dma_semaphore, #tpu.memory_space<semaphore_mem>>)
      %scan3A_43 = arith.constant 0 : i32
      %scan3A_44 = arith.constant 80 : i32
      %scan3A_45 = arith.addi %scan3A_43, %scan3A_44 : i32
      %scan3A_46 = arith.constant 1 : i32
      scf.for %scan3A_50 = %scan3A_43 to %scan3A_45 step %scan3A_46  : i32 {
        %mul3A_51 = arith.constant 1 : i32
        %mul3A_52 = arith.muli %scan3A_50, %mul3A_51 : i32
        %add3A_53 = arith.constant 0 : i32
        %add3A_54 = arith.addi %add3A_53, %mul3A_52 : i32
        %mul3A_55 = arith.constant 2 : i32
        %mul3A_56 = arith.muli %mul3A_55, %add3A_54 : i32
        %add3A_57 = arith.constant 1 : i32
        %add3A_58 = arith.addi %mul3A_56, %add3A_57 : i32
        %dma_start3A_59 = arith.constant 0 : i32
        %dma_start3A_60 = tpu.memref_slice %arg10[%add3A_58, %dma_start3A_59] : memref<160x128xi32, #tpu.memory_space<vmem>> -> memref<1x128xi32, #tpu.memory_space<vmem>>
        %dma_start3A_61 = tpu.memref_squeeze %dma_start3A_60 : memref<1x128xi32, #tpu.memory_space<vmem>> -> memref<128xi32, #tpu.memory_space<vmem>>
        %dma_start3A_62 = arith.constant 0 : i32
        %dma_start3A_63 = arith.constant 0 : i32
        %dma_start3A_64 = tpu.memref_slice %arg7[%dma_start3A_62, %dma_start3A_63] : memref<10240x128xf32, #tpu.memory_space<hbm>> -> memref<10240x128xf32, #tpu.memory_space<hbm>>
        %dma_start3A_65 = arith.constant -1 : i32
        tpu.enqueue_indirect_dma source(%dma_start3A_64 : memref<10240x128xf32, #tpu.memory_space<hbm>>) target(%arg13 : memref<128x128xf32, #tpu.memory_space<vmem>>) offsets(%dma_start3A_61 : memref<128xi32, #tpu.memory_space<vmem>>) offset_filter(%dma_start3A_65) semaphore(%arg17 : memref<!tpu.dma_semaphore, #tpu.memory_space<semaphore_mem>>)
        %dma_wait3A = arith.constant 0 : i32
        %dma_wait3A_66 = tpu.memref_slice %arg10[%mul3A_56, %dma_wait3A] : memref<160x128xi32, #tpu.memory_space<vmem>> -> memref<1x128xi32, #tpu.memory_space<vmem>>
        %dma_wait3A_67 = tpu.memref_squeeze %dma_wait3A_66 : memref<1x128xi32, #tpu.memory_space<vmem>> -> memref<128xi32, #tpu.memory_space<vmem>>
        %dma_wait3A_68 = arith.constant 0 : i32
        %dma_wait3A_69 = arith.constant 0 : i32
        %dma_wait3A_70 = tpu.memref_slice %arg7[%dma_wait3A_68, %dma_wait3A_69] : memref<10240x128xf32, #tpu.memory_space<hbm>> -> memref<10240x128xf32, #tpu.memory_space<hbm>>
        tpu.wait_indirect_dma semaphore(%arg16 : memref<!tpu.dma_semaphore, #tpu.memory_space<semaphore_mem>>) src(%dma_wait3A_70 : memref<10240x128xf32, #tpu.memory_space<hbm>>) dst(%arg12 : memref<128x128xf32, #tpu.memory_space<vmem>>)
        "tpu.region"() ({
          %run_scoped3A = tpu.sem_alloc : memref<!tpu.dma_semaphore, #tpu.memory_space<semaphore_mem>>
          %dma_start3A_87 = arith.constant 0 : i32
          %dma_start3A_88 = tpu.memref_slice %arg11[%mul3A_56, %dma_start3A_87] : memref<160x128xi32, #tpu.memory_space<vmem>> -> memref<1x128xi32, #tpu.memory_space<vmem>>
          %dma_start3A_89 = tpu.memref_squeeze %dma_start3A_88 : memref<1x128xi32, #tpu.memory_space<vmem>> -> memref<128xi32, #tpu.memory_space<vmem>>
          %dma_start3A_90 = arith.constant 0 : i32
          %dma_start3A_91 = arith.constant 0 : i32
          %dma_start3A_92 = tpu.memref_slice %arg15[%dma_start3A_90, %dma_start3A_91] : memref<5120x128xf32, #tpu.memory_space<vmem_shared>> -> memref<5120x128xf32, #tpu.memory_space<vmem_shared>>
          %dma_start3A_93 = arith.constant -1 : i32
          tpu.enqueue_indirect_dma source(%arg12 : memref<128x128xf32, #tpu.memory_space<vmem>>) target(%dma_start3A_92 : memref<5120x128xf32, #tpu.memory_space<vmem_shared>>) offsets(%dma_start3A_89 : memref<128xi32, #tpu.memory_space<vmem>>) offset_filter(%dma_start3A_93) semaphore(%run_scoped3A : memref<!tpu.dma_semaphore, #tpu.memory_space<semaphore_mem>>) {add = true}
          %dma_wait3A_94 = arith.constant 0 : i32
          %dma_wait3A_95 = tpu.memref_slice %arg11[%mul3A_56, %dma_wait3A_94] : memref<160x128xi32, #tpu.memory_space<vmem>> -> memref<1x128xi32, #tpu.memory_space<vmem>>
          %dma_wait3A_96 = tpu.memref_squeeze %dma_wait3A_95 : memref<1x128xi32, #tpu.memory_space<vmem>> -> memref<128xi32, #tpu.memory_space<vmem>>
          %dma_wait3A_97 = arith.constant 0 : i32
          %dma_wait3A_98 = arith.constant 0 : i32
          %dma_wait3A_99 = tpu.memref_slice %arg15[%dma_wait3A_97, %dma_wait3A_98] : memref<5120x128xf32, #tpu.memory_space<vmem_shared>> -> memref<5120x128xf32, #tpu.memory_space<vmem_shared>>
          tpu.wait_indirect_dma semaphore(%run_scoped3A : memref<!tpu.dma_semaphore, #tpu.memory_space<semaphore_mem>>) src(%arg12 : memref<128x128xf32, #tpu.memory_space<vmem>>) dst(%dma_wait3A_99 : memref<5120x128xf32, #tpu.memory_space<vmem_shared>>)
          tpu.yield
        }) : () -> ()
        %add3A_71 = arith.constant 2 : i32
        %add3A_72 = arith.addi %mul3A_56, %add3A_71 : i32
        %lt3A = arith.constant 160 : i32
        %lt3A_73 = arith.cmpi slt, %add3A_72, %lt3A : i32
        %convert_element_type3A_74 = arith.extui %lt3A_73 : i1 to i32
        %cond3A_75 = arith.constant 0 : i32
        %cond3A_76 = arith.cmpi ne, %convert_element_type3A_74, %cond3A_75 : i32
        scf.if %cond3A_76 {
          %add3A_87 = arith.constant 2 : i32
          %add3A_88 = arith.addi %mul3A_56, %add3A_87 : i32
          %dma_start3A_89 = arith.constant 0 : i32
          %dma_start3A_90 = tpu.memref_slice %arg10[%add3A_88, %dma_start3A_89] : memref<160x128xi32, #tpu.memory_space<vmem>> -> memref<1x128xi32, #tpu.memory_space<vmem>>
          %dma_start3A_91 = tpu.memref_squeeze %dma_start3A_90 : memref<1x128xi32, #tpu.memory_space<vmem>> -> memref<128xi32, #tpu.memory_space<vmem>>
          %dma_start3A_92 = arith.constant 0 : i32
          %dma_start3A_93 = arith.constant 0 : i32
          %dma_start3A_94 = tpu.memref_slice %arg7[%dma_start3A_92, %dma_start3A_93] : memref<10240x128xf32, #tpu.memory_space<hbm>> -> memref<10240x128xf32, #tpu.memory_space<hbm>>
          %dma_start3A_95 = arith.constant -1 : i32
          tpu.enqueue_indirect_dma source(%dma_start3A_94 : memref<10240x128xf32, #tpu.memory_space<hbm>>) target(%arg12 : memref<128x128xf32, #tpu.memory_space<vmem>>) offsets(%dma_start3A_91 : memref<128xi32, #tpu.memory_space<vmem>>) offset_filter(%dma_start3A_95) semaphore(%arg16 : memref<!tpu.dma_semaphore, #tpu.memory_space<semaphore_mem>>)
        } else {
        }
        %add3A_77 = arith.constant 1 : i32
        %add3A_78 = arith.addi %mul3A_56, %add3A_77 : i32
        %dma_wait3A_79 = arith.constant 0 : i32
        %dma_wait3A_80 = tpu.memref_slice %arg10[%add3A_78, %dma_wait3A_79] : memref<160x128xi32, #tpu.memory_space<vmem>> -> memref<1x128xi32, #tpu.memory_space<vmem>>
        %dma_wait3A_81 = tpu.memref_squeeze %dma_wait3A_80 : memref<1x128xi32, #tpu.memory_space<vmem>> -> memref<128xi32, #tpu.memory_space<vmem>>
        %dma_wait3A_82 = arith.constant 0 : i32
        %dma_wait3A_83 = arith.constant 0 : i32
        %dma_wait3A_84 = tpu.memref_slice %arg7[%dma_wait3A_82, %dma_wait3A_83] : memref<10240x128xf32, #tpu.memory_space<hbm>> -> memref<10240x128xf32, #tpu.memory_space<hbm>>
        tpu.wait_indirect_dma semaphore(%arg17 : memref<!tpu.dma_semaphore, #tpu.memory_space<semaphore_mem>>) src(%dma_wait3A_84 : memref<10240x128xf32, #tpu.memory_space<hbm>>) dst(%arg13 : memref<128x128xf32, #tpu.memory_space<vmem>>)
        %add3A_85 = arith.constant 1 : i32
        %add3A_86 = arith.addi %mul3A_56, %add3A_85 : i32
        "tpu.region"() ({
          %run_scoped3A = tpu.sem_alloc : memref<!tpu.dma_semaphore, #tpu.memory_space<semaphore_mem>>
          %dma_start3A_87 = arith.constant 0 : i32
          %dma_start3A_88 = tpu.memref_slice %arg11[%add3A_86, %dma_start3A_87] : memref<160x128xi32, #tpu.memory_space<vmem>> -> memref<1x128xi32, #tpu.memory_space<vmem>>
          %dma_start3A_89 = tpu.memref_squeeze %dma_start3A_88 : memref<1x128xi32, #tpu.memory_space<vmem>> -> memref<128xi32, #tpu.memory_space<vmem>>
          %dma_start3A_90 = arith.constant 0 : i32
          %dma_start3A_91 = arith.constant 0 : i32
          %dma_start3A_92 = tpu.memref_slice %arg15[%dma_start3A_90, %dma_start3A_91] : memref<5120x128xf32, #tpu.memory_space<vmem_shared>> -> memref<5120x128xf32, #tpu.memory_space<vmem_shared>>
          %dma_start3A_93 = arith.constant -1 : i32
          tpu.enqueue_indirect_dma source(%arg13 : memref<128x128xf32, #tpu.memory_space<vmem>>) target(%dma_start3A_92 : memref<5120x128xf32, #tpu.memory_space<vmem_shared>>) offsets(%dma_start3A_89 : memref<128xi32, #tpu.memory_space<vmem>>) offset_filter(%dma_start3A_93) semaphore(%run_scoped3A : memref<!tpu.dma_semaphore, #tpu.memory_space<semaphore_mem>>) {add = true}
          %dma_wait3A_94 = arith.constant 0 : i32
          %dma_wait3A_95 = tpu.memref_slice %arg11[%add3A_86, %dma_wait3A_94] : memref<160x128xi32, #tpu.memory_space<vmem>> -> memref<1x128xi32, #tpu.memory_space<vmem>>
          %dma_wait3A_96 = tpu.memref_squeeze %dma_wait3A_95 : memref<1x128xi32, #tpu.memory_space<vmem>> -> memref<128xi32, #tpu.memory_space<vmem>>
          %dma_wait3A_97 = arith.constant 0 : i32
          %dma_wait3A_98 = arith.constant 0 : i32
          %dma_wait3A_99 = tpu.memref_slice %arg15[%dma_wait3A_97, %dma_wait3A_98] : memref<5120x128xf32, #tpu.memory_space<vmem_shared>> -> memref<5120x128xf32, #tpu.memory_space<vmem_shared>>
          tpu.wait_indirect_dma semaphore(%run_scoped3A : memref<!tpu.dma_semaphore, #tpu.memory_space<semaphore_mem>>) src(%arg13 : memref<128x128xf32, #tpu.memory_space<vmem>>) dst(%dma_wait3A_99 : memref<5120x128xf32, #tpu.memory_space<vmem_shared>>)
          tpu.yield
        }) : () -> ()
      }
      %scan3A_47 = arith.constant 80 : i32
      %barrier3A_48 = arith.constant 0 : index
      tpu.barrier barrier_id(%barrier3A_48)
      "tpu.region"() ({
        %run_scoped3A = tpu.sem_alloc : memref<!tpu.dma_semaphore, #tpu.memory_space<semaphore_mem>>
        %dma_start3A_50 = arith.constant 0 : i32
        %dma_start3A_51 = tpu.memref_slice %arg9[%add3A_31, %dma_start3A_50] : memref<10240x128xf32, #tpu.memory_space<hbm>> -> memref<320x128xf32, #tpu.memory_space<hbm>>
        %dma_start3A_52 = arith.constant 0 : i32
        %dma_start3A_53 = tpu.memref_slice %arg15[%mul3A_33, %dma_start3A_52] : memref<5120x128xf32, #tpu.memory_space<vmem_shared>> -> memref<320x128xf32, #tpu.memory_space<vmem_shared>>
        tpu.enqueue_dma source(%dma_start3A_53 : memref<320x128xf32, #tpu.memory_space<vmem_shared>>) target(%dma_start3A_51 : memref<320x128xf32, #tpu.memory_space<hbm>>) target_semaphore(%run_scoped3A : memref<!tpu.dma_semaphore, #tpu.memory_space<semaphore_mem>>)
        %dma_wait3A = arith.constant 0 : i32
        %dma_wait3A_54 = tpu.memref_slice %arg9[%add3A_31, %dma_wait3A] : memref<10240x128xf32, #tpu.memory_space<hbm>> -> memref<320x128xf32, #tpu.memory_space<hbm>>
        %dma_wait3A_55 = arith.constant 0 : i32
        %dma_wait3A_56 = tpu.memref_slice %arg15[%mul3A_33, %dma_wait3A_55] : memref<5120x128xf32, #tpu.memory_space<vmem_shared>> -> memref<320x128xf32, #tpu.memory_space<vmem_shared>>
        tpu.wait_dma2 semaphore(%run_scoped3A : memref<!tpu.dma_semaphore, #tpu.memory_space<semaphore_mem>>) src(%dma_wait3A_56 : memref<320x128xf32, #tpu.memory_space<vmem_shared>>) dst(%dma_wait3A_54 : memref<320x128xf32, #tpu.memory_space<hbm>>)
        tpu.yield
      }) : () -> ()
      %barrier3A_49 = arith.constant 0 : index
      tpu.barrier barrier_id(%barrier3A_49)
    } else {
    }
    return
  }
}

#map = affine_map<(d0, d1) -> (0, 0)>
module attributes {stable_mosaic.version = 14 : i64} {
  func.func @_l2_body(%arg0: i32, %arg1: i32, %arg2: memref<2560x128xi32, #tpu.memory_space<hbm>>, %arg3: memref<2560x128xi32, #tpu.memory_space<hbm>>, %arg4: memref<2560x128xi32, #tpu.memory_space<hbm>>, %arg5: memref<2560x128xi32, #tpu.memory_space<hbm>>, %arg6: memref<10240x128xf32, #tpu.memory_space<hbm>>, %arg7: memref<10240x128xf32, #tpu.memory_space<hbm>>, %arg8: memref<160x128xi32, #tpu.memory_space<vmem>>, %arg9: memref<160x128xi32, #tpu.memory_space<vmem>>, %arg10: memref<128x128xf32, #tpu.memory_space<vmem>>, %arg11: memref<128x128xf32, #tpu.memory_space<vmem>>, %arg12: memref<128x128xf32, #tpu.memory_space<vmem>>, %arg13: memref<5120x128xf32, #tpu.memory_space<vmem_shared>>, %arg14: memref<!tpu.dma_semaphore, #tpu.memory_space<semaphore_mem>>, %arg15: memref<!tpu.dma_semaphore, #tpu.memory_space<semaphore_mem>>, %arg16: memref<!tpu.dma_semaphore, #tpu.memory_space<semaphore_mem>>, %arg17: memref<!tpu.dma_semaphore, #tpu.memory_space<semaphore_mem>>, %arg18: memref<!tpu.dma_semaphore, #tpu.memory_space<semaphore_mem>>, %arg19: memref<!tpu.dma_semaphore, #tpu.memory_space<semaphore_mem>>) attributes {dimension_semantics = [#tpu.dimension_semantics<core_parallel>, #tpu.dimension_semantics<subcore_parallel>], iteration_bounds = array<i64: 2, 16>, scalar_prefetch = 0 : i64, scratch_operands = 12 : i64, tpu.core_type = #tpu.core_type<sc_vector_subcore>, window_params = [{transform_indices = #map}, {transform_indices = #map}, {transform_indices = #map}, {transform_indices = #map}, {transform_indices = #map}, {transform_indices = #map}]} {
    %mul3A = arith.constant 160 : i32
    %mul3A_0 = arith.muli %arg1, %mul3A : i32
    %eq3A = arith.constant 0 : i32
    %eq3A_1 = arith.cmpi eq, %arg0, %eq3A : i32
    %convert_element_type3A = arith.extui %eq3A_1 : i1 to i32
    %cond3A = arith.constant 0 : i32
    %cond3A_2 = arith.cmpi ne, %convert_element_type3A, %cond3A : i32
    scf.if %cond3A_2 {
      "tpu.region"() ({
        %run_scoped3A = tpu.sem_alloc : memref<!tpu.dma_semaphore, #tpu.memory_space<semaphore_mem>>
        %dma_start3A_27 = arith.constant 0 : i32
        %dma_start3A_28 = tpu.memref_slice %arg2[%mul3A_0, %dma_start3A_27] : memref<2560x128xi32, #tpu.memory_space<hbm>> -> memref<160x128xi32, #tpu.memory_space<hbm>>
        %dma_start3A_29 = arith.constant 0 : i32
        %dma_start3A_30 = tpu.memref_slice %arg2[%mul3A_0, %dma_start3A_29] : memref<2560x128xi32, #tpu.memory_space<hbm>> -> memref<160x128xi32, #tpu.memory_space<hbm>>
        tpu.enqueue_dma source(%dma_start3A_30 : memref<160x128xi32, #tpu.memory_space<hbm>>) target(%arg8 : memref<160x128xi32, #tpu.memory_space<vmem>>) target_semaphore(%run_scoped3A : memref<!tpu.dma_semaphore, #tpu.memory_space<semaphore_mem>>)
        %dma_wait3A = arith.constant 0 : i32
        %dma_wait3A_31 = tpu.memref_slice %arg2[%mul3A_0, %dma_wait3A] : memref<2560x128xi32, #tpu.memory_space<hbm>> -> memref<160x128xi32, #tpu.memory_space<hbm>>
        %dma_wait3A_32 = arith.constant 0 : i32
        %dma_wait3A_33 = tpu.memref_slice %arg2[%mul3A_0, %dma_wait3A_32] : memref<2560x128xi32, #tpu.memory_space<hbm>> -> memref<160x128xi32, #tpu.memory_space<hbm>>
        tpu.wait_dma2 semaphore(%run_scoped3A : memref<!tpu.dma_semaphore, #tpu.memory_space<semaphore_mem>>) src(%dma_wait3A_33 : memref<160x128xi32, #tpu.memory_space<hbm>>) dst(%arg8 : memref<160x128xi32, #tpu.memory_space<vmem>>)
        tpu.yield
      }) : () -> ()
      "tpu.region"() ({
        %run_scoped3A = tpu.sem_alloc : memref<!tpu.dma_semaphore, #tpu.memory_space<semaphore_mem>>
        %dma_start3A_27 = arith.constant 0 : i32
        %dma_start3A_28 = tpu.memref_slice %arg4[%mul3A_0, %dma_start3A_27] : memref<2560x128xi32, #tpu.memory_space<hbm>> -> memref<160x128xi32, #tpu.memory_space<hbm>>
        %dma_start3A_29 = arith.constant 0 : i32
        %dma_start3A_30 = tpu.memref_slice %arg4[%mul3A_0, %dma_start3A_29] : memref<2560x128xi32, #tpu.memory_space<hbm>> -> memref<160x128xi32, #tpu.memory_space<hbm>>
        tpu.enqueue_dma source(%dma_start3A_30 : memref<160x128xi32, #tpu.memory_space<hbm>>) target(%arg9 : memref<160x128xi32, #tpu.memory_space<vmem>>) target_semaphore(%run_scoped3A : memref<!tpu.dma_semaphore, #tpu.memory_space<semaphore_mem>>)
        %dma_wait3A = arith.constant 0 : i32
        %dma_wait3A_31 = tpu.memref_slice %arg4[%mul3A_0, %dma_wait3A] : memref<2560x128xi32, #tpu.memory_space<hbm>> -> memref<160x128xi32, #tpu.memory_space<hbm>>
        %dma_wait3A_32 = arith.constant 0 : i32
        %dma_wait3A_33 = tpu.memref_slice %arg4[%mul3A_0, %dma_wait3A_32] : memref<2560x128xi32, #tpu.memory_space<hbm>> -> memref<160x128xi32, #tpu.memory_space<hbm>>
        tpu.wait_dma2 semaphore(%run_scoped3A : memref<!tpu.dma_semaphore, #tpu.memory_space<semaphore_mem>>) src(%dma_wait3A_33 : memref<160x128xi32, #tpu.memory_space<hbm>>) dst(%arg9 : memref<160x128xi32, #tpu.memory_space<vmem>>)
        tpu.yield
      }) : () -> ()
    } else {
    }
    %eq3A_3 = arith.constant 1 : i32
    %eq3A_4 = arith.cmpi eq, %arg0, %eq3A_3 : i32
    %convert_element_type3A_5 = arith.extui %eq3A_4 : i1 to i32
    %cond3A_6 = arith.constant 0 : i32
    %cond3A_7 = arith.cmpi ne, %convert_element_type3A_5, %cond3A_6 : i32
    scf.if %cond3A_7 {
      "tpu.region"() ({
        %run_scoped3A = tpu.sem_alloc : memref<!tpu.dma_semaphore, #tpu.memory_space<semaphore_mem>>
        %dma_start3A_27 = arith.constant 0 : i32
        %dma_start3A_28 = tpu.memref_slice %arg3[%mul3A_0, %dma_start3A_27] : memref<2560x128xi32, #tpu.memory_space<hbm>> -> memref<160x128xi32, #tpu.memory_space<hbm>>
        %dma_start3A_29 = arith.constant 0 : i32
        %dma_start3A_30 = tpu.memref_slice %arg3[%mul3A_0, %dma_start3A_29] : memref<2560x128xi32, #tpu.memory_space<hbm>> -> memref<160x128xi32, #tpu.memory_space<hbm>>
        tpu.enqueue_dma source(%dma_start3A_30 : memref<160x128xi32, #tpu.memory_space<hbm>>) target(%arg8 : memref<160x128xi32, #tpu.memory_space<vmem>>) target_semaphore(%run_scoped3A : memref<!tpu.dma_semaphore, #tpu.memory_space<semaphore_mem>>)
        %dma_wait3A = arith.constant 0 : i32
        %dma_wait3A_31 = tpu.memref_slice %arg3[%mul3A_0, %dma_wait3A] : memref<2560x128xi32, #tpu.memory_space<hbm>> -> memref<160x128xi32, #tpu.memory_space<hbm>>
        %dma_wait3A_32 = arith.constant 0 : i32
        %dma_wait3A_33 = tpu.memref_slice %arg3[%mul3A_0, %dma_wait3A_32] : memref<2560x128xi32, #tpu.memory_space<hbm>> -> memref<160x128xi32, #tpu.memory_space<hbm>>
        tpu.wait_dma2 semaphore(%run_scoped3A : memref<!tpu.dma_semaphore, #tpu.memory_space<semaphore_mem>>) src(%dma_wait3A_33 : memref<160x128xi32, #tpu.memory_space<hbm>>) dst(%arg8 : memref<160x128xi32, #tpu.memory_space<vmem>>)
        tpu.yield
      }) : () -> ()
      "tpu.region"() ({
        %run_scoped3A = tpu.sem_alloc : memref<!tpu.dma_semaphore, #tpu.memory_space<semaphore_mem>>
        %dma_start3A_27 = arith.constant 0 : i32
        %dma_start3A_28 = tpu.memref_slice %arg5[%mul3A_0, %dma_start3A_27] : memref<2560x128xi32, #tpu.memory_space<hbm>> -> memref<160x128xi32, #tpu.memory_space<hbm>>
        %dma_start3A_29 = arith.constant 0 : i32
        %dma_start3A_30 = tpu.memref_slice %arg5[%mul3A_0, %dma_start3A_29] : memref<2560x128xi32, #tpu.memory_space<hbm>> -> memref<160x128xi32, #tpu.memory_space<hbm>>
        tpu.enqueue_dma source(%dma_start3A_30 : memref<160x128xi32, #tpu.memory_space<hbm>>) target(%arg9 : memref<160x128xi32, #tpu.memory_space<vmem>>) target_semaphore(%run_scoped3A : memref<!tpu.dma_semaphore, #tpu.memory_space<semaphore_mem>>)
        %dma_wait3A = arith.constant 0 : i32
        %dma_wait3A_31 = tpu.memref_slice %arg5[%mul3A_0, %dma_wait3A] : memref<2560x128xi32, #tpu.memory_space<hbm>> -> memref<160x128xi32, #tpu.memory_space<hbm>>
        %dma_wait3A_32 = arith.constant 0 : i32
        %dma_wait3A_33 = tpu.memref_slice %arg5[%mul3A_0, %dma_wait3A_32] : memref<2560x128xi32, #tpu.memory_space<hbm>> -> memref<160x128xi32, #tpu.memory_space<hbm>>
        tpu.wait_dma2 semaphore(%run_scoped3A : memref<!tpu.dma_semaphore, #tpu.memory_space<semaphore_mem>>) src(%dma_wait3A_33 : memref<160x128xi32, #tpu.memory_space<hbm>>) dst(%arg9 : memref<160x128xi32, #tpu.memory_space<vmem>>)
        tpu.yield
      }) : () -> ()
    } else {
    }
    %mul3A_8 = arith.constant 5120 : i32
    %mul3A_9 = arith.muli %arg0, %mul3A_8 : i32
    %mul3A_10 = arith.constant 320 : i32
    %mul3A_11 = arith.muli %arg1, %mul3A_10 : i32
    %add3A = arith.addi %mul3A_9, %mul3A_11 : i32
    %mul3A_12 = arith.constant 320 : i32
    %mul3A_13 = arith.muli %arg1, %mul3A_12 : i32
    "tpu.region"() ({
      %run_scoped3A = tpu.sem_alloc : memref<!tpu.dma_semaphore, #tpu.memory_space<semaphore_mem>>
      %dma_start3A_27 = arith.constant 0 : i32
      %dma_start3A_28 = tpu.memref_slice %arg13[%mul3A_13, %dma_start3A_27] : memref<5120x128xf32, #tpu.memory_space<vmem_shared>> -> memref<320x128xf32, #tpu.memory_space<vmem_shared>>
      %dma_start3A_29 = arith.constant 0 : i32
      %dma_start3A_30 = tpu.memref_slice %arg6[%add3A, %dma_start3A_29] : memref<10240x128xf32, #tpu.memory_space<hbm>> -> memref<320x128xf32, #tpu.memory_space<hbm>>
      tpu.enqueue_dma source(%dma_start3A_30 : memref<320x128xf32, #tpu.memory_space<hbm>>) target(%dma_start3A_28 : memref<320x128xf32, #tpu.memory_space<vmem_shared>>) target_semaphore(%run_scoped3A : memref<!tpu.dma_semaphore, #tpu.memory_space<semaphore_mem>>)
      %dma_wait3A = arith.constant 0 : i32
      %dma_wait3A_31 = tpu.memref_slice %arg13[%mul3A_13, %dma_wait3A] : memref<5120x128xf32, #tpu.memory_space<vmem_shared>> -> memref<320x128xf32, #tpu.memory_space<vmem_shared>>
      %dma_wait3A_32 = arith.constant 0 : i32
      %dma_wait3A_33 = tpu.memref_slice %arg6[%add3A, %dma_wait3A_32] : memref<10240x128xf32, #tpu.memory_space<hbm>> -> memref<320x128xf32, #tpu.memory_space<hbm>>
      tpu.wait_dma2 semaphore(%run_scoped3A : memref<!tpu.dma_semaphore, #tpu.memory_space<semaphore_mem>>) src(%dma_wait3A_33 : memref<320x128xf32, #tpu.memory_space<hbm>>) dst(%dma_wait3A_31 : memref<320x128xf32, #tpu.memory_space<vmem_shared>>)
      tpu.yield
    }) : () -> ()
    %barrier3A = arith.constant 0 : index
    tpu.barrier barrier_id(%barrier3A)
    %dma_start3A = arith.constant 0 : i32
    %dma_start3A_14 = arith.constant 0 : i32
    %dma_start3A_15 = tpu.memref_slice %arg8[%dma_start3A, %dma_start3A_14] : memref<160x128xi32, #tpu.memory_space<vmem>> -> memref<1x128xi32, #tpu.memory_space<vmem>>
    %dma_start3A_16 = tpu.memref_squeeze %dma_start3A_15 : memref<1x128xi32, #tpu.memory_space<vmem>> -> memref<128xi32, #tpu.memory_space<vmem>>
    %dma_start3A_17 = arith.constant 0 : i32
    %dma_start3A_18 = arith.constant 0 : i32
    %dma_start3A_19 = tpu.memref_slice %arg6[%dma_start3A_17, %dma_start3A_18] : memref<10240x128xf32, #tpu.memory_space<hbm>> -> memref<10240x128xf32, #tpu.memory_space<hbm>>
    %dma_start3A_20 = arith.constant -1 : i32
    tpu.enqueue_indirect_dma source(%dma_start3A_19 : memref<10240x128xf32, #tpu.memory_space<hbm>>) target(%arg10 : memref<128x128xf32, #tpu.memory_space<vmem>>) offsets(%dma_start3A_16 : memref<128xi32, #tpu.memory_space<vmem>>) offset_filter(%dma_start3A_20) semaphore(%arg14 : memref<!tpu.dma_semaphore, #tpu.memory_space<semaphore_mem>>)
    %scan3A = arith.constant 0 : i32
    %scan3A_21 = arith.constant 80 : i32
    %scan3A_22 = arith.addi %scan3A, %scan3A_21 : i32
    %scan3A_23 = arith.constant 1 : i32
    scf.for %scan3A_27 = %scan3A to %scan3A_22 step %scan3A_23  : i32 {
      %mul3A_28 = arith.constant 1 : i32
      %mul3A_29 = arith.muli %scan3A_27, %mul3A_28 : i32
      %add3A_30 = arith.constant 0 : i32
      %add3A_31 = arith.addi %add3A_30, %mul3A_29 : i32
      %mul3A_32 = arith.constant 2 : i32
      %mul3A_33 = arith.muli %mul3A_32, %add3A_31 : i32
      %add3A_34 = arith.constant 1 : i32
      %add3A_35 = arith.addi %mul3A_33, %add3A_34 : i32
      %dma_start3A_36 = arith.constant 0 : i32
      %dma_start3A_37 = tpu.memref_slice %arg8[%add3A_35, %dma_start3A_36] : memref<160x128xi32, #tpu.memory_space<vmem>> -> memref<1x128xi32, #tpu.memory_space<vmem>>
      %dma_start3A_38 = tpu.memref_squeeze %dma_start3A_37 : memref<1x128xi32, #tpu.memory_space<vmem>> -> memref<128xi32, #tpu.memory_space<vmem>>
      %dma_start3A_39 = arith.constant 0 : i32
      %dma_start3A_40 = arith.constant 0 : i32
      %dma_start3A_41 = tpu.memref_slice %arg6[%dma_start3A_39, %dma_start3A_40] : memref<10240x128xf32, #tpu.memory_space<hbm>> -> memref<10240x128xf32, #tpu.memory_space<hbm>>
      %dma_start3A_42 = arith.constant -1 : i32
      tpu.enqueue_indirect_dma source(%dma_start3A_41 : memref<10240x128xf32, #tpu.memory_space<hbm>>) target(%arg11 : memref<128x128xf32, #tpu.memory_space<vmem>>) offsets(%dma_start3A_38 : memref<128xi32, #tpu.memory_space<vmem>>) offset_filter(%dma_start3A_42) semaphore(%arg15 : memref<!tpu.dma_semaphore, #tpu.memory_space<semaphore_mem>>)
      %dma_wait3A = arith.constant 0 : i32
      %dma_wait3A_43 = tpu.memref_slice %arg8[%mul3A_33, %dma_wait3A] : memref<160x128xi32, #tpu.memory_space<vmem>> -> memref<1x128xi32, #tpu.memory_space<vmem>>
      %dma_wait3A_44 = tpu.memref_squeeze %dma_wait3A_43 : memref<1x128xi32, #tpu.memory_space<vmem>> -> memref<128xi32, #tpu.memory_space<vmem>>
      %dma_wait3A_45 = arith.constant 0 : i32
      %dma_wait3A_46 = arith.constant 0 : i32
      %dma_wait3A_47 = tpu.memref_slice %arg6[%dma_wait3A_45, %dma_wait3A_46] : memref<10240x128xf32, #tpu.memory_space<hbm>> -> memref<10240x128xf32, #tpu.memory_space<hbm>>
      tpu.wait_indirect_dma semaphore(%arg14 : memref<!tpu.dma_semaphore, #tpu.memory_space<semaphore_mem>>) src(%dma_wait3A_47 : memref<10240x128xf32, #tpu.memory_space<hbm>>) dst(%arg10 : memref<128x128xf32, #tpu.memory_space<vmem>>)
      "tpu.region"() ({
        %run_scoped3A = tpu.sem_alloc : memref<!tpu.dma_semaphore, #tpu.memory_space<semaphore_mem>>
        %dma_start3A_64 = arith.constant 0 : i32
        %dma_start3A_65 = tpu.memref_slice %arg9[%mul3A_33, %dma_start3A_64] : memref<160x128xi32, #tpu.memory_space<vmem>> -> memref<1x128xi32, #tpu.memory_space<vmem>>
        %dma_start3A_66 = tpu.memref_squeeze %dma_start3A_65 : memref<1x128xi32, #tpu.memory_space<vmem>> -> memref<128xi32, #tpu.memory_space<vmem>>
        %dma_start3A_67 = arith.constant 0 : i32
        %dma_start3A_68 = arith.constant 0 : i32
        %dma_start3A_69 = tpu.memref_slice %arg13[%dma_start3A_67, %dma_start3A_68] : memref<5120x128xf32, #tpu.memory_space<vmem_shared>> -> memref<5120x128xf32, #tpu.memory_space<vmem_shared>>
        %dma_start3A_70 = arith.constant -1 : i32
        tpu.enqueue_indirect_dma source(%arg10 : memref<128x128xf32, #tpu.memory_space<vmem>>) target(%dma_start3A_69 : memref<5120x128xf32, #tpu.memory_space<vmem_shared>>) offsets(%dma_start3A_66 : memref<128xi32, #tpu.memory_space<vmem>>) offset_filter(%dma_start3A_70) semaphore(%run_scoped3A : memref<!tpu.dma_semaphore, #tpu.memory_space<semaphore_mem>>) {add = true}
        %dma_wait3A_71 = arith.constant 0 : i32
        %dma_wait3A_72 = tpu.memref_slice %arg9[%mul3A_33, %dma_wait3A_71] : memref<160x128xi32, #tpu.memory_space<vmem>> -> memref<1x128xi32, #tpu.memory_space<vmem>>
        %dma_wait3A_73 = tpu.memref_squeeze %dma_wait3A_72 : memref<1x128xi32, #tpu.memory_space<vmem>> -> memref<128xi32, #tpu.memory_space<vmem>>
        %dma_wait3A_74 = arith.constant 0 : i32
        %dma_wait3A_75 = arith.constant 0 : i32
        %dma_wait3A_76 = tpu.memref_slice %arg13[%dma_wait3A_74, %dma_wait3A_75] : memref<5120x128xf32, #tpu.memory_space<vmem_shared>> -> memref<5120x128xf32, #tpu.memory_space<vmem_shared>>
        tpu.wait_indirect_dma semaphore(%run_scoped3A : memref<!tpu.dma_semaphore, #tpu.memory_space<semaphore_mem>>) src(%arg10 : memref<128x128xf32, #tpu.memory_space<vmem>>) dst(%dma_wait3A_76 : memref<5120x128xf32, #tpu.memory_space<vmem_shared>>)
        tpu.yield
      }) : () -> ()
      %add3A_48 = arith.constant 2 : i32
      %add3A_49 = arith.addi %mul3A_33, %add3A_48 : i32
      %lt3A = arith.constant 160 : i32
      %lt3A_50 = arith.cmpi slt, %add3A_49, %lt3A : i32
      %convert_element_type3A_51 = arith.extui %lt3A_50 : i1 to i32
      %cond3A_52 = arith.constant 0 : i32
      %cond3A_53 = arith.cmpi ne, %convert_element_type3A_51, %cond3A_52 : i32
      scf.if %cond3A_53 {
        %add3A_64 = arith.constant 2 : i32
        %add3A_65 = arith.addi %mul3A_33, %add3A_64 : i32
        %dma_start3A_66 = arith.constant 0 : i32
        %dma_start3A_67 = tpu.memref_slice %arg8[%add3A_65, %dma_start3A_66] : memref<160x128xi32, #tpu.memory_space<vmem>> -> memref<1x128xi32, #tpu.memory_space<vmem>>
        %dma_start3A_68 = tpu.memref_squeeze %dma_start3A_67 : memref<1x128xi32, #tpu.memory_space<vmem>> -> memref<128xi32, #tpu.memory_space<vmem>>
        %dma_start3A_69 = arith.constant 0 : i32
        %dma_start3A_70 = arith.constant 0 : i32
        %dma_start3A_71 = tpu.memref_slice %arg6[%dma_start3A_69, %dma_start3A_70] : memref<10240x128xf32, #tpu.memory_space<hbm>> -> memref<10240x128xf32, #tpu.memory_space<hbm>>
        %dma_start3A_72 = arith.constant -1 : i32
        tpu.enqueue_indirect_dma source(%dma_start3A_71 : memref<10240x128xf32, #tpu.memory_space<hbm>>) target(%arg10 : memref<128x128xf32, #tpu.memory_space<vmem>>) offsets(%dma_start3A_68 : memref<128xi32, #tpu.memory_space<vmem>>) offset_filter(%dma_start3A_72) semaphore(%arg14 : memref<!tpu.dma_semaphore, #tpu.memory_space<semaphore_mem>>)
      } else {
      }
      %add3A_54 = arith.constant 1 : i32
      %add3A_55 = arith.addi %mul3A_33, %add3A_54 : i32
      %dma_wait3A_56 = arith.constant 0 : i32
      %dma_wait3A_57 = tpu.memref_slice %arg8[%add3A_55, %dma_wait3A_56] : memref<160x128xi32, #tpu.memory_space<vmem>> -> memref<1x128xi32, #tpu.memory_space<vmem>>
      %dma_wait3A_58 = tpu.memref_squeeze %dma_wait3A_57 : memref<1x128xi32, #tpu.memory_space<vmem>> -> memref<128xi32, #tpu.memory_space<vmem>>
      %dma_wait3A_59 = arith.constant 0 : i32
      %dma_wait3A_60 = arith.constant 0 : i32
      %dma_wait3A_61 = tpu.memref_slice %arg6[%dma_wait3A_59, %dma_wait3A_60] : memref<10240x128xf32, #tpu.memory_space<hbm>> -> memref<10240x128xf32, #tpu.memory_space<hbm>>
      tpu.wait_indirect_dma semaphore(%arg15 : memref<!tpu.dma_semaphore, #tpu.memory_space<semaphore_mem>>) src(%dma_wait3A_61 : memref<10240x128xf32, #tpu.memory_space<hbm>>) dst(%arg11 : memref<128x128xf32, #tpu.memory_space<vmem>>)
      %add3A_62 = arith.constant 1 : i32
      %add3A_63 = arith.addi %mul3A_33, %add3A_62 : i32
      "tpu.region"() ({
        %run_scoped3A = tpu.sem_alloc : memref<!tpu.dma_semaphore, #tpu.memory_space<semaphore_mem>>
        %dma_start3A_64 = arith.constant 0 : i32
        %dma_start3A_65 = tpu.memref_slice %arg9[%add3A_63, %dma_start3A_64] : memref<160x128xi32, #tpu.memory_space<vmem>> -> memref<1x128xi32, #tpu.memory_space<vmem>>
        %dma_start3A_66 = tpu.memref_squeeze %dma_start3A_65 : memref<1x128xi32, #tpu.memory_space<vmem>> -> memref<128xi32, #tpu.memory_space<vmem>>
        %dma_start3A_67 = arith.constant 0 : i32
        %dma_start3A_68 = arith.constant 0 : i32
        %dma_start3A_69 = tpu.memref_slice %arg13[%dma_start3A_67, %dma_start3A_68] : memref<5120x128xf32, #tpu.memory_space<vmem_shared>> -> memref<5120x128xf32, #tpu.memory_space<vmem_shared>>
        %dma_start3A_70 = arith.constant -1 : i32
        tpu.enqueue_indirect_dma source(%arg11 : memref<128x128xf32, #tpu.memory_space<vmem>>) target(%dma_start3A_69 : memref<5120x128xf32, #tpu.memory_space<vmem_shared>>) offsets(%dma_start3A_66 : memref<128xi32, #tpu.memory_space<vmem>>) offset_filter(%dma_start3A_70) semaphore(%run_scoped3A : memref<!tpu.dma_semaphore, #tpu.memory_space<semaphore_mem>>) {add = true}
        %dma_wait3A_71 = arith.constant 0 : i32
        %dma_wait3A_72 = tpu.memref_slice %arg9[%add3A_63, %dma_wait3A_71] : memref<160x128xi32, #tpu.memory_space<vmem>> -> memref<1x128xi32, #tpu.memory_space<vmem>>
        %dma_wait3A_73 = tpu.memref_squeeze %dma_wait3A_72 : memref<1x128xi32, #tpu.memory_space<vmem>> -> memref<128xi32, #tpu.memory_space<vmem>>
        %dma_wait3A_74 = arith.constant 0 : i32
        %dma_wait3A_75 = arith.constant 0 : i32
        %dma_wait3A_76 = tpu.memref_slice %arg13[%dma_wait3A_74, %dma_wait3A_75] : memref<5120x128xf32, #tpu.memory_space<vmem_shared>> -> memref<5120x128xf32, #tpu.memory_space<vmem_shared>>
        tpu.wait_indirect_dma semaphore(%run_scoped3A : memref<!tpu.dma_semaphore, #tpu.memory_space<semaphore_mem>>) src(%arg11 : memref<128x128xf32, #tpu.memory_space<vmem>>) dst(%dma_wait3A_76 : memref<5120x128xf32, #tpu.memory_space<vmem_shared>>)
        tpu.yield
      }) : () -> ()
    }
    %scan3A_24 = arith.constant 80 : i32
    %barrier3A_25 = arith.constant 0 : index
    tpu.barrier barrier_id(%barrier3A_25)
    "tpu.region"() ({
      %run_scoped3A = tpu.sem_alloc : memref<!tpu.dma_semaphore, #tpu.memory_space<semaphore_mem>>
      %dma_start3A_27 = arith.constant 0 : i32
      %dma_start3A_28 = tpu.memref_slice %arg7[%add3A, %dma_start3A_27] : memref<10240x128xf32, #tpu.memory_space<hbm>> -> memref<320x128xf32, #tpu.memory_space<hbm>>
      %dma_start3A_29 = arith.constant 0 : i32
      %dma_start3A_30 = tpu.memref_slice %arg13[%mul3A_13, %dma_start3A_29] : memref<5120x128xf32, #tpu.memory_space<vmem_shared>> -> memref<320x128xf32, #tpu.memory_space<vmem_shared>>
      tpu.enqueue_dma source(%dma_start3A_30 : memref<320x128xf32, #tpu.memory_space<vmem_shared>>) target(%dma_start3A_28 : memref<320x128xf32, #tpu.memory_space<hbm>>) target_semaphore(%run_scoped3A : memref<!tpu.dma_semaphore, #tpu.memory_space<semaphore_mem>>)
      %dma_wait3A = arith.constant 0 : i32
      %dma_wait3A_31 = tpu.memref_slice %arg7[%add3A, %dma_wait3A] : memref<10240x128xf32, #tpu.memory_space<hbm>> -> memref<320x128xf32, #tpu.memory_space<hbm>>
      %dma_wait3A_32 = arith.constant 0 : i32
      %dma_wait3A_33 = tpu.memref_slice %arg13[%mul3A_13, %dma_wait3A_32] : memref<5120x128xf32, #tpu.memory_space<vmem_shared>> -> memref<320x128xf32, #tpu.memory_space<vmem_shared>>
      tpu.wait_dma2 semaphore(%run_scoped3A : memref<!tpu.dma_semaphore, #tpu.memory_space<semaphore_mem>>) src(%dma_wait3A_33 : memref<320x128xf32, #tpu.memory_space<vmem_shared>>) dst(%dma_wait3A_31 : memref<320x128xf32, #tpu.memory_space<hbm>>)
      tpu.yield
    }) : () -> ()
    %barrier3A_26 = arith.constant 0 : index
    tpu.barrier barrier_id(%barrier3A_26)
    return
  }
}

#map = affine_map<(d0, d1) -> (0, 0)>
module attributes {stable_mosaic.version = 14 : i64} {
  func.func @_deg_body(%arg0: i32, %arg1: i32, %arg2: memref<2560x128xi32, #tpu.memory_space<hbm>>, %arg3: memref<2560x128xi32, #tpu.memory_space<hbm>>, %arg4: memref<10240x128xf32, #tpu.memory_space<hbm>>, %arg5: memref<160x128xi32, #tpu.memory_space<vmem>>, %arg6: memref<128x128xf32, #tpu.memory_space<vmem>>, %arg7: memref<128x128xf32, #tpu.memory_space<vmem>>, %arg8: memref<5120x128xf32, #tpu.memory_space<vmem_shared>>, %arg9: memref<!tpu.dma_semaphore, #tpu.memory_space<semaphore_mem>>) attributes {dimension_semantics = [#tpu.dimension_semantics<core_parallel>, #tpu.dimension_semantics<subcore_parallel>], iteration_bounds = array<i64: 2, 16>, scalar_prefetch = 0 : i64, scratch_operands = 5 : i64, tpu.core_type = #tpu.core_type<sc_vector_subcore>, window_params = [{transform_indices = #map}, {transform_indices = #map}, {transform_indices = #map}]} {
    %scan3A = arith.constant 0 : i32
    %scan3A_0 = arith.constant 128 : i32
    %scan3A_1 = arith.addi %scan3A, %scan3A_0 : i32
    %scan3A_2 = arith.constant 1 : i32
    scf.for %scan3A_29 = %scan3A to %scan3A_1 step %scan3A_2  : i32 {
      %mul3A_30 = arith.constant 1 : i32
      %mul3A_31 = arith.muli %scan3A_29, %mul3A_30 : i32
      %add3A_32 = arith.constant 0 : i32
      %add3A_33 = arith.addi %add3A_32, %mul3A_31 : i32
      %broadcast_in_dim3A = arith.constant 1.000000e+00 : f32
      %broadcast_in_dim3A_34 = vector.broadcast %broadcast_in_dim3A : f32 to vector<16xf32>
      %swap3A = arith.index_cast %add3A_33 : i32 to index
      %swap3A_35 = arith.constant 0 : index
      %swap3A_36 = tpu.vector_load %arg6[%swap3A, %swap3A_35] {strides = array<i32>} : memref<128x128xf32, #tpu.memory_space<vmem>>, vector<1x16xf32>,
      %swap3A_37 = vector.shape_cast %swap3A_36 : vector<1x16xf32> to vector<16xf32>
      %swap3A_38 = vector.shape_cast %broadcast_in_dim3A_34 : vector<16xf32> to vector<1x16xf32>
      tpu.vector_store %arg6[%swap3A, %swap3A_35], %swap3A_38 {strides = array<i32>} : memref<128x128xf32, #tpu.memory_space<vmem>>, vector<1x16xf32>,
      %broadcast_in_dim3A_39 = arith.constant 0.000000e+00 : f32
      %broadcast_in_dim3A_40 = vector.broadcast %broadcast_in_dim3A_39 : f32 to vector<16xf32>
      %swap3A_41 = arith.index_cast %add3A_33 : i32 to index
      %swap3A_42 = arith.constant 0 : index
      %swap3A_43 = tpu.vector_load %arg7[%swap3A_41, %swap3A_42] {strides = array<i32>} : memref<128x128xf32, #tpu.memory_space<vmem>>, vector<1x16xf32>,
      %swap3A_44 = vector.shape_cast %swap3A_43 : vector<1x16xf32> to vector<16xf32>
      %swap3A_45 = vector.shape_cast %broadcast_in_dim3A_40 : vector<16xf32> to vector<1x16xf32>
      tpu.vector_store %arg7[%swap3A_41, %swap3A_42], %swap3A_45 {strides = array<i32>} : memref<128x128xf32, #tpu.memory_space<vmem>>, vector<1x16xf32>,
      %broadcast_in_dim3A_46 = arith.constant 1.000000e+00 : f32
      %broadcast_in_dim3A_47 = vector.broadcast %broadcast_in_dim3A_46 : f32 to vector<16xf32>
      %swap3A_48 = arith.index_cast %add3A_33 : i32 to index
      %swap3A_49 = arith.constant 16 : index
      %swap3A_50 = tpu.vector_load %arg6[%swap3A_48, %swap3A_49] {strides = array<i32>} : memref<128x128xf32, #tpu.memory_space<vmem>>, vector<1x16xf32>,
      %swap3A_51 = vector.shape_cast %swap3A_50 : vector<1x16xf32> to vector<16xf32>
      %swap3A_52 = vector.shape_cast %broadcast_in_dim3A_47 : vector<16xf32> to vector<1x16xf32>
      tpu.vector_store %arg6[%swap3A_48, %swap3A_49], %swap3A_52 {strides = array<i32>} : memref<128x128xf32, #tpu.memory_space<vmem>>, vector<1x16xf32>,
      %broadcast_in_dim3A_53 = arith.constant 0.000000e+00 : f32
      %broadcast_in_dim3A_54 = vector.broadcast %broadcast_in_dim3A_53 : f32 to vector<16xf32>
      %swap3A_55 = arith.index_cast %add3A_33 : i32 to index
      %swap3A_56 = arith.constant 16 : index
      %swap3A_57 = tpu.vector_load %arg7[%swap3A_55, %swap3A_56] {strides = array<i32>} : memref<128x128xf32, #tpu.memory_space<vmem>>, vector<1x16xf32>,
      %swap3A_58 = vector.shape_cast %swap3A_57 : vector<1x16xf32> to vector<16xf32>
      %swap3A_59 = vector.shape_cast %broadcast_in_dim3A_54 : vector<16xf32> to vector<1x16xf32>
      tpu.vector_store %arg7[%swap3A_55, %swap3A_56], %swap3A_59 {strides = array<i32>} : memref<128x128xf32, #tpu.memory_space<vmem>>, vector<1x16xf32>,
      %broadcast_in_dim3A_60 = arith.constant 1.000000e+00 : f32
      %broadcast_in_dim3A_61 = vector.broadcast %broadcast_in_dim3A_60 : f32 to vector<16xf32>
      %swap3A_62 = arith.index_cast %add3A_33 : i32 to index
      %swap3A_63 = arith.constant 32 : index
      %swap3A_64 = tpu.vector_load %arg6[%swap3A_62, %swap3A_63] {strides = array<i32>} : memref<128x128xf32, #tpu.memory_space<vmem>>, vector<1x16xf32>,
      %swap3A_65 = vector.shape_cast %swap3A_64 : vector<1x16xf32> to vector<16xf32>
      %swap3A_66 = vector.shape_cast %broadcast_in_dim3A_61 : vector<16xf32> to vector<1x16xf32>
      tpu.vector_store %arg6[%swap3A_62, %swap3A_63], %swap3A_66 {strides = array<i32>} : memref<128x128xf32, #tpu.memory_space<vmem>>, vector<1x16xf32>,
      %broadcast_in_dim3A_67 = arith.constant 0.000000e+00 : f32
      %broadcast_in_dim3A_68 = vector.broadcast %broadcast_in_dim3A_67 : f32 to vector<16xf32>
      %swap3A_69 = arith.index_cast %add3A_33 : i32 to index
      %swap3A_70 = arith.constant 32 : index
      %swap3A_71 = tpu.vector_load %arg7[%swap3A_69, %swap3A_70] {strides = array<i32>} : memref<128x128xf32, #tpu.memory_space<vmem>>, vector<1x16xf32>,
      %swap3A_72 = vector.shape_cast %swap3A_71 : vector<1x16xf32> to vector<16xf32>
      %swap3A_73 = vector.shape_cast %broadcast_in_dim3A_68 : vector<16xf32> to vector<1x16xf32>
      tpu.vector_store %arg7[%swap3A_69, %swap3A_70], %swap3A_73 {strides = array<i32>} : memref<128x128xf32, #tpu.memory_space<vmem>>, vector<1x16xf32>,
      %broadcast_in_dim3A_74 = arith.constant 1.000000e+00 : f32
      %broadcast_in_dim3A_75 = vector.broadcast %broadcast_in_dim3A_74 : f32 to vector<16xf32>
      %swap3A_76 = arith.index_cast %add3A_33 : i32 to index
      %swap3A_77 = arith.constant 48 : index
      %swap3A_78 = tpu.vector_load %arg6[%swap3A_76, %swap3A_77] {strides = array<i32>} : memref<128x128xf32, #tpu.memory_space<vmem>>, vector<1x16xf32>,
      %swap3A_79 = vector.shape_cast %swap3A_78 : vector<1x16xf32> to vector<16xf32>
      %swap3A_80 = vector.shape_cast %broadcast_in_dim3A_75 : vector<16xf32> to vector<1x16xf32>
      tpu.vector_store %arg6[%swap3A_76, %swap3A_77], %swap3A_80 {strides = array<i32>} : memref<128x128xf32, #tpu.memory_space<vmem>>, vector<1x16xf32>,
      %broadcast_in_dim3A_81 = arith.constant 0.000000e+00 : f32
      %broadcast_in_dim3A_82 = vector.broadcast %broadcast_in_dim3A_81 : f32 to vector<16xf32>
      %swap3A_83 = arith.index_cast %add3A_33 : i32 to index
      %swap3A_84 = arith.constant 48 : index
      %swap3A_85 = tpu.vector_load %arg7[%swap3A_83, %swap3A_84] {strides = array<i32>} : memref<128x128xf32, #tpu.memory_space<vmem>>, vector<1x16xf32>,
      %swap3A_86 = vector.shape_cast %swap3A_85 : vector<1x16xf32> to vector<16xf32>
      %swap3A_87 = vector.shape_cast %broadcast_in_dim3A_82 : vector<16xf32> to vector<1x16xf32>
      tpu.vector_store %arg7[%swap3A_83, %swap3A_84], %swap3A_87 {strides = array<i32>} : memref<128x128xf32, #tpu.memory_space<vmem>>, vector<1x16xf32>,
      %broadcast_in_dim3A_88 = arith.constant 1.000000e+00 : f32
      %broadcast_in_dim3A_89 = vector.broadcast %broadcast_in_dim3A_88 : f32 to vector<16xf32>
      %swap3A_90 = arith.index_cast %add3A_33 : i32 to index
      %swap3A_91 = arith.constant 64 : index
      %swap3A_92 = tpu.vector_load %arg6[%swap3A_90, %swap3A_91] {strides = array<i32>} : memref<128x128xf32, #tpu.memory_space<vmem>>, vector<1x16xf32>,
      %swap3A_93 = vector.shape_cast %swap3A_92 : vector<1x16xf32> to vector<16xf32>
      %swap3A_94 = vector.shape_cast %broadcast_in_dim3A_89 : vector<16xf32> to vector<1x16xf32>
      tpu.vector_store %arg6[%swap3A_90, %swap3A_91], %swap3A_94 {strides = array<i32>} : memref<128x128xf32, #tpu.memory_space<vmem>>, vector<1x16xf32>,
      %broadcast_in_dim3A_95 = arith.constant 0.000000e+00 : f32
      %broadcast_in_dim3A_96 = vector.broadcast %broadcast_in_dim3A_95 : f32 to vector<16xf32>
      %swap3A_97 = arith.index_cast %add3A_33 : i32 to index
      %swap3A_98 = arith.constant 64 : index
      %swap3A_99 = tpu.vector_load %arg7[%swap3A_97, %swap3A_98] {strides = array<i32>} : memref<128x128xf32, #tpu.memory_space<vmem>>, vector<1x16xf32>,
      %swap3A_100 = vector.shape_cast %swap3A_99 : vector<1x16xf32> to vector<16xf32>
      %swap3A_101 = vector.shape_cast %broadcast_in_dim3A_96 : vector<16xf32> to vector<1x16xf32>
      tpu.vector_store %arg7[%swap3A_97, %swap3A_98], %swap3A_101 {strides = array<i32>} : memref<128x128xf32, #tpu.memory_space<vmem>>, vector<1x16xf32>,
      %broadcast_in_dim3A_102 = arith.constant 1.000000e+00 : f32
      %broadcast_in_dim3A_103 = vector.broadcast %broadcast_in_dim3A_102 : f32 to vector<16xf32>
      %swap3A_104 = arith.index_cast %add3A_33 : i32 to index
      %swap3A_105 = arith.constant 80 : index
      %swap3A_106 = tpu.vector_load %arg6[%swap3A_104, %swap3A_105] {strides = array<i32>} : memref<128x128xf32, #tpu.memory_space<vmem>>, vector<1x16xf32>,
      %swap3A_107 = vector.shape_cast %swap3A_106 : vector<1x16xf32> to vector<16xf32>
      %swap3A_108 = vector.shape_cast %broadcast_in_dim3A_103 : vector<16xf32> to vector<1x16xf32>
      tpu.vector_store %arg6[%swap3A_104, %swap3A_105], %swap3A_108 {strides = array<i32>} : memref<128x128xf32, #tpu.memory_space<vmem>>, vector<1x16xf32>,
      %broadcast_in_dim3A_109 = arith.constant 0.000000e+00 : f32
      %broadcast_in_dim3A_110 = vector.broadcast %broadcast_in_dim3A_109 : f32 to vector<16xf32>
      %swap3A_111 = arith.index_cast %add3A_33 : i32 to index
      %swap3A_112 = arith.constant 80 : index
      %swap3A_113 = tpu.vector_load %arg7[%swap3A_111, %swap3A_112] {strides = array<i32>} : memref<128x128xf32, #tpu.memory_space<vmem>>, vector<1x16xf32>,
      %swap3A_114 = vector.shape_cast %swap3A_113 : vector<1x16xf32> to vector<16xf32>
      %swap3A_115 = vector.shape_cast %broadcast_in_dim3A_110 : vector<16xf32> to vector<1x16xf32>
      tpu.vector_store %arg7[%swap3A_111, %swap3A_112], %swap3A_115 {strides = array<i32>} : memref<128x128xf32, #tpu.memory_space<vmem>>, vector<1x16xf32>,
      %broadcast_in_dim3A_116 = arith.constant 1.000000e+00 : f32
      %broadcast_in_dim3A_117 = vector.broadcast %broadcast_in_dim3A_116 : f32 to vector<16xf32>
      %swap3A_118 = arith.index_cast %add3A_33 : i32 to index
      %swap3A_119 = arith.constant 96 : index
      %swap3A_120 = tpu.vector_load %arg6[%swap3A_118, %swap3A_119] {strides = array<i32>} : memref<128x128xf32, #tpu.memory_space<vmem>>, vector<1x16xf32>,
      %swap3A_121 = vector.shape_cast %swap3A_120 : vector<1x16xf32> to vector<16xf32>
      %swap3A_122 = vector.shape_cast %broadcast_in_dim3A_117 : vector<16xf32> to vector<1x16xf32>
      tpu.vector_store %arg6[%swap3A_118, %swap3A_119], %swap3A_122 {strides = array<i32>} : memref<128x128xf32, #tpu.memory_space<vmem>>, vector<1x16xf32>,
      %broadcast_in_dim3A_123 = arith.constant 0.000000e+00 : f32
      %broadcast_in_dim3A_124 = vector.broadcast %broadcast_in_dim3A_123 : f32 to vector<16xf32>
      %swap3A_125 = arith.index_cast %add3A_33 : i32 to index
      %swap3A_126 = arith.constant 96 : index
      %swap3A_127 = tpu.vector_load %arg7[%swap3A_125, %swap3A_126] {strides = array<i32>} : memref<128x128xf32, #tpu.memory_space<vmem>>, vector<1x16xf32>,
      %swap3A_128 = vector.shape_cast %swap3A_127 : vector<1x16xf32> to vector<16xf32>
      %swap3A_129 = vector.shape_cast %broadcast_in_dim3A_124 : vector<16xf32> to vector<1x16xf32>
      tpu.vector_store %arg7[%swap3A_125, %swap3A_126], %swap3A_129 {strides = array<i32>} : memref<128x128xf32, #tpu.memory_space<vmem>>, vector<1x16xf32>,
      %broadcast_in_dim3A_130 = arith.constant 1.000000e+00 : f32
      %broadcast_in_dim3A_131 = vector.broadcast %broadcast_in_dim3A_130 : f32 to vector<16xf32>
      %swap3A_132 = arith.index_cast %add3A_33 : i32 to index
      %swap3A_133 = arith.constant 112 : index
      %swap3A_134 = tpu.vector_load %arg6[%swap3A_132, %swap3A_133] {strides = array<i32>} : memref<128x128xf32, #tpu.memory_space<vmem>>, vector<1x16xf32>,
      %swap3A_135 = vector.shape_cast %swap3A_134 : vector<1x16xf32> to vector<16xf32>
      %swap3A_136 = vector.shape_cast %broadcast_in_dim3A_131 : vector<16xf32> to vector<1x16xf32>
      tpu.vector_store %arg6[%swap3A_132, %swap3A_133], %swap3A_136 {strides = array<i32>} : memref<128x128xf32, #tpu.memory_space<vmem>>, vector<1x16xf32>,
      %broadcast_in_dim3A_137 = arith.constant 0.000000e+00 : f32
      %broadcast_in_dim3A_138 = vector.broadcast %broadcast_in_dim3A_137 : f32 to vector<16xf32>
      %swap3A_139 = arith.index_cast %add3A_33 : i32 to index
      %swap3A_140 = arith.constant 112 : index
      %swap3A_141 = tpu.vector_load %arg7[%swap3A_139, %swap3A_140] {strides = array<i32>} : memref<128x128xf32, #tpu.memory_space<vmem>>, vector<1x16xf32>,
      %swap3A_142 = vector.shape_cast %swap3A_141 : vector<1x16xf32> to vector<16xf32>
      %swap3A_143 = vector.shape_cast %broadcast_in_dim3A_138 : vector<16xf32> to vector<1x16xf32>
      tpu.vector_store %arg7[%swap3A_139, %swap3A_140], %swap3A_143 {strides = array<i32>} : memref<128x128xf32, #tpu.memory_space<vmem>>, vector<1x16xf32>,
    }
    %scan3A_3 = arith.constant 128 : i32
    %mul3A = arith.constant 320 : i32
    %mul3A_4 = arith.muli %arg1, %mul3A : i32
    %add3A = arith.constant 0 : i32
    %add3A_5 = arith.addi %mul3A_4, %add3A : i32
    "tpu.region"() ({
      %run_scoped3A = tpu.sem_alloc : memref<!tpu.dma_semaphore, #tpu.memory_space<semaphore_mem>>
      %dma_start3A = arith.constant 0 : i32
      %dma_start3A_29 = tpu.memref_slice %arg8[%add3A_5, %dma_start3A] : memref<5120x128xf32, #tpu.memory_space<vmem_shared>> -> memref<128x128xf32, #tpu.memory_space<vmem_shared>>
      %dma_start3A_30 = arith.constant 0 : i32
      %dma_start3A_31 = tpu.memref_slice %arg8[%add3A_5, %dma_start3A_30] : memref<5120x128xf32, #tpu.memory_space<vmem_shared>> -> memref<128x128xf32, #tpu.memory_space<vmem_shared>>
      tpu.enqueue_dma source(%arg7 : memref<128x128xf32, #tpu.memory_space<vmem>>) target(%dma_start3A_31 : memref<128x128xf32, #tpu.memory_space<vmem_shared>>) target_semaphore(%run_scoped3A : memref<!tpu.dma_semaphore, #tpu.memory_space<semaphore_mem>>)
      %dma_wait3A = arith.constant 0 : i32
      %dma_wait3A_32 = tpu.memref_slice %arg8[%add3A_5, %dma_wait3A] : memref<5120x128xf32, #tpu.memory_space<vmem_shared>> -> memref<128x128xf32, #tpu.memory_space<vmem_shared>>
      %dma_wait3A_33 = arith.constant 0 : i32
      %dma_wait3A_34 = tpu.memref_slice %arg8[%add3A_5, %dma_wait3A_33] : memref<5120x128xf32, #tpu.memory_space<vmem_shared>> -> memref<128x128xf32, #tpu.memory_space<vmem_shared>>
      tpu.wait_dma2 semaphore(%run_scoped3A : memref<!tpu.dma_semaphore, #tpu.memory_space<semaphore_mem>>) src(%arg7 : memref<128x128xf32, #tpu.memory_space<vmem>>) dst(%dma_wait3A_34 : memref<128x128xf32, #tpu.memory_space<vmem_shared>>)
      tpu.yield
    }) : () -> ()
    %add3A_6 = arith.constant 128 : i32
    %add3A_7 = arith.addi %mul3A_4, %add3A_6 : i32
    "tpu.region"() ({
      %run_scoped3A = tpu.sem_alloc : memref<!tpu.dma_semaphore, #tpu.memory_space<semaphore_mem>>
      %dma_start3A = arith.constant 0 : i32
      %dma_start3A_29 = tpu.memref_slice %arg8[%add3A_7, %dma_start3A] : memref<5120x128xf32, #tpu.memory_space<vmem_shared>> -> memref<128x128xf32, #tpu.memory_space<vmem_shared>>
      %dma_start3A_30 = arith.constant 0 : i32
      %dma_start3A_31 = tpu.memref_slice %arg8[%add3A_7, %dma_start3A_30] : memref<5120x128xf32, #tpu.memory_space<vmem_shared>> -> memref<128x128xf32, #tpu.memory_space<vmem_shared>>
      tpu.enqueue_dma source(%arg7 : memref<128x128xf32, #tpu.memory_space<vmem>>) target(%dma_start3A_31 : memref<128x128xf32, #tpu.memory_space<vmem_shared>>) target_semaphore(%run_scoped3A : memref<!tpu.dma_semaphore, #tpu.memory_space<semaphore_mem>>)
      %dma_wait3A = arith.constant 0 : i32
      %dma_wait3A_32 = tpu.memref_slice %arg8[%add3A_7, %dma_wait3A] : memref<5120x128xf32, #tpu.memory_space<vmem_shared>> -> memref<128x128xf32, #tpu.memory_space<vmem_shared>>
      %dma_wait3A_33 = arith.constant 0 : i32
      %dma_wait3A_34 = tpu.memref_slice %arg8[%add3A_7, %dma_wait3A_33] : memref<5120x128xf32, #tpu.memory_space<vmem_shared>> -> memref<128x128xf32, #tpu.memory_space<vmem_shared>>
      tpu.wait_dma2 semaphore(%run_scoped3A : memref<!tpu.dma_semaphore, #tpu.memory_space<semaphore_mem>>) src(%arg7 : memref<128x128xf32, #tpu.memory_space<vmem>>) dst(%dma_wait3A_34 : memref<128x128xf32, #tpu.memory_space<vmem_shared>>)
      tpu.yield
    }) : () -> ()
    %add3A_8 = arith.constant 320 : i32
    %add3A_9 = arith.addi %mul3A_4, %add3A_8 : i32
    %sub3A = arith.constant 64 : i32
    %sub3A_10 = arith.subi %add3A_9, %sub3A : i32
    "tpu.region"() ({
      %run_scoped3A = tpu.sem_alloc : memref<!tpu.dma_semaphore, #tpu.memory_space<semaphore_mem>>
      %dma_start3A = arith.constant 0 : i32
      %dma_start3A_29 = arith.constant 0 : i32
      %dma_start3A_30 = tpu.memref_slice %arg7[%dma_start3A, %dma_start3A_29] : memref<128x128xf32, #tpu.memory_space<vmem>> -> memref<64x128xf32, #tpu.memory_space<vmem>>
      %dma_start3A_31 = arith.constant 0 : i32
      %dma_start3A_32 = tpu.memref_slice %arg8[%sub3A_10, %dma_start3A_31] : memref<5120x128xf32, #tpu.memory_space<vmem_shared>> -> memref<64x128xf32, #tpu.memory_space<vmem_shared>>
      %dma_start3A_33 = arith.constant 0 : i32
      %dma_start3A_34 = tpu.memref_slice %arg8[%sub3A_10, %dma_start3A_33] : memref<5120x128xf32, #tpu.memory_space<vmem_shared>> -> memref<64x128xf32, #tpu.memory_space<vmem_shared>>
      %dma_start3A_35 = arith.constant 0 : i32
      %dma_start3A_36 = arith.constant 0 : i32
      %dma_start3A_37 = tpu.memref_slice %arg7[%dma_start3A_35, %dma_start3A_36] : memref<128x128xf32, #tpu.memory_space<vmem>> -> memref<64x128xf32, #tpu.memory_space<vmem>>
      tpu.enqueue_dma source(%dma_start3A_37 : memref<64x128xf32, #tpu.memory_space<vmem>>) target(%dma_start3A_34 : memref<64x128xf32, #tpu.memory_space<vmem_shared>>) target_semaphore(%run_scoped3A : memref<!tpu.dma_semaphore, #tpu.memory_space<semaphore_mem>>)
      %dma_wait3A = arith.constant 0 : i32
      %dma_wait3A_38 = arith.constant 0 : i32
      %dma_wait3A_39 = tpu.memref_slice %arg7[%dma_wait3A, %dma_wait3A_38] : memref<128x128xf32, #tpu.memory_space<vmem>> -> memref<64x128xf32, #tpu.memory_space<vmem>>
      %dma_wait3A_40 = arith.constant 0 : i32
      %dma_wait3A_41 = tpu.memref_slice %arg8[%sub3A_10, %dma_wait3A_40] : memref<5120x128xf32, #tpu.memory_space<vmem_shared>> -> memref<64x128xf32, #tpu.memory_space<vmem_shared>>
      %dma_wait3A_42 = arith.constant 0 : i32
      %dma_wait3A_43 = tpu.memref_slice %arg8[%sub3A_10, %dma_wait3A_42] : memref<5120x128xf32, #tpu.memory_space<vmem_shared>> -> memref<64x128xf32, #tpu.memory_space<vmem_shared>>
      %dma_wait3A_44 = arith.constant 0 : i32
      %dma_wait3A_45 = arith.constant 0 : i32
      %dma_wait3A_46 = tpu.memref_slice %arg7[%dma_wait3A_44, %dma_wait3A_45] : memref<128x128xf32, #tpu.memory_space<vmem>> -> memref<64x128xf32, #tpu.memory_space<vmem>>
      tpu.wait_dma2 semaphore(%run_scoped3A : memref<!tpu.dma_semaphore, #tpu.memory_space<semaphore_mem>>) src(%dma_wait3A_46 : memref<64x128xf32, #tpu.memory_space<vmem>>) dst(%dma_wait3A_43 : memref<64x128xf32, #tpu.memory_space<vmem_shared>>)
      tpu.yield
    }) : () -> ()
    %mul3A_11 = arith.constant 160 : i32
    %mul3A_12 = arith.muli %arg1, %mul3A_11 : i32
    %eq3A = arith.constant 0 : i32
    %eq3A_13 = arith.cmpi eq, %arg0, %eq3A : i32
    %convert_element_type3A = arith.extui %eq3A_13 : i1 to i32
    %cond3A = arith.constant 0 : i32
    %cond3A_14 = arith.cmpi ne, %convert_element_type3A, %cond3A : i32
    scf.if %cond3A_14 {
      "tpu.region"() ({
        %run_scoped3A = tpu.sem_alloc : memref<!tpu.dma_semaphore, #tpu.memory_space<semaphore_mem>>
        %dma_start3A = arith.constant 0 : i32
        %dma_start3A_29 = tpu.memref_slice %arg2[%mul3A_12, %dma_start3A] : memref<2560x128xi32, #tpu.memory_space<hbm>> -> memref<160x128xi32, #tpu.memory_space<hbm>>
        %dma_start3A_30 = arith.constant 0 : i32
        %dma_start3A_31 = tpu.memref_slice %arg2[%mul3A_12, %dma_start3A_30] : memref<2560x128xi32, #tpu.memory_space<hbm>> -> memref<160x128xi32, #tpu.memory_space<hbm>>
        tpu.enqueue_dma source(%dma_start3A_31 : memref<160x128xi32, #tpu.memory_space<hbm>>) target(%arg5 : memref<160x128xi32, #tpu.memory_space<vmem>>) target_semaphore(%run_scoped3A : memref<!tpu.dma_semaphore, #tpu.memory_space<semaphore_mem>>)
        %dma_wait3A = arith.constant 0 : i32
        %dma_wait3A_32 = tpu.memref_slice %arg2[%mul3A_12, %dma_wait3A] : memref<2560x128xi32, #tpu.memory_space<hbm>> -> memref<160x128xi32, #tpu.memory_space<hbm>>
        %dma_wait3A_33 = arith.constant 0 : i32
        %dma_wait3A_34 = tpu.memref_slice %arg2[%mul3A_12, %dma_wait3A_33] : memref<2560x128xi32, #tpu.memory_space<hbm>> -> memref<160x128xi32, #tpu.memory_space<hbm>>
        tpu.wait_dma2 semaphore(%run_scoped3A : memref<!tpu.dma_semaphore, #tpu.memory_space<semaphore_mem>>) src(%dma_wait3A_34 : memref<160x128xi32, #tpu.memory_space<hbm>>) dst(%arg5 : memref<160x128xi32, #tpu.memory_space<vmem>>)
        tpu.yield
      }) : () -> ()
    } else {
    }
    %eq3A_15 = arith.constant 1 : i32
    %eq3A_16 = arith.cmpi eq, %arg0, %eq3A_15 : i32
    %convert_element_type3A_17 = arith.extui %eq3A_16 : i1 to i32
    %cond3A_18 = arith.constant 0 : i32
    %cond3A_19 = arith.cmpi ne, %convert_element_type3A_17, %cond3A_18 : i32
    scf.if %cond3A_19 {
      "tpu.region"() ({
        %run_scoped3A = tpu.sem_alloc : memref<!tpu.dma_semaphore, #tpu.memory_space<semaphore_mem>>
        %dma_start3A = arith.constant 0 : i32
        %dma_start3A_29 = tpu.memref_slice %arg3[%mul3A_12, %dma_start3A] : memref<2560x128xi32, #tpu.memory_space<hbm>> -> memref<160x128xi32, #tpu.memory_space<hbm>>
        %dma_start3A_30 = arith.constant 0 : i32
        %dma_start3A_31 = tpu.memref_slice %arg3[%mul3A_12, %dma_start3A_30] : memref<2560x128xi32, #tpu.memory_space<hbm>> -> memref<160x128xi32, #tpu.memory_space<hbm>>
        tpu.enqueue_dma source(%dma_start3A_31 : memref<160x128xi32, #tpu.memory_space<hbm>>) target(%arg5 : memref<160x128xi32, #tpu.memory_space<vmem>>) target_semaphore(%run_scoped3A : memref<!tpu.dma_semaphore, #tpu.memory_space<semaphore_mem>>)
        %dma_wait3A = arith.constant 0 : i32
        %dma_wait3A_32 = tpu.memref_slice %arg3[%mul3A_12, %dma_wait3A] : memref<2560x128xi32, #tpu.memory_space<hbm>> -> memref<160x128xi32, #tpu.memory_space<hbm>>
        %dma_wait3A_33 = arith.constant 0 : i32
        %dma_wait3A_34 = tpu.memref_slice %arg3[%mul3A_12, %dma_wait3A_33] : memref<2560x128xi32, #tpu.memory_space<hbm>> -> memref<160x128xi32, #tpu.memory_space<hbm>>
        tpu.wait_dma2 semaphore(%run_scoped3A : memref<!tpu.dma_semaphore, #tpu.memory_space<semaphore_mem>>) src(%dma_wait3A_34 : memref<160x128xi32, #tpu.memory_space<hbm>>) dst(%arg5 : memref<160x128xi32, #tpu.memory_space<vmem>>)
        tpu.yield
      }) : () -> ()
    } else {
    }
    %barrier3A = arith.constant 0 : index
    tpu.barrier barrier_id(%barrier3A)
    %scan3A_20 = arith.constant 0 : i32
    %scan3A_21 = arith.constant 160 : i32
    %scan3A_22 = arith.addi %scan3A_20, %scan3A_21 : i32
    %scan3A_23 = arith.constant 1 : i32
    scf.for %scan3A_29 = %scan3A_20 to %scan3A_22 step %scan3A_23  : i32 {
      %mul3A_30 = arith.constant 1 : i32
      %mul3A_31 = arith.muli %scan3A_29, %mul3A_30 : i32
      %add3A_32 = arith.constant 0 : i32
      %add3A_33 = arith.addi %add3A_32, %mul3A_31 : i32
      "tpu.region"() ({
        %run_scoped3A = tpu.sem_alloc : memref<!tpu.dma_semaphore, #tpu.memory_space<semaphore_mem>>
        %dma_start3A = arith.constant 0 : i32
        %dma_start3A_34 = tpu.memref_slice %arg5[%add3A_33, %dma_start3A] : memref<160x128xi32, #tpu.memory_space<vmem>> -> memref<1x128xi32, #tpu.memory_space<vmem>>
        %dma_start3A_35 = tpu.memref_squeeze %dma_start3A_34 : memref<1x128xi32, #tpu.memory_space<vmem>> -> memref<128xi32, #tpu.memory_space<vmem>>
        %dma_start3A_36 = arith.constant 0 : i32
        %dma_start3A_37 = arith.constant 0 : i32
        %dma_start3A_38 = tpu.memref_slice %arg8[%dma_start3A_36, %dma_start3A_37] : memref<5120x128xf32, #tpu.memory_space<vmem_shared>> -> memref<5120x128xf32, #tpu.memory_space<vmem_shared>>
        %dma_start3A_39 = arith.constant -1 : i32
        tpu.enqueue_indirect_dma source(%arg6 : memref<128x128xf32, #tpu.memory_space<vmem>>) target(%dma_start3A_38 : memref<5120x128xf32, #tpu.memory_space<vmem_shared>>) offsets(%dma_start3A_35 : memref<128xi32, #tpu.memory_space<vmem>>) offset_filter(%dma_start3A_39) semaphore(%run_scoped3A : memref<!tpu.dma_semaphore, #tpu.memory_space<semaphore_mem>>) {add = true}
        %dma_wait3A = arith.constant 0 : i32
        %dma_wait3A_40 = tpu.memref_slice %arg5[%add3A_33, %dma_wait3A] : memref<160x128xi32, #tpu.memory_space<vmem>> -> memref<1x128xi32, #tpu.memory_space<vmem>>
        %dma_wait3A_41 = tpu.memref_squeeze %dma_wait3A_40 : memref<1x128xi32, #tpu.memory_space<vmem>> -> memref<128xi32, #tpu.memory_space<vmem>>
        %dma_wait3A_42 = arith.constant 0 : i32
        %dma_wait3A_43 = arith.constant 0 : i32
        %dma_wait3A_44 = tpu.memref_slice %arg8[%dma_wait3A_42, %dma_wait3A_43] : memref<5120x128xf32, #tpu.memory_space<vmem_shared>> -> memref<5120x128xf32, #tpu.memory_space<vmem_shared>>
        tpu.wait_indirect_dma semaphore(%run_scoped3A : memref<!tpu.dma_semaphore, #tpu.memory_space<semaphore_mem>>) src(%arg6 : memref<128x128xf32, #tpu.memory_space<vmem>>) dst(%dma_wait3A_44 : memref<5120x128xf32, #tpu.memory_space<vmem_shared>>)
        tpu.yield
      }) : () -> ()
    }
    %scan3A_24 = arith.constant 160 : i32
    %barrier3A_25 = arith.constant 0 : index
    tpu.barrier barrier_id(%barrier3A_25)
    %mul3A_26 = arith.constant 5120 : i32
    %mul3A_27 = arith.muli %arg0, %mul3A_26 : i32
    %add3A_28 = arith.addi %mul3A_27, %mul3A_4 : i32
    "tpu.region"() ({
      %run_scoped3A = tpu.sem_alloc : memref<!tpu.dma_semaphore, #tpu.memory_space<semaphore_mem>>
      %dma_start3A = arith.constant 0 : i32
      %dma_start3A_29 = tpu.memref_slice %arg4[%add3A_28, %dma_start3A] : memref<10240x128xf32, #tpu.memory_space<hbm>> -> memref<320x128xf32, #tpu.memory_space<hbm>>
      %dma_start3A_30 = arith.constant 0 : i32
      %dma_start3A_31 = tpu.memref_slice %arg8[%mul3A_4, %dma_start3A_30] : memref<5120x128xf32, #tpu.memory_space<vmem_shared>> -> memref<320x128xf32, #tpu.memory_space<vmem_shared>>
      tpu.enqueue_dma source(%dma_start3A_31 : memref<320x128xf32, #tpu.memory_space<vmem_shared>>) target(%dma_start3A_29 : memref<320x128xf32, #tpu.memory_space<hbm>>) target_semaphore(%run_scoped3A : memref<!tpu.dma_semaphore, #tpu.memory_space<semaphore_mem>>)
      %dma_wait3A = arith.constant 0 : i32
      %dma_wait3A_32 = tpu.memref_slice %arg4[%add3A_28, %dma_wait3A] : memref<10240x128xf32, #tpu.memory_space<hbm>> -> memref<320x128xf32, #tpu.memory_space<hbm>>
      %dma_wait3A_33 = arith.constant 0 : i32
      %dma_wait3A_34 = tpu.memref_slice %arg8[%mul3A_4, %dma_wait3A_33] : memref<5120x128xf32, #tpu.memory_space<vmem_shared>> -> memref<320x128xf32, #tpu.memory_space<vmem_shared>>
      tpu.wait_dma2 semaphore(%run_scoped3A : memref<!tpu.dma_semaphore, #tpu.memory_space<semaphore_mem>>) src(%dma_wait3A_34 : memref<320x128xf32, #tpu.memory_space<vmem_shared>>) dst(%dma_wait3A_32 : memref<320x128xf32, #tpu.memory_space<hbm>>)
      tpu.yield
    }) : () -> ()
    return
  }
}

module attributes {stable_mosaic.version = 14 : i64} {
  func.func @_remap_body(%arg0: i32, %arg1: memref<160x128xi32, #tpu.memory_space<vmem>>, %arg2: memref<160x128xi32, #tpu.memory_space<vmem>>, %arg3: memref<160x128xi32, #tpu.memory_space<vmem>>, %arg4: memref<160x128xi32, #tpu.memory_space<vmem>>, %arg5: memref<160x128xi32, #tpu.memory_space<vmem>>, %arg6: memref<160x128xi32, #tpu.memory_space<vmem>>) attributes {dimension_semantics = [#tpu.dimension_semantics<arbitrary>], iteration_bounds = array<i64: 16>, scalar_prefetch = 0 : i64, scratch_operands = 0 : i64, tpu.core_type = #tpu.core_type<tc>, window_params = [{transform_indices = @transform_0, window_bounds = array<i64: 160, 128>}, {transform_indices = @transform_1, window_bounds = array<i64: 160, 128>}, {transform_indices = @transform_2, window_bounds = array<i64: 160, 128>}, {transform_indices = @transform_3, window_bounds = array<i64: 160, 128>}, {transform_indices = @transform_4, window_bounds = array<i64: 160, 128>}, {transform_indices = @transform_5, window_bounds = array<i64: 160, 128>}]} {
    %get3A = arith.constant 0 : index
    %get3A_0 = arith.constant 0 : index
    %get3A_1 = vector.load %arg1[%get3A, %get3A_0] : memref<160x128xi32, #tpu.memory_space<vmem>>, vector<160x128xi32>
    %get3A_2 = arith.constant 0 : index
    %get3A_3 = arith.constant 0 : index
    %get3A_4 = vector.load %arg2[%get3A_2, %get3A_3] : memref<160x128xi32, #tpu.memory_space<vmem>>, vector<160x128xi32>
    %lt3A = arith.constant 5120 : i32
    %lt3A_5 = vector.broadcast %lt3A : i32 to vector<160x128xi32>
    %lt3A_6 = arith.cmpi slt, %get3A_4, %lt3A_5 : vector<160x128xi32>
    %ge3A = arith.constant 5120 : i32
    %ge3A_7 = vector.broadcast %ge3A : i32 to vector<160x128xi32>
    %ge3A_8 = arith.cmpi sge, %get3A_4, %ge3A_7 : vector<160x128xi32>
    %lt3A_9 = arith.constant 10000 : i32
    %lt3A_10 = vector.broadcast %lt3A_9 : i32 to vector<160x128xi32>
    %lt3A_11 = arith.cmpi slt, %get3A_4, %lt3A_10 : vector<160x128xi32>
    %and3A = arith.andi %ge3A_8, %lt3A_11 : vector<160x128xi1>
    %broadcast_in_dim3A = arith.constant -1 : i32
    %broadcast_in_dim3A_12 = vector.broadcast %broadcast_in_dim3A : i32 to vector<160x128xi32>
    %select_n3A = arith.select %lt3A_6, %get3A_1, %broadcast_in_dim3A_12 : vector<160x128xi1>, vector<160x128xi32>
    %swap3A = arith.constant 0 : index
    %swap3A_13 = arith.constant 0 : index
    %swap3A_14 = vector.load %arg3[%swap3A, %swap3A_13] : memref<160x128xi32, #tpu.memory_space<vmem>>, vector<160x128xi32>
    tpu.vector_store %arg3[%swap3A, %swap3A_13], %select_n3A {strides = array<i32>} : memref<160x128xi32, #tpu.memory_space<vmem>>, vector<160x128xi32>,
    %select_n3A_15 = arith.select %and3A, %get3A_1, %broadcast_in_dim3A_12 : vector<160x128xi1>, vector<160x128xi32>
    %swap3A_16 = arith.constant 0 : index
    %swap3A_17 = arith.constant 0 : index
    %swap3A_18 = vector.load %arg4[%swap3A_16, %swap3A_17] : memref<160x128xi32, #tpu.memory_space<vmem>>, vector<160x128xi32>
    tpu.vector_store %arg4[%swap3A_16, %swap3A_17], %select_n3A_15 {strides = array<i32>} : memref<160x128xi32, #tpu.memory_space<vmem>>, vector<160x128xi32>,
    %select_n3A_19 = arith.select %lt3A_6, %get3A_4, %broadcast_in_dim3A_12 : vector<160x128xi1>, vector<160x128xi32>
    %swap3A_20 = arith.constant 0 : index
    %swap3A_21 = arith.constant 0 : index
    %swap3A_22 = vector.load %arg5[%swap3A_20, %swap3A_21] : memref<160x128xi32, #tpu.memory_space<vmem>>, vector<160x128xi32>
    tpu.vector_store %arg5[%swap3A_20, %swap3A_21], %select_n3A_19 {strides = array<i32>} : memref<160x128xi32, #tpu.memory_space<vmem>>, vector<160x128xi32>,
    %sub3A = arith.constant 5120 : i32
    %sub3A_23 = vector.broadcast %sub3A : i32 to vector<160x128xi32>
    %sub3A_24 = arith.subi %get3A_4, %sub3A_23 : vector<160x128xi32>
    %select_n3A_25 = arith.select %and3A, %sub3A_24, %broadcast_in_dim3A_12 : vector<160x128xi1>, vector<160x128xi32>
    %swap3A_26 = arith.constant 0 : index
    %swap3A_27 = arith.constant 0 : index
    %swap3A_28 = vector.load %arg6[%swap3A_26, %swap3A_27] : memref<160x128xi32, #tpu.memory_space<vmem>>, vector<160x128xi32>
    tpu.vector_store %arg6[%swap3A_26, %swap3A_27], %select_n3A_25 {strides = array<i32>} : memref<160x128xi32, #tpu.memory_space<vmem>>, vector<160x128xi32>,
    return
  }
  func.func @transform_0(%arg0: i32) -> (i32, i32) {
    %c0_i32 = arith.constant 0 : i32
    %c0_i32_0 = arith.constant 0 : i32
    return %arg0, %c0_i32 : i32, i32
  }
  func.func @transform_1(%arg0: i32) -> (i32, i32) {
    %c0_i32 = arith.constant 0 : i32
    %c0_i32_0 = arith.constant 0 : i32
    return %arg0, %c0_i32 : i32, i32
  }
  func.func @transform_2(%arg0: i32) -> (i32, i32) {
    %c0_i32 = arith.constant 0 : i32
    %c0_i32_0 = arith.constant 0 : i32
    return %arg0, %c0_i32 : i32, i32
  }
  func.func @transform_3(%arg0: i32) -> (i32, i32) {
    %c0_i32 = arith.constant 0 : i32
    %c0_i32_0 = arith.constant 0 : i32
    return %arg0, %c0_i32 : i32, i32
  }
  func.func @transform_4(%arg0: i32) -> (i32, i32) {
    %c0_i32 = arith.constant 0 : i32
    %c0_i32_0 = arith.constant 0 : i32
    return %arg0, %c0_i32 : i32, i32
  }
  func.func @transform_5(%arg0: i32) -> (i32, i32) {
    %c0_i32 = arith.constant 0 : i32
    %c0_i32_0 = arith.constant 0 : i32
    return %arg0, %c0_i32 : i32, i32
  }
}

module attributes {stable_mosaic.version = 14 : i64} {
  func.func @_tc1_body(%arg0: i32, %arg1: memref<512x128xf32, #tpu.memory_space<vmem>>, %arg2: memref<512x128xf32, #tpu.memory_space<vmem>>, %arg3: memref<128x128xf32, #tpu.memory_space<vmem>>, %arg4: memref<128x128xf32, #tpu.memory_space<vmem>>, %arg5: memref<512x128xf32, #tpu.memory_space<vmem>>, %arg6: memref<512x128xf32, #tpu.memory_space<vmem>>) attributes {dimension_semantics = [#tpu.dimension_semantics<arbitrary>], iteration_bounds = array<i64: 20>, scalar_prefetch = 0 : i64, scratch_operands = 0 : i64, tpu.core_type = #tpu.core_type<tc>, window_params = [{transform_indices = @transform_0, window_bounds = array<i64: 512, 128>}, {transform_indices = @transform_1, window_bounds = array<i64: 512, 128>}, {pipeline_mode = #tpu.pipeline_mode<synchronous>, transform_indices = @transform_2, window_bounds = array<i64: 128, 128>}, {pipeline_mode = #tpu.pipeline_mode<synchronous>, transform_indices = @transform_3, window_bounds = array<i64: 128, 128>}, {transform_indices = @transform_4, window_bounds = array<i64: 512, 128>}, {transform_indices = @transform_5, window_bounds = array<i64: 512, 128>}]} {
    %get3A = arith.constant 0 : index
    %get3A_0 = arith.constant 0 : index
    %get3A_1 = vector.load %arg2[%get3A, %get3A_0] : memref<512x128xf32, #tpu.memory_space<vmem>>, vector<512x1xf32>
    %add3A = arith.constant 1.000000e+00 : f32
    %add3A_2 = vector.broadcast %add3A : f32 to vector<512x1xf32>
    %add3A_3 = arith.addf %get3A_1, %add3A_2 : vector<512x1xf32>
    %rsqrt3A = math.rsqrt %add3A_3 : vector<512x1xf32>
    %get3A_4 = arith.constant 0 : index
    %get3A_5 = arith.constant 0 : index
    %get3A_6 = vector.load %arg1[%get3A_4, %get3A_5] : memref<512x128xf32, #tpu.memory_space<vmem>>, vector<512x128xf32>
    %get3A_7 = arith.constant 0 : index
    %get3A_8 = arith.constant 0 : index
    %get3A_9 = vector.load %arg3[%get3A_7, %get3A_8] : memref<128x128xf32, #tpu.memory_space<vmem>>, vector<128x128xf32>
    %dot_general3A = arith.constant dense<0.000000e+00> : vector<512x128xf32>
    %dot_general3A_10 = tpu.matmul %get3A_6, %get3A_9, %dot_general3A {dimension_numbers = #tpu.dot_dimension_numbers<[1], [0], [0], [1], [0, 0, 1, 1], [], []>, transpose_lhs_hint = false} : vector<512x128xf32>, vector<128x128xf32>, vector<512x128xf32> -> vector<512x128xf32>
    %mul3A = vector.broadcast %rsqrt3A : vector<512x1xf32> to vector<512x128xf32>
    %mul3A_11 = arith.mulf %mul3A, %dot_general3A_10 : vector<512x128xf32>
    %swap3A = arith.constant 0 : index
    %swap3A_12 = arith.constant 0 : index
    %swap3A_13 = vector.load %arg5[%swap3A, %swap3A_12] : memref<512x128xf32, #tpu.memory_space<vmem>>, vector<512x128xf32>
    tpu.vector_store %arg5[%swap3A, %swap3A_12], %mul3A_11 {strides = array<i32>} : memref<512x128xf32, #tpu.memory_space<vmem>>, vector<512x128xf32>,
    %get3A_14 = arith.constant 0 : index
    %get3A_15 = arith.constant 0 : index
    %get3A_16 = vector.load %arg1[%get3A_14, %get3A_15] : memref<512x128xf32, #tpu.memory_space<vmem>>, vector<512x128xf32>
    %get3A_17 = arith.constant 0 : index
    %get3A_18 = arith.constant 0 : index
    %get3A_19 = vector.load %arg4[%get3A_17, %get3A_18] : memref<128x128xf32, #tpu.memory_space<vmem>>, vector<128x128xf32>
    %dot_general3A_20 = arith.constant dense<0.000000e+00> : vector<512x128xf32>
    %dot_general3A_21 = tpu.matmul %get3A_16, %get3A_19, %dot_general3A_20 {dimension_numbers = #tpu.dot_dimension_numbers<[1], [0], [0], [1], [0, 0, 1, 1], [], []>, transpose_lhs_hint = false} : vector<512x128xf32>, vector<128x128xf32>, vector<512x128xf32> -> vector<512x128xf32>
    %mul3A_22 = vector.broadcast %rsqrt3A : vector<512x1xf32> to vector<512x128xf32>
    %mul3A_23 = arith.mulf %mul3A_22, %dot_general3A_21 : vector<512x128xf32>
    %swap3A_24 = arith.constant 0 : index
    %swap3A_25 = arith.constant 0 : index
    %swap3A_26 = vector.load %arg6[%swap3A_24, %swap3A_25] : memref<512x128xf32, #tpu.memory_space<vmem>>, vector<512x128xf32>
    tpu.vector_store %arg6[%swap3A_24, %swap3A_25], %mul3A_23 {strides = array<i32>} : memref<512x128xf32, #tpu.memory_space<vmem>>, vector<512x128xf32>,
    return
  }
  func.func @transform_0(%arg0: i32) -> (i32, i32) {
    %c0_i32 = arith.constant 0 : i32
    %c0_i32_0 = arith.constant 0 : i32
    return %arg0, %c0_i32 : i32, i32
  }
  func.func @transform_1(%arg0: i32) -> (i32, i32) {
    %c0_i32 = arith.constant 0 : i32
    %c0_i32_0 = arith.constant 0 : i32
    return %arg0, %c0_i32 : i32, i32
  }
  func.func @transform_2(%arg0: i32) -> (i32, i32) {
    %c0_i32 = arith.constant 0 : i32
    %c0_i32_0 = arith.constant 0 : i32
    %c0_i32_1 = arith.constant 0 : i32
    return %c0_i32, %c0_i32_0 : i32, i32
  }
  func.func @transform_3(%arg0: i32) -> (i32, i32) {
    %c0_i32 = arith.constant 0 : i32
    %c0_i32_0 = arith.constant 0 : i32
    %c0_i32_1 = arith.constant 0 : i32
    return %c0_i32, %c0_i32_0 : i32, i32
  }
  func.func @transform_4(%arg0: i32) -> (i32, i32) {
    %c0_i32 = arith.constant 0 : i32
    %c0_i32_0 = arith.constant 0 : i32
    return %arg0, %c0_i32 : i32, i32
  }
  func.func @transform_5(%arg0: i32) -> (i32, i32) {
    %c0_i32 = arith.constant 0 : i32
    %c0_i32_0 = arith.constant 0 : i32
    return %arg0, %c0_i32 : i32, i32
  }
}

module attributes {stable_mosaic.version = 14 : i64} {
  func.func @_tc2_body(%arg0: i32, %arg1: memref<512x128xf32, #tpu.memory_space<vmem>>, %arg2: memref<512x128xf32, #tpu.memory_space<vmem>>, %arg3: memref<512x128xf32, #tpu.memory_space<vmem>>, %arg4: memref<1x128xf32, #tpu.memory_space<vmem>>, %arg5: memref<1x128xf32, #tpu.memory_space<vmem>>, %arg6: memref<128x128xf32, #tpu.memory_space<vmem>>, %arg7: memref<128x128xf32, #tpu.memory_space<vmem>>, %arg8: memref<512x128xf32, #tpu.memory_space<vmem>>) attributes {dimension_semantics = [#tpu.dimension_semantics<arbitrary>], iteration_bounds = array<i64: 20>, scalar_prefetch = 0 : i64, scratch_operands = 0 : i64, tpu.core_type = #tpu.core_type<tc>, window_params = [{transform_indices = @transform_0, window_bounds = array<i64: 512, 128>}, {transform_indices = @transform_1, window_bounds = array<i64: 512, 128>}, {transform_indices = @transform_2, window_bounds = array<i64: 512, 128>}, {pipeline_mode = #tpu.pipeline_mode<synchronous>, transform_indices = @transform_3, window_bounds = array<i64: 1, 128>}, {pipeline_mode = #tpu.pipeline_mode<synchronous>, transform_indices = @transform_4, window_bounds = array<i64: 1, 128>}, {pipeline_mode = #tpu.pipeline_mode<synchronous>, transform_indices = @transform_5, window_bounds = array<i64: 128, 128>}, {pipeline_mode = #tpu.pipeline_mode<synchronous>, transform_indices = @transform_6, window_bounds = array<i64: 128, 128>}, {transform_indices = @transform_7, window_bounds = array<i64: 512, 128>}]} {
    %get3A = arith.constant 0 : index
    %get3A_0 = arith.constant 0 : index
    %get3A_1 = vector.load %arg3[%get3A, %get3A_0] : memref<512x128xf32, #tpu.memory_space<vmem>>, vector<512x1xf32>
    %add3A = arith.constant 1.000000e+00 : f32
    %add3A_2 = vector.broadcast %add3A : f32 to vector<512x1xf32>
    %add3A_3 = arith.addf %get3A_1, %add3A_2 : vector<512x1xf32>
    %rsqrt3A = math.rsqrt %add3A_3 : vector<512x1xf32>
    %get3A_4 = arith.constant 0 : index
    %get3A_5 = arith.constant 0 : index
    %get3A_6 = vector.load %arg1[%get3A_4, %get3A_5] : memref<512x128xf32, #tpu.memory_space<vmem>>, vector<512x128xf32>
    %mul3A = vector.broadcast %rsqrt3A : vector<512x1xf32> to vector<512x128xf32>
    %mul3A_7 = arith.mulf %mul3A, %get3A_6 : vector<512x128xf32>
    %get3A_8 = arith.constant 0 : index
    %get3A_9 = arith.constant 0 : index
    %get3A_10 = vector.load %arg4[%get3A_8, %get3A_9] : memref<1x128xf32, #tpu.memory_space<vmem>>, vector<1x128xf32>
    %add3A_11 = vector.broadcast %get3A_10 : vector<1x128xf32> to vector<512x128xf32>
    %add3A_12 = arith.addf %mul3A_7, %add3A_11 : vector<512x128xf32>
    %max3A = arith.constant 0.000000e+00 : f32
    %max3A_13 = vector.broadcast %max3A : f32 to vector<512x128xf32>
    %max3A_14 = arith.maximumf %add3A_12, %max3A_13 : vector<512x128xf32>
    %get3A_15 = arith.constant 0 : index
    %get3A_16 = arith.constant 0 : index
    %get3A_17 = vector.load %arg2[%get3A_15, %get3A_16] : memref<512x128xf32, #tpu.memory_space<vmem>>, vector<512x128xf32>
    %mul3A_18 = vector.broadcast %rsqrt3A : vector<512x1xf32> to vector<512x128xf32>
    %mul3A_19 = arith.mulf %mul3A_18, %get3A_17 : vector<512x128xf32>
    %get3A_20 = arith.constant 0 : index
    %get3A_21 = arith.constant 0 : index
    %get3A_22 = vector.load %arg5[%get3A_20, %get3A_21] : memref<1x128xf32, #tpu.memory_space<vmem>>, vector<1x128xf32>
    %add3A_23 = vector.broadcast %get3A_22 : vector<1x128xf32> to vector<512x128xf32>
    %add3A_24 = arith.addf %mul3A_19, %add3A_23 : vector<512x128xf32>
    %max3A_25 = arith.constant 0.000000e+00 : f32
    %max3A_26 = vector.broadcast %max3A_25 : f32 to vector<512x128xf32>
    %max3A_27 = arith.maximumf %add3A_24, %max3A_26 : vector<512x128xf32>
    %get3A_28 = arith.constant 0 : index
    %get3A_29 = arith.constant 0 : index
    %get3A_30 = vector.load %arg6[%get3A_28, %get3A_29] : memref<128x128xf32, #tpu.memory_space<vmem>>, vector<128x128xf32>
    %dot_general3A = arith.constant dense<0.000000e+00> : vector<512x128xf32>
    %dot_general3A_31 = tpu.matmul %max3A_14, %get3A_30, %dot_general3A {dimension_numbers = #tpu.dot_dimension_numbers<[1], [0], [0], [1], [0, 0, 1, 1], [], []>, transpose_lhs_hint = false} : vector<512x128xf32>, vector<128x128xf32>, vector<512x128xf32> -> vector<512x128xf32>
    %get3A_32 = arith.constant 0 : index
    %get3A_33 = arith.constant 0 : index
    %get3A_34 = vector.load %arg7[%get3A_32, %get3A_33] : memref<128x128xf32, #tpu.memory_space<vmem>>, vector<128x128xf32>
    %dot_general3A_35 = arith.constant dense<0.000000e+00> : vector<512x128xf32>
    %dot_general3A_36 = tpu.matmul %max3A_27, %get3A_34, %dot_general3A_35 {dimension_numbers = #tpu.dot_dimension_numbers<[1], [0], [0], [1], [0, 0, 1, 1], [], []>, transpose_lhs_hint = false} : vector<512x128xf32>, vector<128x128xf32>, vector<512x128xf32> -> vector<512x128xf32>
    %add3A_37 = arith.addf %dot_general3A_31, %dot_general3A_36 : vector<512x128xf32>
    %mul3A_38 = vector.broadcast %rsqrt3A : vector<512x1xf32> to vector<512x128xf32>
    %mul3A_39 = arith.mulf %mul3A_38, %add3A_37 : vector<512x128xf32>
    %swap3A = arith.constant 0 : index
    %swap3A_40 = arith.constant 0 : index
    %swap3A_41 = vector.load %arg8[%swap3A, %swap3A_40] : memref<512x128xf32, #tpu.memory_space<vmem>>, vector<512x128xf32>
    tpu.vector_store %arg8[%swap3A, %swap3A_40], %mul3A_39 {strides = array<i32>} : memref<512x128xf32, #tpu.memory_space<vmem>>, vector<512x128xf32>,
    return
  }
  func.func @transform_0(%arg0: i32) -> (i32, i32) {
    %c0_i32 = arith.constant 0 : i32
    %c0_i32_0 = arith.constant 0 : i32
    return %arg0, %c0_i32 : i32, i32
  }
  func.func @transform_1(%arg0: i32) -> (i32, i32) {
    %c0_i32 = arith.constant 0 : i32
    %c0_i32_0 = arith.constant 0 : i32
    return %arg0, %c0_i32 : i32, i32
  }
  func.func @transform_2(%arg0: i32) -> (i32, i32) {
    %c0_i32 = arith.constant 0 : i32
    %c0_i32_0 = arith.constant 0 : i32
    return %arg0, %c0_i32 : i32, i32
  }
  func.func @transform_3(%arg0: i32) -> (i32, i32) {
    %c0_i32 = arith.constant 0 : i32
    %c0_i32_0 = arith.constant 0 : i32
    %c0_i32_1 = arith.constant 0 : i32
    return %c0_i32, %c0_i32_0 : i32, i32
  }
  func.func @transform_4(%arg0: i32) -> (i32, i32) {
    %c0_i32 = arith.constant 0 : i32
    %c0_i32_0 = arith.constant 0 : i32
    %c0_i32_1 = arith.constant 0 : i32
    return %c0_i32, %c0_i32_0 : i32, i32
  }
  func.func @transform_5(%arg0: i32) -> (i32, i32) {
    %c0_i32 = arith.constant 0 : i32
    %c0_i32_0 = arith.constant 0 : i32
    %c0_i32_1 = arith.constant 0 : i32
    return %c0_i32, %c0_i32_0 : i32, i32
  }
  func.func @transform_6(%arg0: i32) -> (i32, i32) {
    %c0_i32 = arith.constant 0 : i32
    %c0_i32_0 = arith.constant 0 : i32
    %c0_i32_1 = arith.constant 0 : i32
    return %c0_i32, %c0_i32_0 : i32, i32
  }
  func.func @transform_7(%arg0: i32) -> (i32, i32) {
    %c0_i32 = arith.constant 0 : i32
    %c0_i32_0 = arith.constant 0 : i32
    return %arg0, %c0_i32 : i32, i32
  }
}

module attributes {stable_mosaic.version = 14 : i64} {
  func.func @_tc3_body(%arg0: i32, %arg1: memref<512x128xf32, #tpu.memory_space<vmem>>, %arg2: memref<512x128xf32, #tpu.memory_space<vmem>>, %arg3: memref<1x128xf32, #tpu.memory_space<vmem>>, %arg4: memref<512x128xf32, #tpu.memory_space<vmem>>) attributes {dimension_semantics = [#tpu.dimension_semantics<arbitrary>], iteration_bounds = array<i64: 20>, scalar_prefetch = 0 : i64, scratch_operands = 0 : i64, tpu.core_type = #tpu.core_type<tc>, window_params = [{transform_indices = @transform_0, window_bounds = array<i64: 512, 128>}, {transform_indices = @transform_1, window_bounds = array<i64: 512, 128>}, {pipeline_mode = #tpu.pipeline_mode<synchronous>, transform_indices = @transform_2, window_bounds = array<i64: 1, 128>}, {transform_indices = @transform_3, window_bounds = array<i64: 512, 128>}]} {
    %get3A = arith.constant 0 : index
    %get3A_0 = arith.constant 0 : index
    %get3A_1 = vector.load %arg2[%get3A, %get3A_0] : memref<512x128xf32, #tpu.memory_space<vmem>>, vector<512x1xf32>
    %add3A = arith.constant 1.000000e+00 : f32
    %add3A_2 = vector.broadcast %add3A : f32 to vector<512x1xf32>
    %add3A_3 = arith.addf %get3A_1, %add3A_2 : vector<512x1xf32>
    %rsqrt3A = math.rsqrt %add3A_3 : vector<512x1xf32>
    %get3A_4 = arith.constant 0 : index
    %get3A_5 = arith.constant 0 : index
    %get3A_6 = vector.load %arg1[%get3A_4, %get3A_5] : memref<512x128xf32, #tpu.memory_space<vmem>>, vector<512x128xf32>
    %mul3A = vector.broadcast %rsqrt3A : vector<512x1xf32> to vector<512x128xf32>
    %mul3A_7 = arith.mulf %mul3A, %get3A_6 : vector<512x128xf32>
    %get3A_8 = arith.constant 0 : index
    %get3A_9 = arith.constant 0 : index
    %get3A_10 = vector.load %arg3[%get3A_8, %get3A_9] : memref<1x128xf32, #tpu.memory_space<vmem>>, vector<1x128xf32>
    %add3A_11 = vector.broadcast %get3A_10 : vector<1x128xf32> to vector<512x128xf32>
    %add3A_12 = arith.addf %mul3A_7, %add3A_11 : vector<512x128xf32>
    %max3A = arith.constant 0.000000e+00 : f32
    %max3A_13 = vector.broadcast %max3A : f32 to vector<512x128xf32>
    %max3A_14 = arith.maximumf %add3A_12, %max3A_13 : vector<512x128xf32>
    %swap3A = arith.constant 0 : index
    %swap3A_15 = arith.constant 0 : index
    %swap3A_16 = vector.load %arg4[%swap3A, %swap3A_15] : memref<512x128xf32, #tpu.memory_space<vmem>>, vector<512x128xf32>
    tpu.vector_store %arg4[%swap3A, %swap3A_15], %max3A_14 {strides = array<i32>} : memref<512x128xf32, #tpu.memory_space<vmem>>, vector<512x128xf32>,
    return
  }
  func.func @transform_0(%arg0: i32) -> (i32, i32) {
    %c0_i32 = arith.constant 0 : i32
    %c0_i32_0 = arith.constant 0 : i32
    return %arg0, %c0_i32 : i32, i32
  }
  func.func @transform_1(%arg0: i32) -> (i32, i32) {
    %c0_i32 = arith.constant 0 : i32
    %c0_i32_0 = arith.constant 0 : i32
    return %arg0, %c0_i32 : i32, i32
  }
  func.func @transform_2(%arg0: i32) -> (i32, i32) {
    %c0_i32 = arith.constant 0 : i32
    %c0_i32_0 = arith.constant 0 : i32
    %c0_i32_1 = arith.constant 0 : i32
    return %c0_i32, %c0_i32_0 : i32, i32
  }
  func.func @transform_3(%arg0: i32) -> (i32, i32) {
    %c0_i32 = arith.constant 0 : i32
    %c0_i32_0 = arith.constant 0 : i32
    return %arg0, %c0_i32 : i32, i32
  }
}

</mosaic_0001>

<sc_bundles>
// kernel: kernel.12.cloned.1.call-start
scs
__scs_entry_jumppad:
0x0: {  	(pc) =	sbr.rel $0x88, $3  }
0x1: {  	(tag) =	ssettag $0x0;
	lr =	simm.s32 $0x1  }
0x2: {  	[smem:$0x3F9B] =	sst lr;
	_ =	strace $0xD0000000  }
0x3: {  	_ = 	snop  }
0x4: {  	_ = 	snop  }
0x5: {  	_ = 	snop  }
0x6: {  	_ = 	snop  }
0x7: {  	_ = 	snop  }
__scs_overlays_trampoline_lowered:
0x8: {  	[smem:$0x3FAA] =	sst s0  }
0x9: {  	[smem:$0x3FAB] =	sst s1  }
0xa: {  	[smem:$0x3FAC] =	sst s2  }
0xb: {  	[smem:$0x3FAD] =	sst s3  }
0xc: {  	[smem:$0x3FAE] =	sst s4  }
0xd: {  	[smem:$0x3FAF] =	sst s5  }
0xe: {  	[smem:$0x3FB0] =	sst s6  }
0xf: {  	[smem:$0x3FB1] =	sst s7  }
0x10: {  	[smem:$0x3FB2] =	sst s8  }
0x11: {  	[smem:$0x3FB3] =	sst s9;
	s0 =	simm.s32 @!p0 $0x0  }
0x12: {  	s1 =	sld [smem:$0x3F99];
	s0 =	simm.s32 @p0 $0x1  }
0x13: {  	[smem:$0x3FB4] =	sst s0;
	s0 =	simm.s32 @!p1 $0x0  }
0x14: {  	s2 =	sld [smem:$0x3F98];
	s0 =	simm.s32 @p1 $0x1  }
0x15: {  	[smem:$0x3FB5] =	sst s0;
	s0 =	simm.s32 @!p2 $0x0  }
0x16: {  	s3 =	sld [smem:$0x3FDB];
	s0 =	simm.s32 @p2 $0x1  }
0x17: {  	s4 =	simm.s32 $0x1BF5;
	[smem:$0x3FB7] =	sst s0  }
0x18: {  	s0 =	sld [smem:$0x3F9A];
	_ =	swait.ge [sflag:s4], $0x0  }
0x19: {  	s7 =	sld [smem:$0x3F9B]  }
0x1a: {  	s8 =	sadd.s32 $0xFFFFE003, lr  }
0x1b: {  	s9 =	sadd.s32 $0xFFFFFEF7, lr;
	s5 =	simm.s32 $0xFFFFFFFF;
	p2 =	slt.u32 s8, $0xFFFFF086  }
0x1c: {  	p1 =	slt.u32 s9, $0xF7A;
	s5 =	simm.s32 @!p2 $0x0  }
0x1d: {  	s5 =	simm.s32 @p1 $0x1;
	p0 =	seq.s32 s7, s2  }
0x1e: {  	s7 =	smul.u32 @!p0 $0xF7A, s2;
	p2 =	seq.s32 @!p0 s5, $0x0  }
0x1f: {  	s9 =	smul.u32 $0xF7A, s1;
	s8 =	simm.s32 @!p0 $0x1BF5;
	p2 =	por !p2, p0  }
0x20: {  	[sflag:s8] =	ssyncset.s32 @!p0 $0xFFFFF086;
	s6 =	sadd.s32 @!p0 s3, s7;
	s7 =	simm.s32 @!p0 $0x108  }
0x21: {  	s3 =	sadd.s32 s3, s9;
	s6 =	sadd.s32 @!p0 $0x88, s6;
	s7 =	simm.s32 @p2 $0x1082  }
0x22: {  	[simem:s7], [sflag:s8] =	dma.local @!p0 [hbm:s6], $0xF7A  }
0x23: {  	s9 =	sor.u32 $0xD0000000, s2;
	s6 =	simm.s32 $0x108;
	_ =	swait.ge @!p0 [sflag:s8], $0x0  }
0x24: {  	s3 =	sadd.s32 $0x88, s3;
	s6 =	simm.s32 @!p1 $0x1082;
	[sflag:s4] =	ssyncset.s32 $0xFFFFF086  }
0x25: {  	[simem:s6], [sflag:s4] =	dma.local [hbm:s3], $0xF7A  }
0x26: {  	[smem:$0x3F9B] =	sst s1;
	(tag) =	ssettag s2;
	_ =	strace s9  }
0x27: {  	s1 =	sld [smem:$0x3FAB]  }
0x28: {  	s2 =	sld [smem:$0x3FAC]  }
0x29: {  	s4 =	sld [smem:$0x3FAE]  }
0x2a: {  	p0 =	seq.s32 s5, $0x0;
	s5 =	sld [smem:$0x3FAF]  }
0x2b: {  	s6 =	sld [smem:$0x3FB0]  }
0x2c: {  	s7 =	sld [smem:$0x3FB1]  }
0x2d: {  	s3 =	simm.s32 $0x108;
	s8 =	sld [smem:$0x3FB2]  }
0x2e: {  	s3 =	simm.s32 @!p0 $0x1082;
	s9 =	sld [smem:$0x3FB3]  }
0x2f: {  	lr =	sadd.s32 s0, s3;
	s0 =	sld [smem:$0x3FAA]  }
0x30: {  	s3 =	sld [smem:$0x3FAD]  }
0x31: {  	[smem:$0x3FB6] =	sst s10  }
0x32: {  	s10 =	sld [smem:$0x3FB4];
	_ =	sdelay $0x3  }
0x33: {  	p0 =	seq.s32 s10, $0x1;
	s10 =	sld [smem:$0x3FB6];
	_ =	sdelay $0x3  }
0x34: {  	[smem:$0x3FB6] =	sst s10  }
0x35: {  	s10 =	sld [smem:$0x3FB5];
	_ =	sdelay $0x3  }
0x36: {  	p1 =	seq.s32 s10, $0x1;
	s10 =	sld [smem:$0x3FB6];
	_ =	sdelay $0x3  }
0x37: {  	[smem:$0x3FB6] =	sst s10  }
0x38: {  	s10 =	sld [smem:$0x3FB7]  }
0x39: {  	_ = 	snop;
	(pc) =	sbr.ind lr, $3  }
0x3a: {  	_ = 	snop  }
0x3b: {  	_ = 	snop  }
0x3c: {  	p2 =	seq.s32 s10, $0x1;
	s10 =	sld [smem:$0x3FB6]  }
0x3d: {  	_ =	shalt  }
0x3e: {  	_ =	shalt  }
0x3f: {  	_ =	shalt  }
0x40: {  	_ =	shalt  }
0x41: {  	_ =	shalt  }
0x42: {  	_ =	shalt  }
0x43: {  	_ =	shalt  }
0x44: {  	_ =	shalt  }
0x45: {  	_ =	shalt  }
0x46: {  	_ =	shalt  }
0x47: {  	_ =	shalt  }
0x48: {  	_ =	shalt  }
0x49: {  	_ =	shalt  }
0x4a: {  	_ =	shalt  }
0x4b: {  	_ =	shalt  }
0x4c: {  	_ =	shalt  }
0x4d: {  	_ =	shalt  }
0x4e: {  	_ =	shalt  }
0x4f: {  	_ =	shalt  }
0x50: {  	_ =	shalt  }
0x51: {  	_ =	shalt  }
0x52: {  	_ =	shalt  }
0x53: {  	_ =	shalt  }
0x54: {  	_ =	shalt  }
0x55: {  	_ =	shalt  }
0x56: {  	_ =	shalt  }
0x57: {  	_ =	shalt  }
0x58: {  	_ =	shalt  }
0x59: {  	_ =	shalt  }
0x5a: {  	_ =	shalt  }
0x5b: {  	_ =	shalt  }
0x5c: {  	_ =	shalt  }
0x5d: {  	_ =	shalt  }
0x5e: {  	_ =	shalt  }
0x5f: {  	_ =	shalt  }
0x60: {  	_ =	shalt  }
0x61: {  	_ =	shalt  }
0x62: {  	_ =	shalt  }
0x63: {  	_ =	shalt  }
0x64: {  	_ =	shalt  }
0x65: {  	_ =	shalt  }
0x66: {  	_ =	shalt  }
0x67: {  	_ =	shalt  }
0x68: {  	_ =	shalt  }
0x69: {  	_ =	shalt  }
0x6a: {  	_ =	shalt  }
0x6b: {  	_ =	shalt  }
0x6c: {  	_ =	shalt  }
0x6d: {  	_ =	shalt  }
0x6e: {  	_ =	shalt  }
0x6f: {  	_ =	shalt  }
0x70: {  	_ =	shalt  }
0x71: {  	_ =	shalt  }
0x72: {  	_ =	shalt  }
0x73: {  	_ =	shalt  }
0x74: {  	_ =	shalt  }
0x75: {  	_ =	shalt  }
0x76: {  	_ =	shalt  }
0x77: {  	_ =	shalt  }
0x78: {  	_ =	shalt  }
0x79: {  	_ =	shalt  }
0x7a: {  	_ =	shalt  }
0x7b: {  	_ =	shalt  }
0x7c: {  	_ =	shalt  }
0x7d: {  	_ =	shalt  }
0x7e: {  	_ =	shalt  }
0x7f: {  	_ =	shalt  }
0x80: {  	_ =	shalt  }
0x81: {  	_ =	shalt  }
0x82: {  	_ =	shalt  }
0x83: {  	_ =	shalt  }
0x84: {  	_ =	shalt  }
0x85: {  	_ =	shalt  }
0x86: {  	_ =	shalt  }
0x87: {  	_ =	shalt  }
.Lfunc_end0:
.L_simem_size_0:
called_computation.1_lowered:
.L_overlay_start_0:
0x88: {  	s2 =	sld [smem:$0x3FD9]  }
0x89: {  	s3 =	sld [smem:$0x3FFE];
	_ =	sdelay $0x1  }
0x8a: {  	s1 =	srdreg.scid  }
0x8b: {  	s0 =	sand.u32 $0x1, s1  }
0x8c: {  	s17 =	sshll.u32 s0, $0xA;
	s2 =	sadd.s32 s3, s2  }
0x8d: {  	s2 =	sadd.s32 s2, s17  }
0x8e: {  	[smem:$0x3FC2] =	sst s2  }
0x8f: {  	_ = 	snop  }
0x90: {  	s2 =	sld [smem:$0x3FD0];
	(tm) =	ssettm $0x1  }
0x91: {  	s18 =	sld [smem:$0x3FFB];
	_ =	sdelay $0x3  }
0x92: {  	_ =	strace s18  }
0x93: {  	s3 =	sld [smem:$0x3FFC];
	_ =	sdelay $0x3  }
0x94: {  	_ =	strace s3  }
0x95: {  	s3 =	sld [smem:$0x3FFD];
	_ =	sdelay $0x3  }
0x96: {  	_ =	strace s3  }
0x97: {  	_ =	strace $0x8FFFFFFF  }
0x98: {  	s19 =	sld [smem:$0x3FDB];
	_ =	sdelay $0x1  }
0x99: {  	s4 =	simm.s32 $_scs_section_size  }
0x9a: {  	s5 =	simm.s32 $_size__tile_overlayer_lowered;
	s6 =	simm.s32 $_tile_overlayer_lowered  }
0x9b: {  	s22 =	simm.s32 $0x1BFF;
	s21 =	sshll.u32 s6, $0x1;
	s3 =	sadd.s32 s4, s19  }
0x9c: {  	s7 =	simm.s32 $0x0;
	s20 =	sshll.u32 s5, $0x1;
	s5 =	sadd.s32 s21, s3  }
0x9d: {  	[timem:s7], [sflag:s22] =	dma.local [hbm:s5], s20  }
0x9e: {  	_ =	swait.ge [sflag:s22], s20  }
0x9f: {  	s4 =	ssub.s32 $0x0, s20;
	[sflag:s22] =	ssyncset.done $0x0  }
0xa0: {  	[sflag:s22] =	ssyncadd.s32 s4;
	_ =	sdelay $0x1  }
0xa1: {  	s23 =	simm.s32 $0x1B8B  }
0xa2: {  	_ =	swait.ge [sflag:s23], $0x1  }
0xa3: {  	[sflag:s23] =	ssyncset.done $0x0  }
0xa4: {  	s25 =	simm.s32 $0x1B8E;
	s24 =	sld [smem:$0x3FFE];
	[sflag:s23] =	ssyncadd.s32 $0xFFFFFFFF  }
0xa5: {  	s26 =	simm.s32 $execute0_lowered;
	[smem:$0x3FD2] =	sst s25  }
0xa6: {  	s5 =	sshll.u32 s26, $0x1;
	_ =	strace $0x80000049;
	[dreg:$0x1] =	wrdreg $0xFFFFFFFF  }
0xa7: {  	s28 =	simm.s32 $_size_execute0_lowered;
	s3 =	sadd.s32 s3, s5;
	[dreg:$0x0] =	wrdreg $0x0  }
0xa8: {  	s5 =	sshll.u32 s28, $0x1;
	[dreg:$0x2] =	wrdreg s3  }
0xa9: {  	[dreg:$0x3] =	wrdreg s5  }
0xaa: {  	[dreg:$0x4] =	wrdreg $0xC0  }
0xab: {  	_ =	task [dreg:s7], $0x5FFFF  }
0xac: {  	[dreg:$0x1] =	wrdreg $0xFFFFFFFF  }
0xad: {  	[dreg:$0x0] =	wrdreg $0x60  }
0xae: {  	[dreg:$0x2] =	wrdreg s2  }
0xaf: {  	[dreg:$0x3] =	wrdreg s24  }
0xb0: {  	[dreg:$0x4] =	wrdreg $0x120000  }
0xb1: {  	[dreg:$0x5] =	wrdreg $0x9  }
0xb2: {  	_ =	task.clear_ibuf [dreg:s7], $0x6FFFF;
	_ =	strace $0x90000049  }
0xb3: {  	s29 =	simm.s32 $0x9;
	_ =	strace $0x8000004B  }
0xb4: {  	_ =	swait.ge [sflag:s29], $0x1  }
0xb5: {  	[sflag:s29] =	ssyncadd.s32 $0xFFFFFFFF  }
0xb6: {  	_ =	strace $0x9000004B  }
0xb7: {  	_ =	sfence  }
0xb8: {  	s30 =	sld [smem:$0x0];
	_ =	sdelay $0x2  }
0xb9: {  	s31 =	sshll.u32 s1, $0xD;
	s1 =	sshrl.u32 s1, $0x2  }
0xba: {  	s3 =	sand.u32 $0x4000, s31;
	s1 =	sadd.s32 s1, s30  }
0xbb: {  	s0 =	sor.u32 s3, s0;
	s1 =	sshll.u32 s1, $0x11  }
0xbc: {  	s0 =	sor.u32 s1, s0  }
0xbd: {  	s0 =	sadd.s32 $0x8F2B, s0  }
0xbe: {  	[sflag:s0] =	ssyncadd.remote.s32 $0x1  }
0xbf: {  	_ =	sfence.sel $0xFFFF  }
0xc0: {  	[dreg:$0x0] =	wrdreg $0xFFFFFFFF;
	(pc) =	sbr.abs _section_cstart, $3  }
0xc1: {  	[dreg:$0x1] =	wrdreg $0xFFFFFFFF  }
0xc2: {  	_ =	task.clear_ibuf [dreg:s7], $0x2FFFF;
	_ =	strace $0x9FFFFFFF  }
0xc3: {  	(tm) =	ssettm $0x7FFFFFFF  }
tec
execute0_lowered:
.L_overlay_start_1:
0x0: {  	(tag) =	ssettag $0x1  }
0x1: {  	s0 =	rddreg [dreg:$0x0]  }
0x2: {  	s1 =	rddreg [dreg:$0x1]  }
0x3: {  	s2 =	rddreg [dreg:$0x2];
	s22 =	stileid.u32  }
0x4: {  	s3 =	simm.s32 $0x0;
	s4 =	srdreg.scid;
	s28 =	simm.s32 $0xE000  }
0x5: {  	s29 =	simm.s32 $0x1;
	s30 =	simm.s32 $0x2;
	s31 =	simm.s32 $0x4F80  }
0x6: {  	s8 =	smul.u32 $0xA00, s22;
	[smem:$0x7FF] =	sst s3;
	s10 =	sand.u32 $0x1, s4  }
0x7: {  	s4 =	sadd.s32 $0x21A00, s1;
	s5 =	sadd.s32 $0x49A00, s1;
	s11 =	sadd.s32 $0x71A00, s1  }
0x8: {  	s13 =	smul.u32 $0x28000, s22;
	s6 =	sadd.s32 $0x99A00, s1;
	_ =	strace $0x8000004A  }
0x9: {  	s7 =	ssub.s32 $0x2, s10;
	p0 =	seq.s32 s10, $0x1;
	s9 =	sadd.s32 s8, s1  }
0xa: {  	s12 =	sshrl.u32 s7, $0x1;
	s0 =	sadd.s32 s0, s8;
	s21 =	sshrl.u32 s13, $0x2  }
0xb: {  	s1 =	simm.s32 $0x9F80;
	s20 =	ssub.s32 s7, s12;
	s7 =	smul.u32 $0x1400, s22  }
0xc: {  	[dreg:$0x4] =	wrdreg s0;
	s23 =	sadd.s32 $0x3A00, s9;
	s10 =	sadd.s32 s21, s2  }
0xd: {  	s15 =	sadd.s32 $0x17A00, s9;
	s16 =	sadd.s32 $0xDA00, s9;
	s21 =	simm.s32 $0x3  }
0xe: {  	s0 =	simm.s32 $0x9F00;
	[dreg:$0x5] =	wrdreg s23;
	s20 =	smax.u32 s20, $0x1  }
.Ltmp0:
0xf: {  	s23 =	sshll.u32 s22, $0x6;
	s24 =	sadd.s32 s4, s7;
	(pc) =	sbr.rel .LBB2_1-.Ltmp0, $4  }
0x10: {  	s25 =	sadd.s32 s11, s7;
	s26 =	sadd.s32 s5, s7;
	[dreg:$0x6] =	wrdreg s24  }
0x11: {  	s14 =	sadd.s32 $0x14000, s7;
	s22 =	sor.u32 $0x1C03, s23;
	[dreg:$0x7] =	wrdreg s25  }
0x12: {  	[dreg:$0x8] =	wrdreg s26;
	s17 =	sadd.s32 s4, s14;
	s18 =	sadd.s32 s11, s14  }
0x13: {  	s19 =	sadd.s32 s5, s14;
	s25 =	simm.s32 $0x80;
	s26 =	simm.s32 $0xA000  }
.LBB2_11:
0x14: {  	(ifvalue) =	ssetifvalue $0xFFFFFFFF;
	s9 =	sadd.s32 $0x80, s8;
	[sflag:s21] =	ssyncadd.s32 $0xFFFFC000  }
0x15: {  	[tilespmem:s28], [sflag:$0x2] =	stream.indirect.gather [hbm4b:s5+s25], $0x80, s9, s25, $0x40b8;
	[tilespmem:$0x1C000] =	vst v63  }
0x16: {  	_ =	swait.ge [sflag:s29], $0x4000  }
0x17: {  	[sflag:s29] =	ssyncset.done $0x0  }
0x18: {  	s12 =	sadd.s32 $0x5000, s8;
	[sflag:s29] =	ssyncadd.s32 $0xFFFFC000;
	(ifvalue) =	ssetifvalue $0xFFFFFFFF  }
0x19: {  	[spmem:s2] =	stream.indirect.scatter.add.f32 [tilespmem:s26], [sflag:$0x3], $0x80, s12, s25, $0x40b8;
	[tilespmem:$0x1C000] =	vst v63  }
0x1a: {  	_ =	swait.ge [sflag:s21], $0x4000  }
0x1b: {  	[sflag:s21] =	ssyncset.done $0x0  }
0x1c: {  	[sflag:s21] =	ssyncadd.s32 $0xFFFFC000;
	(ifvalue) =	ssetifvalue $0xFFFFFFFF  }
0x1d: {  	s13 =	sadd.s32 $0x100, s8;
	(ifvalue) =	ssetifvalue $0xFFFFFFFF  }
0x1e: {  	[tilespmem:s26], [sflag:$0x1] =	stream.indirect.gather [hbm4b:s5+s25], $0x80, s13, s25, $0x40b8;
	[tilespmem:$0x1C000] =	vst v63  }
0x1f: {  	_ =	swait.ge [sflag:s30], $0x4000  }
0x20: {  	[sflag:s30] =	ssyncset.done $0x0  }
0x21: {  	s24 =	sadd.s32 $0x5080, s8;
	[sflag:s30] =	ssyncadd.s32 $0xFFFFC000;
	(ifvalue) =	ssetifvalue $0xFFFFFFFF  }
0x22: {  	[spmem:s2] =	stream.indirect.scatter.add.f32 [tilespmem:s28], [sflag:$0x3], $0x80, s24, s25, $0x40b8;
	[tilespmem:$0x1C000] =	vst v63  }
0x23: {  	_ =	swait.ge [sflag:s21], $0x4000  }
0x24: {  	[sflag:s21] =	ssyncset.done $0x0  }
0x25: {  	s8 =	smov.u32 s14;
	s24 =	smov.u32 s22;
	[sflag:s21] =	ssyncadd.s32 $0xFFFFC000  }
.LBB2_12:
0x26: {  	(ifvalue) =	ssetifvalue $0xFFFFFFFF  }
0x27: {  	(ifvalue) =	ssetifvalue $0xFFFFFFFF  }
0x28: {  	[tilespmem:s28], [sflag:$0x2] =	stream.indirect.gather [hbm4b:s5+s25], $0x80, s31, s25, $0x40b8;
	[tilespmem:$0x1C000] =	vst v63  }
0x29: {  	_ =	swait.ge [sflag:s29], $0x4000  }
0x2a: {  	[sflag:s29] =	ssyncset.done $0x0  }
0x2b: {  	[sflag:s29] =	ssyncadd.s32 $0xFFFFC000;
	(ifvalue) =	ssetifvalue $0xFFFFFFFF  }
0x2c: {  	[spmem:s2] =	stream.indirect.scatter.add.f32 [tilespmem:s26], [sflag:$0x3], $0x80, s0, s25, $0x40b8;
	[tilespmem:$0x1C000] =	vst v63  }
0x2d: {  	_ =	swait.ge [sflag:s21], $0x4000  }
0x2e: {  	[sflag:s21] =	ssyncset.done $0x0  }
0x2f: {  	[sflag:s21] =	ssyncadd.s32 $0xFFFFC000  }
0x30: {  	_ =	swait.ge [sflag:s30], $0x4000  }
0x31: {  	[sflag:s30] =	ssyncset.done $0x0  }
0x32: {  	[sflag:s30] =	ssyncadd.s32 $0xFFFFC000;
	(ifvalue) =	ssetifvalue $0xFFFFFFFF  }
0x33: {  	[spmem:s2] =	stream.indirect.scatter.add.f32 [tilespmem:s28], [sflag:$0x3], $0x80, s1, s25, $0x40b8;
	[tilespmem:$0x1C000] =	vst v63  }
0x34: {  	_ =	swait.ge [sflag:s21], $0x4000  }
0x35: {  	[sflag:s21] =	ssyncset.done $0x0  }
0x36: {  	s8 =	sadd.s32 s6, s8;
	s3 =	sadd.s32 $0x1, s3;
	[sflag:s21] =	ssyncadd.s32 $0xFFFFC000  }
0x37: {  	s9 =	sshrl.u32 s10, $0x3;
	p1 =	sne.s32 s3, s20;
	[bflag:$0x0] =	sbarrier.arrive $0xFFFF  }
0x38: {  	[hbm:s8], [sflag:s24] =	dma.local [spmem:s9], $0x1400  }
.Ltmp1:
0x39: {  	_ =	swait.ge [sflag:s21], $0x1400;
	(pc) =	sbr.rel @!p1 .LBB2_13-.Ltmp1, $3  }
0x3a: {  	[sflag:s21] =	ssyncset.done $0x0  }
0x3b: {  	[sflag:s21] =	ssyncadd.s32 $0xFFFFEC00  }
0x3c: {  	[bflag:$0x0] =	sbarrier.arrive $0xFFFF;
	_ =	sdelay $0x1  }
.LBB2_1:
.Ltmp2:
0x3d: {  	(pc) =	sbr.rel @!p0 .LBB2_2-.Ltmp2, $2  }
0x3e: {  	_ =	sdelay $0x2  }
0x3f: {  	s9 =	simm.s32 $0x0  }
0x40: {  	[tilespmem:s9], [sflag:$0x3] =	stream.linear.gather [hbm4b:s15+s9], $0x5000, $0x38;
	[tilespmem:$0x1C000] =	vst v63  }
0x41: {  	_ =	swait.ge [sflag:s21], $0x5000  }
0x42: {  	[sflag:s21] =	ssyncset.done $0x0  }
0x43: {  	s8 =	simm.s32 $0x5000;
	[sflag:s21] =	ssyncadd.s32 $0xFFFFB000  }
0x44: {  	[tilespmem:s8], [sflag:$0x3] =	stream.linear.gather [hbm4b:s16+s9], $0x5000, $0x38;
	[tilespmem:$0x1C000] =	vst v63  }
0x45: {  	_ =	swait.ge [sflag:s21], $0x5000  }
0x46: {  	[sflag:s21] =	ssyncset.done $0x0  }
0x47: {  	s8 =	sshrl.u32 s10, $0x3;
	[sflag:s21] =	ssyncadd.s32 $0xFFFFB000  }
0x48: {  	[spmem:s8], [sflag:s22] =	dma.local [hbm:s17], $0x1400  }
0x49: {  	_ =	swait.ge [sflag:s21], $0x1400  }
0x4a: {  	[sflag:s21] =	ssyncset.done $0x0  }
0x4b: {  	[sflag:s21] =	ssyncadd.s32 $0xFFFFEC00  }
0x4c: {  	[bflag:$0x0] =	sbarrier.arrive $0xFFFF  }
0x4d: {  	(ifvalue) =	ssetifvalue $0xFFFFFFFF  }
0x4e: {  	(ifvalue) =	ssetifvalue $0xFFFFFFFF  }
0x4f: {  	[tilespmem:s26], [sflag:$0x1] =	stream.indirect.gather [hbm4b:s4+s25], $0x80, s9, s25, $0x40b8;
	[tilespmem:$0x1C000] =	vst v63  }
0x50: {  	(ifvalue) =	ssetifvalue $0xFFFFFFFF  }
0x51: {  	s11 =	simm.s32 $0x80;
	(ifvalue) =	ssetifvalue $0xFFFFFFFF  }
0x52: {  	[tilespmem:s28], [sflag:$0x2] =	stream.indirect.gather [hbm4b:s4+s25], $0x80, s11, s25, $0x40b8;
	[tilespmem:$0x1C000] =	vst v63  }
0x53: {  	_ =	swait.ge [sflag:s29], $0x4000  }
0x54: {  	[sflag:s29] =	ssyncset.done $0x0  }
0x55: {  	s12 =	simm.s32 $0x5000;
	[sflag:s29] =	ssyncadd.s32 $0xFFFFC000;
	(ifvalue) =	ssetifvalue $0xFFFFFFFF  }
0x56: {  	[spmem:s2] =	stream.indirect.scatter.add.f32 [tilespmem:s26], [sflag:$0x3], $0x80, s12, s25, $0x40b8;
	[tilespmem:$0x1C000] =	vst v63  }
0x57: {  	_ =	swait.ge [sflag:s21], $0x4000  }
0x58: {  	[sflag:s21] =	ssyncset.done $0x0  }
0x59: {  	[sflag:s21] =	ssyncadd.s32 $0xFFFFC000;
	(ifvalue) =	ssetifvalue $0xFFFFFFFF  }
0x5a: {  	s13 =	simm.s32 $0x100;
	(ifvalue) =	ssetifvalue $0xFFFFFFFF  }
0x5b: {  	[tilespmem:s26], [sflag:$0x1] =	stream.indirect.gather [hbm4b:s4+s25], $0x80, s13, s25, $0x40b8;
	[tilespmem:$0x1C000] =	vst v63  }
0x5c: {  	_ =	swait.ge [sflag:s30], $0x4000  }
0x5d: {  	[sflag:s30] =	ssyncset.done $0x0  }
0x5e: {  	s24 =	simm.s32 $0x5080;
	[sflag:s30] =	ssyncadd.s32 $0xFFFFC000;
	(ifvalue) =	ssetifvalue $0xFFFFFFFF  }
0x5f: {  	[spmem:s2] =	stream.indirect.scatter.add.f32 [tilespmem:s28], [sflag:$0x3], $0x80, s24, s25, $0x40b8;
	[tilespmem:$0x1C000] =	vst v63  }
0x60: {  	s9 =	simm.s32 $0x100;
	_ =	swait.ge [sflag:s21], $0x4000  }
0x61: {  	s11 =	simm.s32 $0x800;
	(ifvalue) =	ssetifvalue $0xFFFFFFFF;
	[sflag:s21] =	ssyncset.done $0x0  }
.LBB2_8:
0x62: {  	s12 =	sadd.s32 $0x80, s9  }
0x63: {  	(ifvalue) =	ssetifvalue $0xFFFFFFFF;
	[sflag:s21] =	ssyncadd.s32 $0xFFFFC000;
	s13 =	smov.u32 s11  }
0x64: {  	[tilespmem:s28], [sflag:$0x2] =	stream.indirect.gather [hbm4b:s4+s25], $0x80, s12, s25, $0x40b8;
	[tilespmem:$0x1C000] =	vst v63  }
0x65: {  	p1 =	sne.s32 s11, $0x13800;
	s11 =	sadd.s32 $0x400, s11;
	_ =	swait.ge [sflag:s29], $0x4000  }
0x66: {  	[sflag:s29] =	ssyncset.done $0x0  }
0x67: {  	[sflag:s29] =	ssyncadd.s32 $0xFFFFC000  }
0x68: {  	s12 =	sadd.s32 $0x5000, s9;
	(ifvalue) =	ssetifvalue $0xFFFFFFFF  }
0x69: {  	[spmem:s2] =	stream.indirect.scatter.add.f32 [tilespmem:s26], [sflag:$0x3], $0x80, s12, s25, $0x40b8;
	[tilespmem:$0x1C000] =	vst v63  }
0x6a: {  	_ =	swait.ge [sflag:s21], $0x4000  }
0x6b: {  	[sflag:s21] =	ssyncset.done $0x0  }
0x6c: {  	[sflag:s21] =	ssyncadd.s32 $0xFFFFC000  }
0x6d: {  	(ifvalue) =	ssetifvalue $0xFFFFFFFF  }
0x6e: {  	s12 =	sadd.s32 $0x100, s9;
	(ifvalue) =	ssetifvalue $0xFFFFFFFF  }
0x6f: {  	[tilespmem:s26], [sflag:$0x1] =	stream.indirect.gather [hbm4b:s4+s25], $0x80, s12, s25, $0x40b8;
	[tilespmem:$0x1C000] =	vst v63  }
0x70: {  	_ =	swait.ge [sflag:s30], $0x4000  }
0x71: {  	[sflag:s30] =	ssyncset.done $0x0  }
.Ltmp3:
0x72: {  	[sflag:s30] =	ssyncadd.s32 $0xFFFFC000;
	(pc) =	sbr.rel @p1 .LBB2_8-.Ltmp3, $4  }
0x73: {  	s9 =	sadd.s32 $0x5080, s9;
	(ifvalue) =	ssetifvalue $0xFFFFFFFF  }
0x74: {  	[spmem:s2] =	stream.indirect.scatter.add.f32 [tilespmem:s28], [sflag:$0x3], $0x80, s9, s25, $0x40b8;
	[tilespmem:$0x1C000] =	vst v63  }
0x75: {  	_ =	swait.ge [sflag:s21], $0x4000  }
0x76: {  	s9 =	sshra.s32 s13, $0x2;
	(ifvalue) =	ssetifvalue $0xFFFFFFFF;
	[sflag:s21] =	ssyncset.done $0x0  }
0x77: {  	(ifvalue) =	ssetifvalue $0xFFFFFFFF;
	s11 =	sadd.s32 $0x80, s9;
	[sflag:s21] =	ssyncadd.s32 $0xFFFFC000  }
0x78: {  	[tilespmem:s28], [sflag:$0x2] =	stream.indirect.gather [hbm4b:s4+s25], $0x80, s11, s25, $0x40b8;
	[tilespmem:$0x1C000] =	vst v63  }
0x79: {  	_ =	swait.ge [sflag:s29], $0x4000  }
0x7a: {  	[sflag:s29] =	ssyncset.done $0x0  }
0x7b: {  	s12 =	sadd.s32 $0x5000, s9;
	[sflag:s29] =	ssyncadd.s32 $0xFFFFC000;
	(ifvalue) =	ssetifvalue $0xFFFFFFFF  }
0x7c: {  	[spmem:s2] =	stream.indirect.scatter.add.f32 [tilespmem:s26], [sflag:$0x3], $0x80, s12, s25, $0x40b8;
	[tilespmem:$0x1C000] =	vst v63  }
0x7d: {  	_ =	swait.ge [sflag:s21], $0x4000  }
0x7e: {  	[sflag:s21] =	ssyncset.done $0x0  }
0x7f: {  	[sflag:s21] =	ssyncadd.s32 $0xFFFFC000;
	(ifvalue) =	ssetifvalue $0xFFFFFFFF  }
0x80: {  	s13 =	sadd.s32 $0x100, s9;
	(ifvalue) =	ssetifvalue $0xFFFFFFFF  }
0x81: {  	[tilespmem:s26], [sflag:$0x1] =	stream.indirect.gather [hbm4b:s4+s25], $0x80, s13, s25, $0x40b8;
	[tilespmem:$0x1C000] =	vst v63  }
0x82: {  	_ =	swait.ge [sflag:s30], $0x4000  }
0x83: {  	[sflag:s30] =	ssyncset.done $0x0  }
0x84: {  	s24 =	sadd.s32 $0x5080, s9;
	[sflag:s30] =	ssyncadd.s32 $0xFFFFC000;
	(ifvalue) =	ssetifvalue $0xFFFFFFFF  }
0x85: {  	[spmem:s2] =	stream.indirect.scatter.add.f32 [tilespmem:s28], [sflag:$0x3], $0x80, s24, s25, $0x40b8;
	[tilespmem:$0x1C000] =	vst v63  }
0x86: {  	_ =	swait.ge [sflag:s21], $0x4000  }
0x87: {  	[sflag:s21] =	ssyncset.done $0x0  }
0x88: {  	[sflag:s21] =	ssyncadd.s32 $0xFFFFC000;
	(ifvalue) =	ssetifvalue $0xFFFFFFFF  }
0x89: {  	(ifvalue) =	ssetifvalue $0xFFFFFFFF  }
0x8a: {  	[tilespmem:s28], [sflag:$0x2] =	stream.indirect.gather [hbm4b:s4+s25], $0x80, s31, s25, $0x40b8;
	[tilespmem:$0x1C000] =	vst v63  }
0x8b: {  	_ =	swait.ge [sflag:s29], $0x4000  }
0x8c: {  	[sflag:s29] =	ssyncset.done $0x0  }
0x8d: {  	[sflag:s29] =	ssyncadd.s32 $0xFFFFC000;
	(ifvalue) =	ssetifvalue $0xFFFFFFFF  }
0x8e: {  	[spmem:s2] =	stream.indirect.scatter.add.f32 [tilespmem:s26], [sflag:$0x3], $0x80, s0, s25, $0x40b8;
	[tilespmem:$0x1C000] =	vst v63  }
0x8f: {  	_ =	swait.ge [sflag:s21], $0x4000  }
0x90: {  	[sflag:s21] =	ssyncset.done $0x0  }
0x91: {  	[sflag:s21] =	ssyncadd.s32 $0xFFFFC000  }
0x92: {  	_ =	swait.ge [sflag:s30], $0x4000  }
0x93: {  	[sflag:s30] =	ssyncset.done $0x0  }
0x94: {  	[sflag:s30] =	ssyncadd.s32 $0xFFFFC000;
	(ifvalue) =	ssetifvalue $0xFFFFFFFF  }
0x95: {  	[spmem:s2] =	stream.indirect.scatter.add.f32 [tilespmem:s28], [sflag:$0x3], $0x80, s1, s25, $0x40b8;
	[tilespmem:$0x1C000] =	vst v63  }
0x96: {  	_ =	swait.ge [sflag:s21], $0x4000  }
0x97: {  	[sflag:s21] =	ssyncset.done $0x0  }
0x98: {  	[sflag:s21] =	ssyncadd.s32 $0xFFFFC000  }
0x99: {  	[bflag:$0x0] =	sbarrier.arrive $0xFFFF  }
0x9a: {  	[hbm:s18], [sflag:s22] =	dma.local [spmem:s8], $0x1400  }
0x9b: {  	_ =	swait.ge [sflag:s21], $0x1400  }
0x9c: {  	[sflag:s21] =	ssyncset.done $0x0  }
0x9d: {  	[sflag:s21] =	ssyncadd.s32 $0xFFFFEC00  }
0x9e: {  	[bflag:$0x0] =	sbarrier.arrive $0xFFFF  }
0x9f: {  	[spmem:s8], [sflag:s22] =	dma.local [hbm:s19], $0x1400  }
0xa0: {  	_ =	swait.ge [sflag:s21], $0x1400  }
0xa1: {  	[sflag:s21] =	ssyncset.done $0x0  }
0xa2: {  	[sflag:s21] =	ssyncadd.s32 $0xFFFFEC00  }
0xa3: {  	[bflag:$0x0] =	sbarrier.arrive $0xFFFF  }
0xa4: {  	(ifvalue) =	ssetifvalue $0xFFFFFFFF  }
0xa5: {  	s9 =	simm.s32 $0x0;
	(ifvalue) =	ssetifvalue $0xFFFFFFFF  }
0xa6: {  	[tilespmem:s26], [sflag:$0x1] =	stream.indirect.gather [hbm4b:s5+s25], $0x80, s9, s25, $0x40b8;
	[tilespmem:$0x1C000] =	vst v63  }
0xa7: {  	(ifvalue) =	ssetifvalue $0xFFFFFFFF  }
0xa8: {  	s11 =	simm.s32 $0x80;
	(ifvalue) =	ssetifvalue $0xFFFFFFFF  }
0xa9: {  	[tilespmem:s28], [sflag:$0x2] =	stream.indirect.gather [hbm4b:s5+s25], $0x80, s11, s25, $0x40b8;
	[tilespmem:$0x1C000] =	vst v63  }
0xaa: {  	_ =	swait.ge [sflag:s29], $0x4000  }
0xab: {  	[sflag:s29] =	ssyncset.done $0x0  }
0xac: {  	s12 =	simm.s32 $0x5000;
	[sflag:s29] =	ssyncadd.s32 $0xFFFFC000;
	(ifvalue) =	ssetifvalue $0xFFFFFFFF  }
0xad: {  	[spmem:s2] =	stream.indirect.scatter.add.f32 [tilespmem:s26], [sflag:$0x3], $0x80, s12, s25, $0x40b8;
	[tilespmem:$0x1C000] =	vst v63  }
0xae: {  	_ =	swait.ge [sflag:s21], $0x4000  }
0xaf: {  	[sflag:s21] =	ssyncset.done $0x0  }
0xb0: {  	[sflag:s21] =	ssyncadd.s32 $0xFFFFC000;
	(ifvalue) =	ssetifvalue $0xFFFFFFFF  }
0xb1: {  	s13 =	simm.s32 $0x100;
	(ifvalue) =	ssetifvalue $0xFFFFFFFF  }
0xb2: {  	[tilespmem:s26], [sflag:$0x1] =	stream.indirect.gather [hbm4b:s5+s25], $0x80, s13, s25, $0x40b8;
	[tilespmem:$0x1C000] =	vst v63  }
0xb3: {  	_ =	swait.ge [sflag:s30], $0x4000  }
0xb4: {  	[sflag:s30] =	ssyncset.done $0x0  }
0xb5: {  	s24 =	simm.s32 $0x5080;
	[sflag:s30] =	ssyncadd.s32 $0xFFFFC000;
	(ifvalue) =	ssetifvalue $0xFFFFFFFF  }
0xb6: {  	[spmem:s2] =	stream.indirect.scatter.add.f32 [tilespmem:s28], [sflag:$0x3], $0x80, s24, s25, $0x40b8;
	[tilespmem:$0x1C000] =	vst v63  }
0xb7: {  	s8 =	simm.s32 $0x100;
	_ =	swait.ge [sflag:s21], $0x4000  }
0xb8: {  	s9 =	simm.s32 $0x800;
	(ifvalue) =	ssetifvalue $0xFFFFFFFF;
	[sflag:s21] =	ssyncset.done $0x0  }
.LBB2_10:
0xb9: {  	s11 =	sadd.s32 $0x80, s8  }
0xba: {  	(ifvalue) =	ssetifvalue $0xFFFFFFFF;
	[sflag:s21] =	ssyncadd.s32 $0xFFFFC000;
	s12 =	smov.u32 s9  }
0xbb: {  	[tilespmem:s28], [sflag:$0x2] =	stream.indirect.gather [hbm4b:s5+s25], $0x80, s11, s25, $0x40b8;
	[tilespmem:$0x1C000] =	vst v63  }
0xbc: {  	p1 =	sne.s32 s9, $0x13800;
	s9 =	sadd.s32 $0x400, s9;
	_ =	swait.ge [sflag:s29], $0x4000  }
0xbd: {  	[sflag:s29] =	ssyncset.done $0x0  }
0xbe: {  	[sflag:s29] =	ssyncadd.s32 $0xFFFFC000  }
0xbf: {  	s11 =	sadd.s32 $0x5000, s8;
	(ifvalue) =	ssetifvalue $0xFFFFFFFF  }
0xc0: {  	[spmem:s2] =	stream.indirect.scatter.add.f32 [tilespmem:s26], [sflag:$0x3], $0x80, s11, s25, $0x40b8;
	[tilespmem:$0x1C000] =	vst v63  }
0xc1: {  	_ =	swait.ge [sflag:s21], $0x4000  }
0xc2: {  	[sflag:s21] =	ssyncset.done $0x0  }
0xc3: {  	[sflag:s21] =	ssyncadd.s32 $0xFFFFC000  }
0xc4: {  	(ifvalue) =	ssetifvalue $0xFFFFFFFF  }
0xc5: {  	s11 =	sadd.s32 $0x100, s8;
	(ifvalue) =	ssetifvalue $0xFFFFFFFF  }
0xc6: {  	[tilespmem:s26], [sflag:$0x1] =	stream.indirect.gather [hbm4b:s5+s25], $0x80, s11, s25, $0x40b8;
	[tilespmem:$0x1C000] =	vst v63  }
0xc7: {  	_ =	swait.ge [sflag:s30], $0x4000  }
0xc8: {  	[sflag:s30] =	ssyncset.done $0x0  }
.Ltmp4:
0xc9: {  	[sflag:s30] =	ssyncadd.s32 $0xFFFFC000;
	(pc) =	sbr.rel @p1 .LBB2_10-.Ltmp4, $4  }
0xca: {  	s8 =	sadd.s32 $0x5080, s8;
	(ifvalue) =	ssetifvalue $0xFFFFFFFF  }
0xcb: {  	[spmem:s2] =	stream.indirect.scatter.add.f32 [tilespmem:s28], [sflag:$0x3], $0x80, s8, s25, $0x40b8;
	[tilespmem:$0x1C000] =	vst v63  }
0xcc: {  	_ =	swait.ge [sflag:s21], $0x4000  }
0xcd: {  	s8 =	sshra.s32 s12, $0x2;
	(ifvalue) =	ssetifvalue $0xFFFFFFFF;
	[sflag:s21] =	ssyncset.done $0x0  }
.Ltmp5:
0xce: {  	_ = 	snop;
	(pc) =	sbr.rel .LBB2_11-.Ltmp5, $1  }
0xcf: {  	_ =	sdelay $0x3  }
.LBB2_2:
0xd0: {  	s8 =	rddreg [dreg:$0x4]  }
0xd1: {  	[tilespmem:s9], [sflag:$0x3] =	stream.linear.gather [hbm4b:s8+s9], $0x5000, $0x38;
	[tilespmem:$0x1C000] =	vst v63  }
0xd2: {  	_ =	swait.ge [sflag:s21], $0x5000  }
0xd3: {  	[sflag:s21] =	ssyncset.done $0x0  }
0xd4: {  	s11 =	simm.s32 $0x5000;
	s24 =	rddreg [dreg:$0x5];
	[sflag:s21] =	ssyncadd.s32 $0xFFFFB000  }
0xd5: {  	[tilespmem:s11], [sflag:$0x3] =	stream.linear.gather [hbm4b:s24+s9], $0x5000, $0x38;
	[tilespmem:$0x1C000] =	vst v63  }
0xd6: {  	_ =	swait.ge [sflag:s21], $0x5000  }
0xd7: {  	s8 =	sshrl.u32 s10, $0x3;
	[sflag:s21] =	ssyncset.done $0x0  }
0xd8: {  	s24 =	sor.u32 $0x1C03, s23;
	s12 =	rddreg [dreg:$0x6];
	[sflag:s21] =	ssyncadd.s32 $0xFFFFB000  }
0xd9: {  	[spmem:s8], [sflag:s24] =	dma.local [hbm:s12], $0x1400  }
0xda: {  	_ =	swait.ge [sflag:s21], $0x1400  }
0xdb: {  	[sflag:s21] =	ssyncset.done $0x0  }
0xdc: {  	[sflag:s21] =	ssyncadd.s32 $0xFFFFEC00  }
0xdd: {  	[bflag:$0x0] =	sbarrier.arrive $0xFFFF  }
0xde: {  	(ifvalue) =	ssetifvalue $0xFFFFFFFF  }
0xdf: {  	(ifvalue) =	ssetifvalue $0xFFFFFFFF  }
0xe0: {  	[tilespmem:s26], [sflag:$0x1] =	stream.indirect.gather [hbm4b:s4+s25], $0x80, s9, s25, $0x40b8;
	[tilespmem:$0x1C000] =	vst v63  }
0xe1: {  	(ifvalue) =	ssetifvalue $0xFFFFFFFF  }
0xe2: {  	s13 =	simm.s32 $0x80;
	(ifvalue) =	ssetifvalue $0xFFFFFFFF  }
0xe3: {  	[tilespmem:s28], [sflag:$0x2] =	stream.indirect.gather [hbm4b:s4+s25], $0x80, s13, s25, $0x40b8;
	[tilespmem:$0x1C000] =	vst v63  }
0xe4: {  	_ =	swait.ge [sflag:s29], $0x4000  }
0xe5: {  	[sflag:s29] =	ssyncset.done $0x0  }
0xe6: {  	s11 =	simm.s32 $0x5000;
	[sflag:s29] =	ssyncadd.s32 $0xFFFFC000;
	(ifvalue) =	ssetifvalue $0xFFFFFFFF  }
0xe7: {  	[spmem:s2] =	stream.indirect.scatter.add.f32 [tilespmem:s26], [sflag:$0x3], $0x80, s11, s25, $0x40b8;
	[tilespmem:$0x1C000] =	vst v63  }
0xe8: {  	_ =	swait.ge [sflag:s21], $0x4000  }
0xe9: {  	[sflag:s21] =	ssyncset.done $0x0  }
0xea: {  	[sflag:s21] =	ssyncadd.s32 $0xFFFFC000;
	(ifvalue) =	ssetifvalue $0xFFFFFFFF  }
0xeb: {  	s12 =	simm.s32 $0x100;
	(ifvalue) =	ssetifvalue $0xFFFFFFFF  }
0xec: {  	[tilespmem:s26], [sflag:$0x1] =	stream.indirect.gather [hbm4b:s4+s25], $0x80, s12, s25, $0x40b8;
	[tilespmem:$0x1C000] =	vst v63  }
0xed: {  	_ =	swait.ge [sflag:s30], $0x4000  }
0xee: {  	[sflag:s30] =	ssyncset.done $0x0  }
0xef: {  	s13 =	simm.s32 $0x5080;
	[sflag:s30] =	ssyncadd.s32 $0xFFFFC000;
	(ifvalue) =	ssetifvalue $0xFFFFFFFF  }
0xf0: {  	[spmem:s2] =	stream.indirect.scatter.add.f32 [tilespmem:s28], [sflag:$0x3], $0x80, s13, s25, $0x40b8;
	[tilespmem:$0x1C000] =	vst v63  }
0xf1: {  	s9 =	simm.s32 $0x100;
	_ =	swait.ge [sflag:s21], $0x4000  }
0xf2: {  	s11 =	simm.s32 $0x800;
	(ifvalue) =	ssetifvalue $0xFFFFFFFF;
	[sflag:s21] =	ssyncset.done $0x0  }
.LBB2_3:
0xf3: {  	s12 =	sadd.s32 $0x80, s9  }
0xf4: {  	(ifvalue) =	ssetifvalue $0xFFFFFFFF;
	[sflag:s21] =	ssyncadd.s32 $0xFFFFC000;
	s13 =	smov.u32 s11  }
0xf5: {  	[tilespmem:s28], [sflag:$0x2] =	stream.indirect.gather [hbm4b:s4+s25], $0x80, s12, s25, $0x40b8;
	[tilespmem:$0x1C000] =	vst v63  }
0xf6: {  	p1 =	sne.s32 s11, $0x13800;
	s11 =	sadd.s32 $0x400, s11;
	_ =	swait.ge [sflag:s29], $0x4000  }
0xf7: {  	[sflag:s29] =	ssyncset.done $0x0  }
0xf8: {  	[sflag:s29] =	ssyncadd.s32 $0xFFFFC000  }
0xf9: {  	s12 =	sadd.s32 $0x5000, s9;
	(ifvalue) =	ssetifvalue $0xFFFFFFFF  }
0xfa: {  	[spmem:s2] =	stream.indirect.scatter.add.f32 [tilespmem:s26], [sflag:$0x3], $0x80, s12, s25, $0x40b8;
	[tilespmem:$0x1C000] =	vst v63  }
0xfb: {  	_ =	swait.ge [sflag:s21], $0x4000  }
0xfc: {  	[sflag:s21] =	ssyncset.done $0x0  }
0xfd: {  	[sflag:s21] =	ssyncadd.s32 $0xFFFFC000  }
0xfe: {  	(ifvalue) =	ssetifvalue $0xFFFFFFFF  }
0xff: {  	s12 =	sadd.s32 $0x100, s9;
	(ifvalue) =	ssetifvalue $0xFFFFFFFF  }
0x100: {  	[tilespmem:s26], [sflag:$0x1] =	stream.indirect.gather [hbm4b:s4+s25], $0x80, s12, s25, $0x40b8;
	[tilespmem:$0x1C000] =	vst v63  }
0x101: {  	_ =	swait.ge [sflag:s30], $0x4000  }
0x102: {  	[sflag:s30] =	ssyncset.done $0x0  }
.Ltmp6:
0x103: {  	[sflag:s30] =	ssyncadd.s32 $0xFFFFC000;
	(pc) =	sbr.rel @p1 .LBB2_3-.Ltmp6, $4  }
0x104: {  	s9 =	sadd.s32 $0x5080, s9;
	(ifvalue) =	ssetifvalue $0xFFFFFFFF  }
0x105: {  	[spmem:s2] =	stream.indirect.scatter.add.f32 [tilespmem:s28], [sflag:$0x3], $0x80, s9, s25, $0x40b8;
	[tilespmem:$0x1C000] =	vst v63  }
0x106: {  	_ =	swait.ge [sflag:s21], $0x4000  }
0x107: {  	s9 =	sshra.s32 s13, $0x2;
	(ifvalue) =	ssetifvalue $0xFFFFFFFF;
	[sflag:s21] =	ssyncset.done $0x0  }
0x108: {  	(ifvalue) =	ssetifvalue $0xFFFFFFFF;
	s11 =	sadd.s32 $0x80, s9;
	[sflag:s21] =	ssyncadd.s32 $0xFFFFC000  }
0x109: {  	[tilespmem:s28], [sflag:$0x2] =	stream.indirect.gather [hbm4b:s4+s25], $0x80, s11, s25, $0x40b8;
	[tilespmem:$0x1C000] =	vst v63  }
0x10a: {  	_ =	swait.ge [sflag:s29], $0x4000  }
0x10b: {  	[sflag:s29] =	ssyncset.done $0x0  }
0x10c: {  	s13 =	sadd.s32 $0x5000, s9;
	[sflag:s29] =	ssyncadd.s32 $0xFFFFC000;
	(ifvalue) =	ssetifvalue $0xFFFFFFFF  }
0x10d: {  	[spmem:s2] =	stream.indirect.scatter.add.f32 [tilespmem:s26], [sflag:$0x3], $0x80, s13, s25, $0x40b8;
	[tilespmem:$0x1C000] =	vst v63  }
0x10e: {  	_ =	swait.ge [sflag:s21], $0x4000  }
0x10f: {  	[sflag:s21] =	ssyncset.done $0x0  }
0x110: {  	[sflag:s21] =	ssyncadd.s32 $0xFFFFC000;
	(ifvalue) =	ssetifvalue $0xFFFFFFFF  }
0x111: {  	s12 =	sadd.s32 $0x100, s9;
	(ifvalue) =	ssetifvalue $0xFFFFFFFF  }
0x112: {  	[tilespmem:s26], [sflag:$0x1] =	stream.indirect.gather [hbm4b:s4+s25], $0x80, s12, s25, $0x40b8;
	[tilespmem:$0x1C000] =	vst v63  }
0x113: {  	_ =	swait.ge [sflag:s30], $0x4000  }
0x114: {  	[sflag:s30] =	ssyncset.done $0x0  }
0x115: {  	s13 =	sadd.s32 $0x5080, s9;
	[sflag:s30] =	ssyncadd.s32 $0xFFFFC000;
	(ifvalue) =	ssetifvalue $0xFFFFFFFF  }
0x116: {  	[spmem:s2] =	stream.indirect.scatter.add.f32 [tilespmem:s28], [sflag:$0x3], $0x80, s13, s25, $0x40b8;
	[tilespmem:$0x1C000] =	vst v63  }
0x117: {  	_ =	swait.ge [sflag:s21], $0x4000  }
0x118: {  	[sflag:s21] =	ssyncset.done $0x0  }
0x119: {  	[sflag:s21] =	ssyncadd.s32 $0xFFFFC000;
	(ifvalue) =	ssetifvalue $0xFFFFFFFF  }
0x11a: {  	(ifvalue) =	ssetifvalue $0xFFFFFFFF  }
0x11b: {  	[tilespmem:s28], [sflag:$0x2] =	stream.indirect.gather [hbm4b:s4+s25], $0x80, s31, s25, $0x40b8;
	[tilespmem:$0x1C000] =	vst v63  }
0x11c: {  	_ =	swait.ge [sflag:s29], $0x4000  }
0x11d: {  	[sflag:s29] =	ssyncset.done $0x0  }
0x11e: {  	[sflag:s29] =	ssyncadd.s32 $0xFFFFC000;
	(ifvalue) =	ssetifvalue $0xFFFFFFFF  }
0x11f: {  	[spmem:s2] =	stream.indirect.scatter.add.f32 [tilespmem:s26], [sflag:$0x3], $0x80, s0, s25, $0x40b8;
	[tilespmem:$0x1C000] =	vst v63  }
0x120: {  	_ =	swait.ge [sflag:s21], $0x4000  }
0x121: {  	[sflag:s21] =	ssyncset.done $0x0  }
0x122: {  	[sflag:s21] =	ssyncadd.s32 $0xFFFFC000  }
0x123: {  	_ =	swait.ge [sflag:s30], $0x4000  }
0x124: {  	[sflag:s30] =	ssyncset.done $0x0  }
0x125: {  	[sflag:s30] =	ssyncadd.s32 $0xFFFFC000;
	(ifvalue) =	ssetifvalue $0xFFFFFFFF  }
0x126: {  	[spmem:s2] =	stream.indirect.scatter.add.f32 [tilespmem:s28], [sflag:$0x3], $0x80, s1, s25, $0x40b8;
	[tilespmem:$0x1C000] =	vst v63  }
0x127: {  	_ =	swait.ge [sflag:s21], $0x4000  }
0x128: {  	[sflag:s21] =	ssyncset.done $0x0  }
0x129: {  	[sflag:s21] =	ssyncadd.s32 $0xFFFFC000  }
0x12a: {  	[bflag:$0x0] =	sbarrier.arrive $0xFFFF  }
0x12b: {  	s11 =	rddreg [dreg:$0x7]  }
0x12c: {  	[hbm:s11], [sflag:s24] =	dma.local [spmem:s8], $0x1400  }
0x12d: {  	_ =	swait.ge [sflag:s21], $0x1400  }
0x12e: {  	[sflag:s21] =	ssyncset.done $0x0  }
0x12f: {  	[sflag:s21] =	ssyncadd.s32 $0xFFFFEC00  }
0x130: {  	[bflag:$0x0] =	sbarrier.arrive $0xFFFF  }
0x131: {  	s12 =	rddreg [dreg:$0x8]  }
0x132: {  	[spmem:s8], [sflag:s24] =	dma.local [hbm:s12], $0x1400  }
0x133: {  	_ =	swait.ge [sflag:s21], $0x1400  }
0x134: {  	[sflag:s21] =	ssyncset.done $0x0  }
0x135: {  	[sflag:s21] =	ssyncadd.s32 $0xFFFFEC00  }
0x136: {  	[bflag:$0x0] =	sbarrier.arrive $0xFFFF  }
0x137: {  	(ifvalue) =	ssetifvalue $0xFFFFFFFF  }
0x138: {  	s13 =	simm.s32 $0x0;
	(ifvalue) =	ssetifvalue $0xFFFFFFFF  }
0x139: {  	[tilespmem:s26], [sflag:$0x1] =	stream.indirect.gather [hbm4b:s5+s25], $0x80, s13, s25, $0x40b8;
	[tilespmem:$0x1C000] =	vst v63  }
0x13a: {  	(ifvalue) =	ssetifvalue $0xFFFFFFFF  }
0x13b: {  	s9 =	simm.s32 $0x80;
	(ifvalue) =	ssetifvalue $0xFFFFFFFF  }
0x13c: {  	[tilespmem:s28], [sflag:$0x2] =	stream.indirect.gather [hbm4b:s5+s25], $0x80, s9, s25, $0x40b8;
	[tilespmem:$0x1C000] =	vst v63  }
0x13d: {  	_ =	swait.ge [sflag:s29], $0x4000  }
0x13e: {  	[sflag:s29] =	ssyncset.done $0x0  }
0x13f: {  	s11 =	simm.s32 $0x5000;
	[sflag:s29] =	ssyncadd.s32 $0xFFFFC000;
	(ifvalue) =	ssetifvalue $0xFFFFFFFF  }
0x140: {  	[spmem:s2] =	stream.indirect.scatter.add.f32 [tilespmem:s26], [sflag:$0x3], $0x80, s11, s25, $0x40b8;
	[tilespmem:$0x1C000] =	vst v63  }
0x141: {  	_ =	swait.ge [sflag:s21], $0x4000  }
0x142: {  	[sflag:s21] =	ssyncset.done $0x0  }
0x143: {  	[sflag:s21] =	ssyncadd.s32 $0xFFFFC000;
	(ifvalue) =	ssetifvalue $0xFFFFFFFF  }
0x144: {  	s12 =	simm.s32 $0x100;
	(ifvalue) =	ssetifvalue $0xFFFFFFFF  }
0x145: {  	[tilespmem:s26], [sflag:$0x1] =	stream.indirect.gather [hbm4b:s5+s25], $0x80, s12, s25, $0x40b8;
	[tilespmem:$0x1C000] =	vst v63  }
0x146: {  	_ =	swait.ge [sflag:s30], $0x4000  }
0x147: {  	[sflag:s30] =	ssyncset.done $0x0  }
0x148: {  	s13 =	simm.s32 $0x5080;
	[sflag:s30] =	ssyncadd.s32 $0xFFFFC000;
	(ifvalue) =	ssetifvalue $0xFFFFFFFF  }
0x149: {  	[spmem:s2] =	stream.indirect.scatter.add.f32 [tilespmem:s28], [sflag:$0x3], $0x80, s13, s25, $0x40b8;
	[tilespmem:$0x1C000] =	vst v63  }
0x14a: {  	s8 =	simm.s32 $0x100;
	_ =	swait.ge [sflag:s21], $0x4000  }
0x14b: {  	s9 =	simm.s32 $0x800;
	(ifvalue) =	ssetifvalue $0xFFFFFFFF;
	[sflag:s21] =	ssyncset.done $0x0  }
.LBB2_5:
0x14c: {  	s11 =	sadd.s32 $0x80, s8  }
0x14d: {  	(ifvalue) =	ssetifvalue $0xFFFFFFFF;
	[sflag:s21] =	ssyncadd.s32 $0xFFFFC000;
	s12 =	smov.u32 s9  }
0x14e: {  	[tilespmem:s28], [sflag:$0x2] =	stream.indirect.gather [hbm4b:s5+s25], $0x80, s11, s25, $0x40b8;
	[tilespmem:$0x1C000] =	vst v63  }
0x14f: {  	p1 =	seq.s32 s9, $0x13800;
	s9 =	sadd.s32 $0x400, s9;
	_ =	swait.ge [sflag:s29], $0x4000  }
0x150: {  	[sflag:s29] =	ssyncset.done $0x0  }
0x151: {  	[sflag:s29] =	ssyncadd.s32 $0xFFFFC000  }
0x152: {  	s11 =	sadd.s32 $0x5000, s8;
	(ifvalue) =	ssetifvalue $0xFFFFFFFF  }
0x153: {  	[spmem:s2] =	stream.indirect.scatter.add.f32 [tilespmem:s26], [sflag:$0x3], $0x80, s11, s25, $0x40b8;
	[tilespmem:$0x1C000] =	vst v63  }
0x154: {  	_ =	swait.ge [sflag:s21], $0x4000  }
0x155: {  	[sflag:s21] =	ssyncset.done $0x0  }
0x156: {  	[sflag:s21] =	ssyncadd.s32 $0xFFFFC000  }
0x157: {  	(ifvalue) =	ssetifvalue $0xFFFFFFFF  }
0x158: {  	s11 =	sadd.s32 $0x100, s8;
	(ifvalue) =	ssetifvalue $0xFFFFFFFF  }
0x159: {  	[tilespmem:s26], [sflag:$0x1] =	stream.indirect.gather [hbm4b:s5+s25], $0x80, s11, s25, $0x40b8;
	[tilespmem:$0x1C000] =	vst v63  }
0x15a: {  	_ =	swait.ge [sflag:s30], $0x4000  }
0x15b: {  	[sflag:s30] =	ssyncset.done $0x0  }
.Ltmp7:
0x15c: {  	[sflag:s30] =	ssyncadd.s32 $0xFFFFC000;
	(pc) =	sbr.rel @!p1 .LBB2_5-.Ltmp7, $4  }
0x15d: {  	s8 =	sadd.s32 $0x5080, s8;
	(ifvalue) =	ssetifvalue $0xFFFFFFFF  }
0x15e: {  	[spmem:s2] =	stream.indirect.scatter.add.f32 [tilespmem:s28], [sflag:$0x3], $0x80, s8, s25, $0x40b8;
	[tilespmem:$0x1C000] =	vst v63  }
0x15f: {  	_ =	swait.ge [sflag:s21], $0x4000  }
0x160: {  	s8 =	sshra.s32 s12, $0x2;
	(ifvalue) =	ssetifvalue $0xFFFFFFFF;
	[sflag:s21] =	ssyncset.done $0x0  }
0x161: {  	(ifvalue) =	ssetifvalue $0xFFFFFFFF;
	s9 =	sadd.s32 $0x80, s8;
	[sflag:s21] =	ssyncadd.s32 $0xFFFFC000  }
0x162: {  	[tilespmem:s28], [sflag:$0x2] =	stream.indirect.gather [hbm4b:s5+s25], $0x80, s9, s25, $0x40b8;
	[tilespmem:$0x1C000] =	vst v63  }
0x163: {  	_ =	swait.ge [sflag:s29], $0x4000  }
0x164: {  	[sflag:s29] =	ssyncset.done $0x0  }
0x165: {  	s11 =	sadd.s32 $0x5000, s8;
	[sflag:s29] =	ssyncadd.s32 $0xFFFFC000;
	(ifvalue) =	ssetifvalue $0xFFFFFFFF  }
0x166: {  	[spmem:s2] =	stream.indirect.scatter.add.f32 [tilespmem:s26], [sflag:$0x3], $0x80, s11, s25, $0x40b8;
	[tilespmem:$0x1C000] =	vst v63  }
0x167: {  	_ =	swait.ge [sflag:s21], $0x4000  }
0x168: {  	[sflag:s21] =	ssyncset.done $0x0  }
0x169: {  	[sflag:s21] =	ssyncadd.s32 $0xFFFFC000;
	(ifvalue) =	ssetifvalue $0xFFFFFFFF  }
0x16a: {  	s12 =	sadd.s32 $0x100, s8;
	(ifvalue) =	ssetifvalue $0xFFFFFFFF  }
0x16b: {  	[tilespmem:s26], [sflag:$0x1] =	stream.indirect.gather [hbm4b:s5+s25], $0x80, s12, s25, $0x40b8;
	[tilespmem:$0x1C000] =	vst v63  }
0x16c: {  	_ =	swait.ge [sflag:s30], $0x4000  }
0x16d: {  	s13 =	sadd.s32 $0x5080, s8;
	[sflag:s30] =	ssyncset.done $0x0  }
.Ltmp8:
0x16e: {  	[sflag:s30] =	ssyncadd.s32 $0xFFFFC000;
	(ifvalue) =	ssetifvalue $0xFFFFFFFF;
	(pc) =	sbr.rel .LBB2_12-.Ltmp8, $4  }
0x16f: {  	[spmem:s2] =	stream.indirect.scatter.add.f32 [tilespmem:s28], [sflag:$0x3], $0x80, s13, s25, $0x40b8;
	[tilespmem:$0x1C000] =	vst v63  }
0x170: {  	_ =	swait.ge [sflag:s21], $0x4000  }
0x171: {  	[sflag:s21] =	ssyncset.done $0x0  }
0x172: {  	s8 =	smov.u32 s7;
	[sflag:s21] =	ssyncadd.s32 $0xFFFFC000  }
.LBB2_13:
0x173: {  	_ =	sfence.sel $0x180000  }
0x174: {  	[bflag:$0x0] =	sbarrier.arrive $0xFFFF  }
0x175: {  	_ =	strace $0x9000004A  }
0x176: {  	s0 =	stileid.u32;
	[bflag:$0x2] =	sbarrier.arrive $0xFFFF  }
0x177: {  	p0 =	sne.s32 s0, $0x0;
	s0 =	rddreg [dreg:$0x3]  }
0x178: {  	s0 =	sadd.s32 @!p0 $0x100000, s0  }
0x179: {  	[sflag:s0] =	ssyncadd.tile.s32 @!p0 $0x1;
	_ =	shalt  }
.Lfunc_end2:
_tile_overlayer_lowered:
.L_overlay_start_2:
0x17a: {  	(tag) =	ssettag $0x2  }
0x17b: {  	s0 =	rddreg [dreg:$0x0];
	s2 =	stileid.u32  }
0x17c: {  	s1 =	rddreg [dreg:$0x1];
	p0 =	sne.s32 s2, $0x0  }
0x17d: {  	s3 =	rddreg [dreg:$0x2];
	[bflag:$0x3] =	sbarrier.arrive $0xFFFF;
	s2 =	simm.s32 @!p0 $0x1C03  }
0x17e: {  	[timem:s3], [sflag:s2] =	dma.local @!p0 [hbm:s0], s1  }
0x17f: {  	s0 =	simm.s32 @!p0 $0x3  }
0x180: {  	_ =	swait.ge @!p0 [sflag:s0], s1  }
0x181: {  	s1 =	ssub.s32 @!p0 $0x0, s1;
	[sflag:s0] =	ssyncset.done @!p0 $0x0  }
0x182: {  	[sflag:s0] =	ssyncadd.s32 @!p0 s1  }
0x183: {  	[bflag:$0x3] =	sbarrier.arrive $0xFFFF  }
0x184: {  	_ =	shalt  }

// kernel: kernel.15.cloned.1.call-start
scs
__scs_entry_jumppad:
0x0: {  	(pc) =	sbr.rel $0x88, $3  }
0x1: {  	(tag) =	ssettag $0x0;
	lr =	simm.s32 $0x1  }
0x2: {  	[smem:$0x3F9B] =	sst lr;
	_ =	strace $0xD0000000  }
0x3: {  	_ = 	snop  }
0x4: {  	_ = 	snop  }
0x5: {  	_ = 	snop  }
0x6: {  	_ = 	snop  }
0x7: {  	_ = 	snop  }
__scs_overlays_trampoline_lowered:
0x8: {  	[smem:$0x3FAA] =	sst s0  }
0x9: {  	[smem:$0x3FAB] =	sst s1  }
0xa: {  	[smem:$0x3FAC] =	sst s2  }
0xb: {  	[smem:$0x3FAD] =	sst s3  }
0xc: {  	[smem:$0x3FAE] =	sst s4  }
0xd: {  	[smem:$0x3FAF] =	sst s5  }
0xe: {  	[smem:$0x3FB0] =	sst s6  }
0xf: {  	[smem:$0x3FB1] =	sst s7  }
0x10: {  	[smem:$0x3FB2] =	sst s8  }
0x11: {  	[smem:$0x3FB3] =	sst s9;
	s0 =	simm.s32 @!p0 $0x0  }
0x12: {  	s1 =	sld [smem:$0x3F99];
	s0 =	simm.s32 @p0 $0x1  }
0x13: {  	[smem:$0x3FB4] =	sst s0;
	s0 =	simm.s32 @!p1 $0x0  }
0x14: {  	s2 =	sld [smem:$0x3F98];
	s0 =	simm.s32 @p1 $0x1  }
0x15: {  	[smem:$0x3FB5] =	sst s0;
	s0 =	simm.s32 @!p2 $0x0  }
0x16: {  	s3 =	sld [smem:$0x3FDB];
	s0 =	simm.s32 @p2 $0x1  }
0x17: {  	s4 =	simm.s32 $0x1BF5;
	[smem:$0x3FB7] =	sst s0  }
0x18: {  	s0 =	sld [smem:$0x3F9A];
	_ =	swait.ge [sflag:s4], $0x0  }
0x19: {  	s7 =	sld [smem:$0x3F9B]  }
0x1a: {  	s8 =	sadd.s32 $0xFFFFE003, lr  }
0x1b: {  	s9 =	sadd.s32 $0xFFFFFEF7, lr;
	s5 =	simm.s32 $0xFFFFFFFF;
	p2 =	slt.u32 s8, $0xFFFFF086  }
0x1c: {  	p1 =	slt.u32 s9, $0xF7A;
	s5 =	simm.s32 @!p2 $0x0  }
0x1d: {  	s5 =	simm.s32 @p1 $0x1;
	p0 =	seq.s32 s7, s2  }
0x1e: {  	s7 =	smul.u32 @!p0 $0xF7A, s2;
	p2 =	seq.s32 @!p0 s5, $0x0  }
0x1f: {  	s9 =	smul.u32 $0xF7A, s1;
	s8 =	simm.s32 @!p0 $0x1BF5;
	p2 =	por !p2, p0  }
0x20: {  	[sflag:s8] =	ssyncset.s32 @!p0 $0xFFFFF086;
	s6 =	sadd.s32 @!p0 s3, s7;
	s7 =	simm.s32 @!p0 $0x108  }
0x21: {  	s3 =	sadd.s32 s3, s9;
	s6 =	sadd.s32 @!p0 $0x88, s6;
	s7 =	simm.s32 @p2 $0x1082  }
0x22: {  	[simem:s7], [sflag:s8] =	dma.local @!p0 [hbm:s6], $0xF7A  }
0x23: {  	s9 =	sor.u32 $0xD0000000, s2;
	s6 =	simm.s32 $0x108;
	_ =	swait.ge @!p0 [sflag:s8], $0x0  }
0x24: {  	s3 =	sadd.s32 $0x88, s3;
	s6 =	simm.s32 @!p1 $0x1082;
	[sflag:s4] =	ssyncset.s32 $0xFFFFF086  }
0x25: {  	[simem:s6], [sflag:s4] =	dma.local [hbm:s3], $0xF7A  }
0x26: {  	[smem:$0x3F9B] =	sst s1;
	(tag) =	ssettag s2;
	_ =	strace s9  }
0x27: {  	s1 =	sld [smem:$0x3FAB]  }
0x28: {  	s2 =	sld [smem:$0x3FAC]  }
0x29: {  	s4 =	sld [smem:$0x3FAE]  }
0x2a: {  	p0 =	seq.s32 s5, $0x0;
	s5 =	sld [smem:$0x3FAF]  }
0x2b: {  	s6 =	sld [smem:$0x3FB0]  }
0x2c: {  	s7 =	sld [smem:$0x3FB1]  }
0x2d: {  	s3 =	simm.s32 $0x108;
	s8 =	sld [smem:$0x3FB2]  }
0x2e: {  	s3 =	simm.s32 @!p0 $0x1082;
	s9 =	sld [smem:$0x3FB3]  }
0x2f: {  	lr =	sadd.s32 s0, s3;
	s0 =	sld [smem:$0x3FAA]  }
0x30: {  	s3 =	sld [smem:$0x3FAD]  }
0x31: {  	[smem:$0x3FB6] =	sst s10  }
0x32: {  	s10 =	sld [smem:$0x3FB4];
	_ =	sdelay $0x3  }
0x33: {  	p0 =	seq.s32 s10, $0x1;
	s10 =	sld [smem:$0x3FB6];
	_ =	sdelay $0x3  }
0x34: {  	[smem:$0x3FB6] =	sst s10  }
0x35: {  	s10 =	sld [smem:$0x3FB5];
	_ =	sdelay $0x3  }
0x36: {  	p1 =	seq.s32 s10, $0x1;
	s10 =	sld [smem:$0x3FB6];
	_ =	sdelay $0x3  }
0x37: {  	[smem:$0x3FB6] =	sst s10  }
0x38: {  	s10 =	sld [smem:$0x3FB7]  }
0x39: {  	_ = 	snop;
	(pc) =	sbr.ind lr, $3  }
0x3a: {  	_ = 	snop  }
0x3b: {  	_ = 	snop  }
0x3c: {  	p2 =	seq.s32 s10, $0x1;
	s10 =	sld [smem:$0x3FB6]  }
0x3d: {  	_ =	shalt  }
0x3e: {  	_ =	shalt  }
0x3f: {  	_ =	shalt  }
0x40: {  	_ =	shalt  }
0x41: {  	_ =	shalt  }
0x42: {  	_ =	shalt  }
0x43: {  	_ =	shalt  }
0x44: {  	_ =	shalt  }
0x45: {  	_ =	shalt  }
0x46: {  	_ =	shalt  }
0x47: {  	_ =	shalt  }
0x48: {  	_ =	shalt  }
0x49: {  	_ =	shalt  }
0x4a: {  	_ =	shalt  }
0x4b: {  	_ =	shalt  }
0x4c: {  	_ =	shalt  }
0x4d: {  	_ =	shalt  }
0x4e: {  	_ =	shalt  }
0x4f: {  	_ =	shalt  }
0x50: {  	_ =	shalt  }
0x51: {  	_ =	shalt  }
0x52: {  	_ =	shalt  }
0x53: {  	_ =	shalt  }
0x54: {  	_ =	shalt  }
0x55: {  	_ =	shalt  }
0x56: {  	_ =	shalt  }
0x57: {  	_ =	shalt  }
0x58: {  	_ =	shalt  }
0x59: {  	_ =	shalt  }
0x5a: {  	_ =	shalt  }
0x5b: {  	_ =	shalt  }
0x5c: {  	_ =	shalt  }
0x5d: {  	_ =	shalt  }
0x5e: {  	_ =	shalt  }
0x5f: {  	_ =	shalt  }
0x60: {  	_ =	shalt  }
0x61: {  	_ =	shalt  }
0x62: {  	_ =	shalt  }
0x63: {  	_ =	shalt  }
0x64: {  	_ =	shalt  }
0x65: {  	_ =	shalt  }
0x66: {  	_ =	shalt  }
0x67: {  	_ =	shalt  }
0x68: {  	_ =	shalt  }
0x69: {  	_ =	shalt  }
0x6a: {  	_ =	shalt  }
0x6b: {  	_ =	shalt  }
0x6c: {  	_ =	shalt  }
0x6d: {  	_ =	shalt  }
0x6e: {  	_ =	shalt  }
0x6f: {  	_ =	shalt  }
0x70: {  	_ =	shalt  }
0x71: {  	_ =	shalt  }
0x72: {  	_ =	shalt  }
0x73: {  	_ =	shalt  }
0x74: {  	_ =	shalt  }
0x75: {  	_ =	shalt  }
0x76: {  	_ =	shalt  }
0x77: {  	_ =	shalt  }
0x78: {  	_ =	shalt  }
0x79: {  	_ =	shalt  }
0x7a: {  	_ =	shalt  }
0x7b: {  	_ =	shalt  }
0x7c: {  	_ =	shalt  }
0x7d: {  	_ =	shalt  }
0x7e: {  	_ =	shalt  }
0x7f: {  	_ =	shalt  }
0x80: {  	_ =	shalt  }
0x81: {  	_ =	shalt  }
0x82: {  	_ =	shalt  }
0x83: {  	_ =	shalt  }
0x84: {  	_ =	shalt  }
0x85: {  	_ =	shalt  }
0x86: {  	_ =	shalt  }
0x87: {  	_ =	shalt  }
.Lfunc_end0:
.L_simem_size_0:
called_computation.2_lowered:
.L_overlay_start_0:
0x88: {  	s2 =	sld [smem:$0x3FD9]  }
0x89: {  	s3 =	sld [smem:$0x3FFE];
	_ =	sdelay $0x1  }
0x8a: {  	s1 =	srdreg.scid  }
0x8b: {  	s0 =	sand.u32 $0x1, s1  }
0x8c: {  	s17 =	sshll.u32 s0, $0xA;
	s2 =	sadd.s32 s3, s2  }
0x8d: {  	s2 =	sadd.s32 s2, s17  }
0x8e: {  	[smem:$0x3FC2] =	sst s2  }
0x8f: {  	_ = 	snop  }
0x90: {  	s2 =	sld [smem:$0x3FD0];
	(tm) =	ssettm $0x1  }
0x91: {  	s18 =	sld [smem:$0x3FFB];
	_ =	sdelay $0x3  }
0x92: {  	_ =	strace s18  }
0x93: {  	s3 =	sld [smem:$0x3FFC];
	_ =	sdelay $0x3  }
0x94: {  	_ =	strace s3  }
0x95: {  	s3 =	sld [smem:$0x3FFD];
	_ =	sdelay $0x3  }
0x96: {  	_ =	strace s3  }
0x97: {  	_ =	strace $0x8FFFFFFF  }
0x98: {  	s19 =	sld [smem:$0x3FDB];
	_ =	sdelay $0x1  }
0x99: {  	s4 =	simm.s32 $_scs_section_size  }
0x9a: {  	s5 =	simm.s32 $_size__tile_overlayer_lowered;
	s6 =	simm.s32 $_tile_overlayer_lowered  }
0x9b: {  	s22 =	simm.s32 $0x1BFF;
	s21 =	sshll.u32 s6, $0x1;
	s3 =	sadd.s32 s4, s19  }
0x9c: {  	s7 =	simm.s32 $0x0;
	s20 =	sshll.u32 s5, $0x1;
	s5 =	sadd.s32 s21, s3  }
0x9d: {  	[timem:s7], [sflag:s22] =	dma.local [hbm:s5], s20  }
0x9e: {  	_ =	swait.ge [sflag:s22], s20  }
0x9f: {  	s4 =	ssub.s32 $0x0, s20;
	[sflag:s22] =	ssyncset.done $0x0  }
0xa0: {  	[sflag:s22] =	ssyncadd.s32 s4;
	_ =	sdelay $0x1  }
0xa1: {  	s23 =	simm.s32 $0x1B8B  }
0xa2: {  	_ =	swait.ge [sflag:s23], $0x1  }
0xa3: {  	[sflag:s23] =	ssyncset.done $0x0  }
0xa4: {  	s25 =	simm.s32 $0x1B8E;
	s24 =	sld [smem:$0x3FFE];
	[sflag:s23] =	ssyncadd.s32 $0xFFFFFFFF  }
0xa5: {  	s26 =	simm.s32 $execute0_lowered;
	[smem:$0x3FD2] =	sst s25  }
0xa6: {  	s5 =	sshll.u32 s26, $0x1;
	_ =	strace $0x8000004C;
	[dreg:$0x1] =	wrdreg $0xFFFFFFFF  }
0xa7: {  	s28 =	simm.s32 $_size_execute0_lowered;
	s3 =	sadd.s32 s3, s5;
	[dreg:$0x0] =	wrdreg $0x0  }
0xa8: {  	s5 =	sshll.u32 s28, $0x1;
	[dreg:$0x2] =	wrdreg s3  }
0xa9: {  	[dreg:$0x3] =	wrdreg s5  }
0xaa: {  	[dreg:$0x4] =	wrdreg $0xC0  }
0xab: {  	_ =	task [dreg:s7], $0x5FFFF  }
0xac: {  	[dreg:$0x1] =	wrdreg $0xFFFFFFFF  }
0xad: {  	[dreg:$0x0] =	wrdreg $0x60  }
0xae: {  	[dreg:$0x2] =	wrdreg s2  }
0xaf: {  	[dreg:$0x3] =	wrdreg s24  }
0xb0: {  	[dreg:$0x4] =	wrdreg $0x120000  }
0xb1: {  	[dreg:$0x5] =	wrdreg $0x9  }
0xb2: {  	_ =	task.clear_ibuf [dreg:s7], $0x6FFFF;
	_ =	strace $0x9000004C  }
0xb3: {  	s29 =	simm.s32 $0x9;
	_ =	strace $0x8000004E  }
0xb4: {  	_ =	swait.ge [sflag:s29], $0x1  }
0xb5: {  	[sflag:s29] =	ssyncadd.s32 $0xFFFFFFFF  }
0xb6: {  	_ =	strace $0x9000004E  }
0xb7: {  	_ =	sfence  }
0xb8: {  	s30 =	sld [smem:$0x0];
	_ =	sdelay $0x2  }
0xb9: {  	s31 =	sshll.u32 s1, $0xD;
	s1 =	sshrl.u32 s1, $0x2  }
0xba: {  	s3 =	sand.u32 $0x4000, s31;
	s1 =	sadd.s32 s1, s30  }
0xbb: {  	s0 =	sor.u32 s3, s0;
	s1 =	sshll.u32 s1, $0x11  }
0xbc: {  	s0 =	sor.u32 s1, s0  }
0xbd: {  	s0 =	sadd.s32 $0x8F2B, s0  }
0xbe: {  	[sflag:s0] =	ssyncadd.remote.s32 $0x1  }
0xbf: {  	_ =	sfence.sel $0xFFFF  }
0xc0: {  	[dreg:$0x0] =	wrdreg $0xFFFFFFFF;
	(pc) =	sbr.abs _section_cstart, $3  }
0xc1: {  	[dreg:$0x1] =	wrdreg $0xFFFFFFFF  }
0xc2: {  	_ =	task.clear_ibuf [dreg:s7], $0x2FFFF;
	_ =	strace $0x9FFFFFFF  }
0xc3: {  	(tm) =	ssettm $0x7FFFFFFF  }
tec
execute0_lowered:
.L_overlay_start_1:
0x0: {  	(tag) =	ssettag $0x1  }
0x1: {  	s8 =	rddreg [dreg:$0x0]  }
0x2: {  	s5 =	rddreg [dreg:$0x1]  }
0x3: {  	s1 =	rddreg [dreg:$0x2]  }
0x4: {  	s0 =	rddreg [dreg:$0x3];
	s3 =	simm.s32 $0x0;
	s2 =	srdreg.scid  }
0x5: {  	s16 =	simm.s32 $0xE000;
	s17 =	simm.s32 $0x1;
	s18 =	simm.s32 $0x2  }
0x6: {  	s19 =	simm.s32 $0x4F80;
	s20 =	simm.s32 $0x9F00;
	s21 =	simm.s32 $0x9F80  }
0x7: {  	s22 =	simm.s32 $0x0;
	[smem:$0x7FF] =	sst s3;
	s6 =	sand.u32 $0x1, s2  }
0x8: {  	s2 =	stileid.u32;
	s9 =	sadd.s32 $0x17A00, s5;
	s4 =	smul.u32 $0x1400, s6  }
0x9: {  	s10 =	sadd.s32 $0x3A00, s5;
	s11 =	sadd.s32 $0xDA00, s5;
	s7 =	smul.u32 $0x140, s2  }
0xa: {  	_ =	strace $0x8000004D;
	s12 =	ssub.s32 $0x2, s6;
	s13 =	smul.u32 $0x28000, s2  }
0xb: {  	p0 =	seq.s32 s6, $0x1;
	s29 =	smul.u32 $0xA00, s2;
	s31 =	sshll.u32 s2, $0x6  }
0xc: {  	s14 =	sshrl.u32 s12, $0x1;
	s8 =	smov.u32 @p0 s9;
	s10 =	smov.u32 @p0 s11  }
0xd: {  	s11 =	simm.s32 $0x5000;
	s7 =	sadd.s32 s7, s4;
	s4 =	sadd.s32 $0x21A00, s5  }
0xe: {  	s12 =	ssub.s32 s12, s14;
	s28 =	sshrl.u32 s13, $0x2;
	s8 =	sadd.s32 s8, s29  }
0xf: {  	s9 =	sadd.s32 s10, s29;
	s10 =	simm.s32 $0x3;
	s7 =	sshll.u32 s7, $0x4  }
0x10: {  	s14 =	simm.s32 $0x80;
	s30 =	sadd.s32 s28, s1;
	s15 =	sadd.s32 s7, s5  }
0x11: {  	s5 =	sadd.s32 s4, s7;
	s7 =	smax.u32 s12, $0x1;
	s12 =	sor.u32 $0x1C03, s31  }
0x12: {  	s13 =	sshrl.u32 s30, $0x3;
	s6 =	sadd.s32 $0x49A00, s15;
	s15 =	simm.s32 $0xA000  }
.LBB2_1:
0x13: {  	[tilespmem:s3], [sflag:$0x3] =	stream.linear.gather [hbm4b:s8+s3], $0x5000, $0x38;
	[tilespmem:$0x1C000] =	vst v63  }
0x14: {  	_ =	swait.ge [sflag:s10], $0x5000  }
0x15: {  	[sflag:s10] =	ssyncset.done $0x0  }
0x16: {  	[sflag:s10] =	ssyncadd.s32 $0xFFFFB000  }
0x17: {  	[tilespmem:s11], [sflag:$0x3] =	stream.linear.gather [hbm4b:s9+s3], $0x5000, $0x38;
	[tilespmem:$0x1C000] =	vst v63  }
0x18: {  	_ =	swait.ge [sflag:s10], $0x5000  }
0x19: {  	[sflag:s10] =	ssyncset.done $0x0  }
0x1a: {  	[sflag:s10] =	ssyncadd.s32 $0xFFFFB000  }
0x1b: {  	[spmem:s13], [sflag:s12] =	dma.local [hbm:s5], $0x1400  }
0x1c: {  	_ =	swait.ge [sflag:s10], $0x1400  }
0x1d: {  	[sflag:s10] =	ssyncset.done $0x0  }
0x1e: {  	[sflag:s10] =	ssyncadd.s32 $0xFFFFEC00  }
0x1f: {  	[bflag:$0x0] =	sbarrier.arrive $0xFFFF  }
0x20: {  	(ifvalue) =	ssetifvalue $0xFFFFFFFF  }
0x21: {  	(ifvalue) =	ssetifvalue $0xFFFFFFFF  }
0x22: {  	[tilespmem:s15], [sflag:$0x1] =	stream.indirect.gather [hbm4b:s4+s14], $0x80, s3, s14, $0x40b8;
	[tilespmem:$0x1C000] =	vst v63  }
0x23: {  	(ifvalue) =	ssetifvalue $0xFFFFFFFF  }
0x24: {  	s23 =	simm.s32 $0x80;
	(ifvalue) =	ssetifvalue $0xFFFFFFFF  }
0x25: {  	[tilespmem:s16], [sflag:$0x2] =	stream.indirect.gather [hbm4b:s4+s14], $0x80, s23, s14, $0x40b8;
	[tilespmem:$0x1C000] =	vst v63  }
0x26: {  	_ =	swait.ge [sflag:s17], $0x4000  }
0x27: {  	[sflag:s17] =	ssyncset.done $0x0  }
0x28: {  	s29 =	simm.s32 $0x5000;
	[sflag:s17] =	ssyncadd.s32 $0xFFFFC000;
	(ifvalue) =	ssetifvalue $0xFFFFFFFF  }
0x29: {  	[spmem:s1] =	stream.indirect.scatter.add.f32 [tilespmem:s15], [sflag:$0x3], $0x80, s29, s14, $0x40b8;
	[tilespmem:$0x1C000] =	vst v63  }
0x2a: {  	_ =	swait.ge [sflag:s10], $0x4000  }
0x2b: {  	[sflag:s10] =	ssyncset.done $0x0  }
0x2c: {  	[sflag:s10] =	ssyncadd.s32 $0xFFFFC000;
	(ifvalue) =	ssetifvalue $0xFFFFFFFF  }
0x2d: {  	s30 =	simm.s32 $0x100;
	(ifvalue) =	ssetifvalue $0xFFFFFFFF  }
0x2e: {  	[tilespmem:s15], [sflag:$0x1] =	stream.indirect.gather [hbm4b:s4+s14], $0x80, s30, s14, $0x40b8;
	[tilespmem:$0x1C000] =	vst v63  }
0x2f: {  	_ =	swait.ge [sflag:s18], $0x4000  }
0x30: {  	[sflag:s18] =	ssyncset.done $0x0  }
0x31: {  	s31 =	simm.s32 $0x5080;
	[sflag:s18] =	ssyncadd.s32 $0xFFFFC000;
	(ifvalue) =	ssetifvalue $0xFFFFFFFF  }
0x32: {  	[spmem:s1] =	stream.indirect.scatter.add.f32 [tilespmem:s16], [sflag:$0x3], $0x80, s31, s14, $0x40b8;
	[tilespmem:$0x1C000] =	vst v63  }
0x33: {  	s24 =	simm.s32 $0x800;
	_ =	swait.ge [sflag:s10], $0x4000  }
0x34: {  	s23 =	simm.s32 $0x100;
	(ifvalue) =	ssetifvalue $0xFFFFFFFF;
	[sflag:s10] =	ssyncset.done $0x0  }
.LBB2_2:
0x35: {  	s25 =	sadd.s32 $0x80, s23  }
0x36: {  	(ifvalue) =	ssetifvalue $0xFFFFFFFF;
	[sflag:s10] =	ssyncadd.s32 $0xFFFFC000;
	s26 =	smov.u32 s24  }
0x37: {  	[tilespmem:s16], [sflag:$0x2] =	stream.indirect.gather [hbm4b:s4+s14], $0x80, s25, s14, $0x40b8;
	[tilespmem:$0x1C000] =	vst v63  }
0x38: {  	p0 =	sne.s32 s24, $0x13800;
	s24 =	sadd.s32 $0x400, s24;
	_ =	swait.ge [sflag:s17], $0x4000  }
0x39: {  	[sflag:s17] =	ssyncset.done $0x0  }
0x3a: {  	[sflag:s17] =	ssyncadd.s32 $0xFFFFC000  }
0x3b: {  	s25 =	sadd.s32 $0x5000, s23;
	(ifvalue) =	ssetifvalue $0xFFFFFFFF  }
0x3c: {  	[spmem:s1] =	stream.indirect.scatter.add.f32 [tilespmem:s15], [sflag:$0x3], $0x80, s25, s14, $0x40b8;
	[tilespmem:$0x1C000] =	vst v63  }
0x3d: {  	_ =	swait.ge [sflag:s10], $0x4000  }
0x3e: {  	[sflag:s10] =	ssyncset.done $0x0  }
0x3f: {  	[sflag:s10] =	ssyncadd.s32 $0xFFFFC000  }
0x40: {  	(ifvalue) =	ssetifvalue $0xFFFFFFFF  }
0x41: {  	s25 =	sadd.s32 $0x100, s23;
	(ifvalue) =	ssetifvalue $0xFFFFFFFF  }
0x42: {  	[tilespmem:s15], [sflag:$0x1] =	stream.indirect.gather [hbm4b:s4+s14], $0x80, s25, s14, $0x40b8;
	[tilespmem:$0x1C000] =	vst v63  }
0x43: {  	_ =	swait.ge [sflag:s18], $0x4000  }
0x44: {  	[sflag:s18] =	ssyncset.done $0x0  }
.Ltmp0:
0x45: {  	[sflag:s18] =	ssyncadd.s32 $0xFFFFC000;
	(pc) =	sbr.rel @p0 .LBB2_2-.Ltmp0, $4  }
0x46: {  	s23 =	sadd.s32 $0x5080, s23;
	(ifvalue) =	ssetifvalue $0xFFFFFFFF  }
0x47: {  	[spmem:s1] =	stream.indirect.scatter.add.f32 [tilespmem:s16], [sflag:$0x3], $0x80, s23, s14, $0x40b8;
	[tilespmem:$0x1C000] =	vst v63  }
0x48: {  	_ =	swait.ge [sflag:s10], $0x4000  }
0x49: {  	s23 =	sshra.s32 s26, $0x2;
	(ifvalue) =	ssetifvalue $0xFFFFFFFF;
	[sflag:s10] =	ssyncset.done $0x0  }
0x4a: {  	(ifvalue) =	ssetifvalue $0xFFFFFFFF;
	s24 =	sadd.s32 $0x80, s23;
	[sflag:s10] =	ssyncadd.s32 $0xFFFFC000  }
0x4b: {  	[tilespmem:s16], [sflag:$0x2] =	stream.indirect.gather [hbm4b:s4+s14], $0x80, s24, s14, $0x40b8;
	[tilespmem:$0x1C000] =	vst v63  }
0x4c: {  	_ =	swait.ge [sflag:s17], $0x4000  }
0x4d: {  	[sflag:s17] =	ssyncset.done $0x0  }
0x4e: {  	s29 =	sadd.s32 $0x5000, s23;
	[sflag:s17] =	ssyncadd.s32 $0xFFFFC000;
	(ifvalue) =	ssetifvalue $0xFFFFFFFF  }
0x4f: {  	[spmem:s1] =	stream.indirect.scatter.add.f32 [tilespmem:s15], [sflag:$0x3], $0x80, s29, s14, $0x40b8;
	[tilespmem:$0x1C000] =	vst v63  }
0x50: {  	_ =	swait.ge [sflag:s10], $0x4000  }
0x51: {  	[sflag:s10] =	ssyncset.done $0x0  }
0x52: {  	[sflag:s10] =	ssyncadd.s32 $0xFFFFC000;
	(ifvalue) =	ssetifvalue $0xFFFFFFFF  }
0x53: {  	s30 =	sadd.s32 $0x100, s23;
	(ifvalue) =	ssetifvalue $0xFFFFFFFF  }
0x54: {  	[tilespmem:s15], [sflag:$0x1] =	stream.indirect.gather [hbm4b:s4+s14], $0x80, s30, s14, $0x40b8;
	[tilespmem:$0x1C000] =	vst v63  }
0x55: {  	_ =	swait.ge [sflag:s18], $0x4000  }
0x56: {  	[sflag:s18] =	ssyncset.done $0x0  }
0x57: {  	s31 =	sadd.s32 $0x5080, s23;
	[sflag:s18] =	ssyncadd.s32 $0xFFFFC000;
	(ifvalue) =	ssetifvalue $0xFFFFFFFF  }
0x58: {  	[spmem:s1] =	stream.indirect.scatter.add.f32 [tilespmem:s16], [sflag:$0x3], $0x80, s31, s14, $0x40b8;
	[tilespmem:$0x1C000] =	vst v63  }
0x59: {  	_ =	swait.ge [sflag:s10], $0x4000  }
0x5a: {  	[sflag:s10] =	ssyncset.done $0x0  }
0x5b: {  	[sflag:s10] =	ssyncadd.s32 $0xFFFFC000;
	(ifvalue) =	ssetifvalue $0xFFFFFFFF  }
0x5c: {  	(ifvalue) =	ssetifvalue $0xFFFFFFFF  }
0x5d: {  	[tilespmem:s16], [sflag:$0x2] =	stream.indirect.gather [hbm4b:s4+s14], $0x80, s19, s14, $0x40b8;
	[tilespmem:$0x1C000] =	vst v63  }
0x5e: {  	_ =	swait.ge [sflag:s17], $0x4000  }
0x5f: {  	[sflag:s17] =	ssyncset.done $0x0  }
0x60: {  	[sflag:s17] =	ssyncadd.s32 $0xFFFFC000;
	(ifvalue) =	ssetifvalue $0xFFFFFFFF  }
0x61: {  	[spmem:s1] =	stream.indirect.scatter.add.f32 [tilespmem:s15], [sflag:$0x3], $0x80, s20, s14, $0x40b8;
	[tilespmem:$0x1C000] =	vst v63  }
0x62: {  	_ =	swait.ge [sflag:s10], $0x4000  }
0x63: {  	[sflag:s10] =	ssyncset.done $0x0  }
0x64: {  	[sflag:s10] =	ssyncadd.s32 $0xFFFFC000  }
0x65: {  	_ =	swait.ge [sflag:s18], $0x4000  }
0x66: {  	[sflag:s18] =	ssyncset.done $0x0  }
0x67: {  	[sflag:s18] =	ssyncadd.s32 $0xFFFFC000;
	(ifvalue) =	ssetifvalue $0xFFFFFFFF  }
0x68: {  	[spmem:s1] =	stream.indirect.scatter.add.f32 [tilespmem:s16], [sflag:$0x3], $0x80, s21, s14, $0x40b8;
	[tilespmem:$0x1C000] =	vst v63  }
0x69: {  	_ =	swait.ge [sflag:s10], $0x4000  }
0x6a: {  	[sflag:s10] =	ssyncset.done $0x0  }
0x6b: {  	s22 =	sadd.s32 $0x1, s22;
	[sflag:s10] =	ssyncadd.s32 $0xFFFFC000  }
0x6c: {  	p0 =	sne.s32 s22, s7;
	[bflag:$0x0] =	sbarrier.arrive $0xFFFF  }
0x6d: {  	[hbm:s6], [sflag:s12] =	dma.local [spmem:s13], $0x1400  }
.Ltmp1:
0x6e: {  	_ =	swait.ge [sflag:s10], $0x1400;
	(pc) =	sbr.rel @p0 .LBB2_1-.Ltmp1, $3  }
0x6f: {  	[sflag:s10] =	ssyncset.done $0x0  }
0x70: {  	[sflag:s10] =	ssyncadd.s32 $0xFFFFEC00  }
0x71: {  	[bflag:$0x0] =	sbarrier.arrive $0xFFFF;
	_ =	sdelay $0x1  }
0x72: {  	_ =	sfence.sel $0x180000  }
0x73: {  	[bflag:$0x0] =	sbarrier.arrive $0xFFFF  }
0x74: {  	p0 =	sne.s32 s2, $0x0;
	_ =	strace $0x9000004D  }
0x75: {  	s0 =	sadd.s32 @!p0 $0x100000, s0;
	[bflag:$0x2] =	sbarrier.arrive $0xFFFF  }
0x76: {  	[sflag:s0] =	ssyncadd.tile.s32 @!p0 $0x1;
	_ =	shalt  }
.Lfunc_end2:
_tile_overlayer_lowered:
.L_overlay_start_2:
0x77: {  	(tag) =	ssettag $0x2  }
0x78: {  	s0 =	rddreg [dreg:$0x0];
	s2 =	stileid.u32  }
0x79: {  	s1 =	rddreg [dreg:$0x1];
	p0 =	sne.s32 s2, $0x0  }
0x7a: {  	s3 =	rddreg [dreg:$0x2];
	[bflag:$0x3] =	sbarrier.arrive $0xFFFF;
	s2 =	simm.s32 @!p0 $0x1C03  }
0x7b: {  	[timem:s3], [sflag:s2] =	dma.local @!p0 [hbm:s0], s1  }
0x7c: {  	s0 =	simm.s32 @!p0 $0x3  }
0x7d: {  	_ =	swait.ge @!p0 [sflag:s0], s1  }
0x7e: {  	s1 =	ssub.s32 @!p0 $0x0, s1;
	[sflag:s0] =	ssyncset.done @!p0 $0x0  }
0x7f: {  	[sflag:s0] =	ssyncadd.s32 @!p0 s1  }
0x80: {  	[bflag:$0x3] =	sbarrier.arrive $0xFFFF  }
0x81: {  	_ =	shalt  }

// kernel: kernel.9.cloned.1.call-start
scs
__scs_entry_jumppad:
0x0: {  	(pc) =	sbr.rel $0x88, $3  }
0x1: {  	(tag) =	ssettag $0x0;
	lr =	simm.s32 $0x1  }
0x2: {  	[smem:$0x3F9B] =	sst lr;
	_ =	strace $0xD0000000  }
0x3: {  	_ = 	snop  }
0x4: {  	_ = 	snop  }
0x5: {  	_ = 	snop  }
0x6: {  	_ = 	snop  }
0x7: {  	_ = 	snop  }
__scs_overlays_trampoline_lowered:
0x8: {  	[smem:$0x3FAA] =	sst s0  }
0x9: {  	[smem:$0x3FAB] =	sst s1  }
0xa: {  	[smem:$0x3FAC] =	sst s2  }
0xb: {  	[smem:$0x3FAD] =	sst s3  }
0xc: {  	[smem:$0x3FAE] =	sst s4  }
0xd: {  	[smem:$0x3FAF] =	sst s5  }
0xe: {  	[smem:$0x3FB0] =	sst s6  }
0xf: {  	[smem:$0x3FB1] =	sst s7  }
0x10: {  	[smem:$0x3FB2] =	sst s8  }
0x11: {  	[smem:$0x3FB3] =	sst s9;
	s0 =	simm.s32 @!p0 $0x0  }
0x12: {  	s1 =	sld [smem:$0x3F99];
	s0 =	simm.s32 @p0 $0x1  }
0x13: {  	[smem:$0x3FB4] =	sst s0;
	s0 =	simm.s32 @!p1 $0x0  }
0x14: {  	s2 =	sld [smem:$0x3F98];
	s0 =	simm.s32 @p1 $0x1  }
0x15: {  	[smem:$0x3FB5] =	sst s0;
	s0 =	simm.s32 @!p2 $0x0  }
0x16: {  	s3 =	sld [smem:$0x3FDB];
	s0 =	simm.s32 @p2 $0x1  }
0x17: {  	s4 =	simm.s32 $0x1BF5;
	[smem:$0x3FB7] =	sst s0  }
0x18: {  	s0 =	sld [smem:$0x3F9A];
	_ =	swait.ge [sflag:s4], $0x0  }
0x19: {  	s7 =	sld [smem:$0x3F9B]  }
0x1a: {  	s8 =	sadd.s32 $0xFFFFE003, lr  }
0x1b: {  	s9 =	sadd.s32 $0xFFFFFEF7, lr;
	s5 =	simm.s32 $0xFFFFFFFF;
	p2 =	slt.u32 s8, $0xFFFFF086  }
0x1c: {  	p1 =	slt.u32 s9, $0xF7A;
	s5 =	simm.s32 @!p2 $0x0  }
0x1d: {  	s5 =	simm.s32 @p1 $0x1;
	p0 =	seq.s32 s7, s2  }
0x1e: {  	s7 =	smul.u32 @!p0 $0xF7A, s2;
	p2 =	seq.s32 @!p0 s5, $0x0  }
0x1f: {  	s9 =	smul.u32 $0xF7A, s1;
	s8 =	simm.s32 @!p0 $0x1BF5;
	p2 =	por !p2, p0  }
0x20: {  	[sflag:s8] =	ssyncset.s32 @!p0 $0xFFFFF086;
	s6 =	sadd.s32 @!p0 s3, s7;
	s7 =	simm.s32 @!p0 $0x108  }
0x21: {  	s3 =	sadd.s32 s3, s9;
	s6 =	sadd.s32 @!p0 $0x88, s6;
	s7 =	simm.s32 @p2 $0x1082  }
0x22: {  	[simem:s7], [sflag:s8] =	dma.local @!p0 [hbm:s6], $0xF7A  }
0x23: {  	s9 =	sor.u32 $0xD0000000, s2;
	s6 =	simm.s32 $0x108;
	_ =	swait.ge @!p0 [sflag:s8], $0x0  }
0x24: {  	s3 =	sadd.s32 $0x88, s3;
	s6 =	simm.s32 @!p1 $0x1082;
	[sflag:s4] =	ssyncset.s32 $0xFFFFF086  }
0x25: {  	[simem:s6], [sflag:s4] =	dma.local [hbm:s3], $0xF7A  }
0x26: {  	[smem:$0x3F9B] =	sst s1;
	(tag) =	ssettag s2;
	_ =	strace s9  }
0x27: {  	s1 =	sld [smem:$0x3FAB]  }
0x28: {  	s2 =	sld [smem:$0x3FAC]  }
0x29: {  	s4 =	sld [smem:$0x3FAE]  }
0x2a: {  	p0 =	seq.s32 s5, $0x0;
	s5 =	sld [smem:$0x3FAF]  }
0x2b: {  	s6 =	sld [smem:$0x3FB0]  }
0x2c: {  	s7 =	sld [smem:$0x3FB1]  }
0x2d: {  	s3 =	simm.s32 $0x108;
	s8 =	sld [smem:$0x3FB2]  }
0x2e: {  	s3 =	simm.s32 @!p0 $0x1082;
	s9 =	sld [smem:$0x3FB3]  }
0x2f: {  	lr =	sadd.s32 s0, s3;
	s0 =	sld [smem:$0x3FAA]  }
0x30: {  	s3 =	sld [smem:$0x3FAD]  }
0x31: {  	[smem:$0x3FB6] =	sst s10  }
0x32: {  	s10 =	sld [smem:$0x3FB4];
	_ =	sdelay $0x3  }
0x33: {  	p0 =	seq.s32 s10, $0x1;
	s10 =	sld [smem:$0x3FB6];
	_ =	sdelay $0x3  }
0x34: {  	[smem:$0x3FB6] =	sst s10  }
0x35: {  	s10 =	sld [smem:$0x3FB5];
	_ =	sdelay $0x3  }
0x36: {  	p1 =	seq.s32 s10, $0x1;
	s10 =	sld [smem:$0x3FB6];
	_ =	sdelay $0x3  }
0x37: {  	[smem:$0x3FB6] =	sst s10  }
0x38: {  	s10 =	sld [smem:$0x3FB7]  }
0x39: {  	_ = 	snop;
	(pc) =	sbr.ind lr, $3  }
0x3a: {  	_ = 	snop  }
0x3b: {  	_ = 	snop  }
0x3c: {  	p2 =	seq.s32 s10, $0x1;
	s10 =	sld [smem:$0x3FB6]  }
0x3d: {  	_ =	shalt  }
0x3e: {  	_ =	shalt  }
0x3f: {  	_ =	shalt  }
0x40: {  	_ =	shalt  }
0x41: {  	_ =	shalt  }
0x42: {  	_ =	shalt  }
0x43: {  	_ =	shalt  }
0x44: {  	_ =	shalt  }
0x45: {  	_ =	shalt  }
0x46: {  	_ =	shalt  }
0x47: {  	_ =	shalt  }
0x48: {  	_ =	shalt  }
0x49: {  	_ =	shalt  }
0x4a: {  	_ =	shalt  }
0x4b: {  	_ =	shalt  }
0x4c: {  	_ =	shalt  }
0x4d: {  	_ =	shalt  }
0x4e: {  	_ =	shalt  }
0x4f: {  	_ =	shalt  }
0x50: {  	_ =	shalt  }
0x51: {  	_ =	shalt  }
0x52: {  	_ =	shalt  }
0x53: {  	_ =	shalt  }
0x54: {  	_ =	shalt  }
0x55: {  	_ =	shalt  }
0x56: {  	_ =	shalt  }
0x57: {  	_ =	shalt  }
0x58: {  	_ =	shalt  }
0x59: {  	_ =	shalt  }
0x5a: {  	_ =	shalt  }
0x5b: {  	_ =	shalt  }
0x5c: {  	_ =	shalt  }
0x5d: {  	_ =	shalt  }
0x5e: {  	_ =	shalt  }
0x5f: {  	_ =	shalt  }
0x60: {  	_ =	shalt  }
0x61: {  	_ =	shalt  }
0x62: {  	_ =	shalt  }
0x63: {  	_ =	shalt  }
0x64: {  	_ =	shalt  }
0x65: {  	_ =	shalt  }
0x66: {  	_ =	shalt  }
0x67: {  	_ =	shalt  }
0x68: {  	_ =	shalt  }
0x69: {  	_ =	shalt  }
0x6a: {  	_ =	shalt  }
0x6b: {  	_ =	shalt  }
0x6c: {  	_ =	shalt  }
0x6d: {  	_ =	shalt  }
0x6e: {  	_ =	shalt  }
0x6f: {  	_ =	shalt  }
0x70: {  	_ =	shalt  }
0x71: {  	_ =	shalt  }
0x72: {  	_ =	shalt  }
0x73: {  	_ =	shalt  }
0x74: {  	_ =	shalt  }
0x75: {  	_ =	shalt  }
0x76: {  	_ =	shalt  }
0x77: {  	_ =	shalt  }
0x78: {  	_ =	shalt  }
0x79: {  	_ =	shalt  }
0x7a: {  	_ =	shalt  }
0x7b: {  	_ =	shalt  }
0x7c: {  	_ =	shalt  }
0x7d: {  	_ =	shalt  }
0x7e: {  	_ =	shalt  }
0x7f: {  	_ =	shalt  }
0x80: {  	_ =	shalt  }
0x81: {  	_ =	shalt  }
0x82: {  	_ =	shalt  }
0x83: {  	_ =	shalt  }
0x84: {  	_ =	shalt  }
0x85: {  	_ =	shalt  }
0x86: {  	_ =	shalt  }
0x87: {  	_ =	shalt  }
.Lfunc_end0:
.L_simem_size_0:
called_computation_lowered:
.L_overlay_start_0:
0x88: {  	s2 =	sld [smem:$0x3FD9]  }
0x89: {  	s3 =	sld [smem:$0x3FFE];
	_ =	sdelay $0x1  }
0x8a: {  	s1 =	srdreg.scid  }
0x8b: {  	s0 =	sand.u32 $0x1, s1  }
0x8c: {  	s16 =	sshll.u32 s0, $0xA;
	s2 =	sadd.s32 s3, s2  }
0x8d: {  	s2 =	sadd.s32 s2, s16  }
0x8e: {  	[smem:$0x3FC2] =	sst s2  }
0x8f: {  	_ = 	snop  }
0x90: {  	(tm) =	ssettm $0x1  }
0x91: {  	s17 =	sld [smem:$0x3FFB];
	_ =	sdelay $0x3  }
0x92: {  	_ =	strace s17  }
0x93: {  	s2 =	sld [smem:$0x3FFC];
	_ =	sdelay $0x3  }
0x94: {  	_ =	strace s2  }
0x95: {  	s2 =	sld [smem:$0x3FFD];
	_ =	sdelay $0x3  }
0x96: {  	_ =	strace s2  }
0x97: {  	_ =	strace $0x8FFFFFFF  }
0x98: {  	s18 =	sld [smem:$0x3FDB];
	_ =	sdelay $0x1  }
0x99: {  	s19 =	simm.s32 $_scs_section_size  }
0x9a: {  	s4 =	simm.s32 $_size__tile_overlayer_lowered;
	s5 =	simm.s32 $_tile_overlayer_lowered  }
0x9b: {  	s22 =	simm.s32 $0x1BFF;
	s21 =	sshll.u32 s5, $0x1;
	s2 =	sadd.s32 s19, s18  }
0x9c: {  	s6 =	simm.s32 $0x0;
	s20 =	sshll.u32 s4, $0x1;
	s4 =	sadd.s32 s21, s2  }
0x9d: {  	[timem:s6], [sflag:s22] =	dma.local [hbm:s4], s20  }
0x9e: {  	_ =	swait.ge [sflag:s22], s20  }
0x9f: {  	s3 =	ssub.s32 $0x0, s20;
	[sflag:s22] =	ssyncset.done $0x0  }
0xa0: {  	[sflag:s22] =	ssyncadd.s32 s3;
	_ =	sdelay $0x1  }
0xa1: {  	s23 =	simm.s32 $0x1B8B  }
0xa2: {  	_ =	swait.ge [sflag:s23], $0x1  }
0xa3: {  	[sflag:s23] =	ssyncset.done $0x0  }
0xa4: {  	s25 =	simm.s32 $0x1B8E;
	s24 =	sld [smem:$0x3FFE];
	[sflag:s23] =	ssyncadd.s32 $0xFFFFFFFF  }
0xa5: {  	s26 =	simm.s32 $execute0_lowered;
	[smem:$0x3FD2] =	sst s25  }
0xa6: {  	s4 =	sshll.u32 s26, $0x1;
	_ =	strace $0x80000046;
	[dreg:$0x1] =	wrdreg $0xFFFFFFFF  }
0xa7: {  	s28 =	simm.s32 $_size_execute0_lowered;
	s2 =	sadd.s32 s2, s4;
	[dreg:$0x0] =	wrdreg $0x0  }
0xa8: {  	s4 =	sshll.u32 s28, $0x1;
	[dreg:$0x2] =	wrdreg s2  }
0xa9: {  	[dreg:$0x3] =	wrdreg s4  }
0xaa: {  	[dreg:$0x4] =	wrdreg $0xC0  }
0xab: {  	_ =	task [dreg:s6], $0x5FFFF  }
0xac: {  	[dreg:$0x1] =	wrdreg $0xFFFFFFFF  }
0xad: {  	[dreg:$0x0] =	wrdreg $0x60  }
0xae: {  	[dreg:$0x2] =	wrdreg s24  }
0xaf: {  	[dreg:$0x3] =	wrdreg $0xD0000  }
0xb0: {  	[dreg:$0x4] =	wrdreg $0x9  }
0xb1: {  	_ =	task.clear_ibuf [dreg:s6], $0x5FFFF;
	_ =	strace $0x90000046  }
0xb2: {  	s29 =	simm.s32 $0x9;
	_ =	strace $0x80000048  }
0xb3: {  	_ =	swait.ge [sflag:s29], $0x1  }
0xb4: {  	[sflag:s29] =	ssyncadd.s32 $0xFFFFFFFF  }
0xb5: {  	_ =	strace $0x90000048  }
0xb6: {  	_ =	sfence  }
0xb7: {  	s30 =	sld [smem:$0x0];
	_ =	sdelay $0x2  }
0xb8: {  	s31 =	sshll.u32 s1, $0xD;
	s1 =	sshrl.u32 s1, $0x2  }
0xb9: {  	s3 =	sand.u32 $0x4000, s31;
	s1 =	sadd.s32 s1, s30  }
0xba: {  	s0 =	sor.u32 s3, s0;
	s1 =	sshll.u32 s1, $0x11  }
0xbb: {  	s0 =	sor.u32 s1, s0  }
0xbc: {  	s0 =	sadd.s32 $0x8F2B, s0  }
0xbd: {  	[sflag:s0] =	ssyncadd.remote.s32 $0x1  }
0xbe: {  	_ =	sfence.sel $0xFFFF  }
0xbf: {  	[dreg:$0x0] =	wrdreg $0xFFFFFFFF;
	(pc) =	sbr.abs _section_cstart, $3  }
0xc0: {  	[dreg:$0x1] =	wrdreg $0xFFFFFFFF  }
0xc1: {  	_ =	task.clear_ibuf [dreg:s6], $0x2FFFF;
	_ =	strace $0x9FFFFFFF  }
0xc2: {  	(tm) =	ssettm $0x7FFFFFFF  }
0xc3: {  	_ =	shalt  }
tec
execute0_lowered:
.L_overlay_start_1:
0x0: {  	(tag) =	ssettag $0x1  }
0x1: {  	s8 =	rddreg [dreg:$0x0]  }
0x2: {  	s1 =	srdreg.scid;
	s0 =	stileid.u32  }
0x3: {  	s2 =	rddreg [dreg:$0x1];
	s3 =	simm.s32 $0x0;
	s4 =	smul.u32 $0x1400, s0  }
0x4: {  	s5 =	sand.u32 $0x1, s1;
	s1 =	rddreg [dreg:$0x2];
	s9 =	smul.u32 $0x28000, s0  }
0x5: {  	s13 =	simm.s32 $0x5000;
	[smem:$0x7FF] =	sst s3;
	s12 =	smul.u32 $0xA00, s0  }
0x6: {  	s14 =	sshll.u32 s0, $0x6;
	s6 =	smul.u32 $0x14000, s5;
	s7 =	ssub.s32 $0x2, s5  }
0x7: {  	_ =	strace $0x80000047;
	p0 =	seq.s32 s5, $0x1;
	s14 =	sor.u32 $0x1C01, s14  }
0x8: {  	s30 =	sshrl.u32 s7, $0x1;
	s31 =	sshrl.u32 s9, $0x2;
	s9 =	simm.s32 $0xDA00  }
0x9: {  	s4 =	sadd.s32 s4, s6;
	s11 =	ssub.s32 s7, s30;
	s9 =	simm.s32 @!p0 $0x3A00  }
0xa: {  	s10 =	sadd.s32 s4, s8;
	s4 =	sadd.s32 s31, s2;
	s9 =	sadd.s32 s9, s8  }
0xb: {  	s8 =	smax.u32 s11, $0x1;
	s11 =	simm.s32 $0x1;
	s5 =	sadd.s32 $0x4000, s4  }
0xc: {  	s6 =	sadd.s32 $0x8000, s4;
	s7 =	sadd.s32 $0x21A00, s10;
	s9 =	sadd.s32 s9, s12  }
0xd: {  	v0 =	vimm.f32 $1.000000000e+00;
	v1 =	vimm.f32 $0.0e+00;
	s10 =	simm.s32 $0x9000;
	s12 =	simm.s32 $0x80;
	s15 =	sshrl.u32 s4, $0x3  }
.LBB2_1:
0xe: {  	s16 =	simm.s32 $0x0;
	s17 =	simm.s32 $0x200  }
.LBB2_2:
0xf: {  	p0 =	sne.s32 s17, $0xFE00;
	[tilespmem:s16+$0x9070] =	vst v1  }
0x10: {  	[tilespmem:s16+$0x5000] =	vst v0  }
0x11: {  	[tilespmem:s16+$0x9000] =	vst v1  }
0x12: {  	[tilespmem:s16+$0x5010] =	vst v0  }
0x13: {  	[tilespmem:s16+$0x9010] =	vst v1  }
0x14: {  	[tilespmem:s16+$0x5020] =	vst v0  }
0x15: {  	[tilespmem:s16+$0x9020] =	vst v1  }
0x16: {  	[tilespmem:s16+$0x5030] =	vst v0  }
0x17: {  	[tilespmem:s16+$0x9030] =	vst v1  }
0x18: {  	[tilespmem:s16+$0x5040] =	vst v0  }
0x19: {  	[tilespmem:s16+$0x9040] =	vst v1  }
.Ltmp0:
0x1a: {  	[tilespmem:s16+$0x5050] =	vst v0;
	(pc) =	sbr.rel @p0 .LBB2_2-.Ltmp0, $4  }
0x1b: {  	[tilespmem:s16+$0x9050] =	vst v1  }
0x1c: {  	[tilespmem:s16+$0x5060] =	vst v0  }
0x1d: {  	[tilespmem:s16+$0x9060] =	vst v1  }
0x1e: {  	[tilespmem:s16+$0x5070] =	vst v0;
	s16 =	sshra.s32 s17, $0x2;
	s17 =	sadd.s32 $0x200, s17  }
0x1f: {  	[tilespmem:s16+$0x9070] =	vst v1  }
0x20: {  	[tilespmem:s16+$0x5000] =	vst v0  }
0x21: {  	[tilespmem:s16+$0x9000] =	vst v1  }
0x22: {  	[tilespmem:s16+$0x5010] =	vst v0  }
0x23: {  	[tilespmem:s16+$0x9010] =	vst v1  }
0x24: {  	[tilespmem:s16+$0x5020] =	vst v0  }
0x25: {  	[tilespmem:s16+$0x9020] =	vst v1  }
0x26: {  	[tilespmem:s16+$0x5030] =	vst v0  }
0x27: {  	[tilespmem:s16+$0x9030] =	vst v1  }
0x28: {  	[tilespmem:s16+$0x5040] =	vst v0  }
0x29: {  	[tilespmem:s16+$0x9040] =	vst v1  }
0x2a: {  	[tilespmem:s16+$0x5050] =	vst v0  }
0x2b: {  	[tilespmem:s16+$0x9050] =	vst v1  }
0x2c: {  	[tilespmem:s16+$0x5060] =	vst v0  }
0x2d: {  	[tilespmem:s16+$0x9060] =	vst v1  }
0x2e: {  	[tilespmem:s16+$0x5070] =	vst v0  }
0x2f: {  	[spmem:s4] =	stream.linear.scatter [tilespmem:s10], [sflag:$0x1], $0x4000, $0x38;
	[tilespmem:$0x17000] =	vst v63  }
0x30: {  	_ =	swait.ge [sflag:s11], $0x4000  }
0x31: {  	[sflag:s11] =	ssyncset.done $0x0  }
0x32: {  	[sflag:s11] =	ssyncadd.s32 $0xFFFFC000  }
0x33: {  	[spmem:s5] =	stream.linear.scatter [tilespmem:s10], [sflag:$0x1], $0x4000, $0x38;
	[tilespmem:$0x17000] =	vst v63  }
0x34: {  	_ =	swait.ge [sflag:s11], $0x4000  }
0x35: {  	[sflag:s11] =	ssyncset.done $0x0  }
0x36: {  	[sflag:s11] =	ssyncadd.s32 $0xFFFFC000  }
0x37: {  	[spmem:s6] =	stream.linear.scatter [tilespmem:s10], [sflag:$0x1], $0x2000, $0x38;
	[tilespmem:$0x17000] =	vst v63  }
0x38: {  	_ =	swait.ge [sflag:s11], $0x2000  }
0x39: {  	[sflag:s11] =	ssyncset.done $0x0  }
0x3a: {  	s30 =	simm.s32 $0x0;
	[sflag:s11] =	ssyncadd.s32 $0xFFFFE000  }
0x3b: {  	[tilespmem:s30], [sflag:$0x1] =	stream.linear.gather [hbm4b:s9+s30], $0x5000, $0x38;
	[tilespmem:$0x17000] =	vst v63  }
0x3c: {  	_ =	swait.ge [sflag:s11], $0x5000  }
0x3d: {  	[sflag:s11] =	ssyncset.done $0x0  }
0x3e: {  	[sflag:s11] =	ssyncadd.s32 $0xFFFFB000  }
0x3f: {  	[bflag:$0x0] =	sbarrier.arrive $0xFFFF  }
0x40: {  	s31 =	simm.s32 $0x0;
	(ifvalue) =	ssetifvalue $0xFFFFFFFF  }
0x41: {  	[spmem:s2] =	stream.indirect.scatter.add.f32 [tilespmem:s13], [sflag:$0x1], $0x80, s31, s12, $0x40b8;
	[tilespmem:$0x17000] =	vst v63  }
0x42: {  	_ =	swait.ge [sflag:s11], $0x4000  }
0x43: {  	s16 =	simm.s32 $0x200;
	[sflag:s11] =	ssyncset.done $0x0  }
.LBB2_4:
0x44: {  	s17 =	sshra.s32 s16, $0x2  }
0x45: {  	(ifvalue) =	ssetifvalue $0xFFFFFFFF;
	[sflag:s11] =	ssyncadd.s32 $0xFFFFC000;
	p0 =	sne.s32 s16, $0x13E00  }
0x46: {  	[spmem:s2] =	stream.indirect.scatter.add.f32 [tilespmem:s13], [sflag:$0x1], $0x80, s17, s12, $0x40b8;
	[tilespmem:$0x17000] =	vst v63  }
.Ltmp1:
0x47: {  	_ = 	snop;
	(pc) =	sbr.rel @p0 .LBB2_4-.Ltmp1, $4  }
0x48: {  	_ = 	snop  }
0x49: {  	s16 =	sadd.s32 $0x200, s16  }
0x4a: {  	_ =	swait.ge [sflag:s11], $0x4000  }
0x4b: {  	[sflag:s11] =	ssyncset.done $0x0  }
0x4c: {  	s3 =	sadd.s32 $0x1, s3  }
0x4d: {  	[sflag:s11] =	ssyncadd.s32 $0xFFFFC000;
	p0 =	sne.s32 s3, s8  }
.Ltmp2:
0x4e: {  	[bflag:$0x0] =	sbarrier.arrive $0xFFFF;
	(pc) =	sbr.rel @p0 .LBB2_1-.Ltmp2, $4  }
0x4f: {  	[hbm:s7], [sflag:s14] =	dma.local [spmem:s15], $0x1400  }
0x50: {  	_ =	swait.ge [sflag:s11], $0x1400  }
0x51: {  	[sflag:s11] =	ssyncset.done $0x0  }
0x52: {  	[sflag:s11] =	ssyncadd.s32 $0xFFFFEC00  }
0x53: {  	_ =	sfence.sel $0x180000  }
0x54: {  	[bflag:$0x0] =	sbarrier.arrive $0xFFFF  }
0x55: {  	p0 =	sne.s32 s0, $0x0;
	_ =	strace $0x90000047  }
0x56: {  	s0 =	sadd.s32 @!p0 $0x100000, s1;
	[bflag:$0x2] =	sbarrier.arrive $0xFFFF  }
0x57: {  	[sflag:s0] =	ssyncadd.tile.s32 @!p0 $0x1;
	_ =	shalt  }
.Lfunc_end2:
_tile_overlayer_lowered:
.L_overlay_start_2:
0x58: {  	(tag) =	ssettag $0x2  }
0x59: {  	s0 =	rddreg [dreg:$0x0];
	s2 =	stileid.u32  }
0x5a: {  	s1 =	rddreg [dreg:$0x1];
	p0 =	sne.s32 s2, $0x0  }
0x5b: {  	s3 =	rddreg [dreg:$0x2];
	[bflag:$0x3] =	sbarrier.arrive $0xFFFF;
	s2 =	simm.s32 @!p0 $0x1C01  }
0x5c: {  	[timem:s3], [sflag:s2] =	dma.local @!p0 [hbm:s0], s1  }
0x5d: {  	s0 =	simm.s32 @!p0 $0x1  }
0x5e: {  	_ =	swait.ge @!p0 [sflag:s0], s1  }
0x5f: {  	s1 =	ssub.s32 @!p0 $0x0, s1;
	[sflag:s0] =	ssyncset.done @!p0 $0x0  }
0x60: {  	[sflag:s0] =	ssyncadd.s32 @!p0 s1  }
0x61: {  	[bflag:$0x3] =	sbarrier.arrive $0xFFFF  }
0x62: {  	_ =	shalt  }

</sc_bundles>
